<compile_context>
chip_gen: v7x
topology: tpu7x:2x2x1
jax: 0.10.2.dev20260603
libtpu: 0.0.44.dev20260713+nightly
codegen_flags: <defaults>
</compile_context>

<pallas_src>
import functools

import jax
import jax.numpy as jnp
from jax import lax
from jax.experimental import pallas as pl
from jax.experimental.pallas import tpu as pltpu
from jax.experimental.pallas import tpu_sc as plsc

N = 10000
E = 160000
FIN = 256
HID = 256
C = 64

NP = 10240
EP = 163840
RPT = NP // 16
BM = 512


def _sc_mesh():
    return plsc.VectorSubcoreMesh(core_axis_name="c", subcore_axis_name="s")



def _degree(dstp, zeros_np):

    @functools.partial(
        pl.kernel,
        out_type=jax.ShapeDtypeStruct((32, NP), jnp.float32),
        mesh=_sc_mesh(),
        compiler_params=pltpu.CompilerParams(needs_layout_passes=False),
        scratch_types=[
            pltpu.VMEM((NP,), jnp.float32),
            pltpu.VMEM((EP // 32 // 64, 64), jnp.int32),
        ],
    )
    def k(dst_hbm, z_hbm, out_hbm, dl, didx):
        c = lax.axis_index("c")
        s = lax.axis_index("s")
        wid = s * 2 + c
        nch = EP // 32 // 64
        pltpu.sync_copy(z_hbm, dl)
        pltpu.sync_copy(dst_hbm.at[pl.ds(wid * nch, nch)], didx)
        ones = jnp.ones((16,), jnp.float32)

        def chunk(i, carry):
            t = i // 4
            j = i % 4
            idx = didx[t, pl.ds(16 * j, 16)]
            plsc.addupdate_scatter(dl, [idx], ones)
            return carry

        lax.fori_loop(0, nch * 4, chunk, 0)
        pltpu.sync_copy(dl, out_hbm.at[wid])

    return k(dstp, zeros_np)


def _propagate(gv, src2d, dst2d, zrows, fh, nbuf, echunk, feat_split):
    PNCH = EP // 16 // echunk if feat_split else EP // 32 // echunk

    @functools.partial(
        pl.kernel,
        out_type=jax.ShapeDtypeStruct((2 * NP, fh), jnp.float32),
        mesh=_sc_mesh(),
        compiler_params=pltpu.CompilerParams(
            needs_layout_passes=False, use_tc_tiling_on_sc=(fh % 128 == 0)
        ),
        scratch_types=(
            [pltpu.VMEM((echunk, fh), jnp.float32) for _ in range(nbuf)]
            + [pltpu.VMEM((echunk,), jnp.int32) for _ in range(nbuf)]
            + [pltpu.VMEM((echunk,), jnp.int32) for _ in range(nbuf)]
            + [pltpu.SemaphoreType.DMA for _ in range(nbuf)]
            + [pltpu.SemaphoreType.DMA for _ in range(nbuf)]
            + [pltpu.SemaphoreType.DMA for _ in range(nbuf)]
            + [pltpu.SemaphoreType.DMA for _ in range(nbuf)]
            + [pltpu.VMEM_SHARED((NP, fh), jnp.float32)]
        ),
    )
    def k(g_hbm, src_hbm, dst_hbm, z_hbm, out_hbm, *rest):
        rows = rest[:nbuf]
        sidx = rest[nbuf:2 * nbuf]
        didx = rest[2 * nbuf:3 * nbuf]
        xsem = rest[3 * nbuf:4 * nbuf]
        dsem = rest[4 * nbuf:5 * nbuf]
        gsem = rest[5 * nbuf:6 * nbuf]
        ssem = rest[6 * nbuf:7 * nbuf]
        acc = rest[7 * nbuf]
        c = lax.axis_index("c")
        s = lax.axis_index("s")
        r0 = s * RPT
        pltpu.sync_copy(z_hbm, acc.at[pl.ds(r0, RPT)])
        plsc.subcore_barrier()
        cb = s * PNCH if feat_split else (c * 16 + s) * PNCH

        def xstart(j, b):
            pltpu.make_async_copy(src_hbm.at[cb + j], sidx[b], xsem[b]).start()
            pltpu.make_async_copy(dst_hbm.at[cb + j], didx[b], dsem[b]).start()

        def xwait(j, b):
            pltpu.make_async_copy(src_hbm.at[cb + j], sidx[b], xsem[b]).wait()

        def dwait(j, b):
            pltpu.make_async_copy(dst_hbm.at[cb + j], didx[b], dsem[b]).wait()

        def gstart(j, b):
            if feat_split:
                for j16 in range(echunk // 16):
                    v = sidx[b][pl.ds(16 * j16, 16)]
                    sidx[b][pl.ds(16 * j16, 16)] = v + v + c
            pltpu.make_async_copy(g_hbm.at[sidx[b]], rows[b], gsem[b]).start()

        def gwait(b):
            pltpu.make_async_copy(g_hbm.at[sidx[b]], rows[b], gsem[b]).wait()

        def swait(b):
            pltpu.make_async_copy(rows[b], acc.at[didx[b]], ssem[b]).wait()

        xstart(0, 0)
        xstart(1, 1)
        xwait(0, 0)
        gstart(0, 0)

        def step(t, carry):
            i0 = t * nbuf
            for b in range(nbuf):
                i = i0 + b
                b1 = (b + 1) % nbuf
                b2 = (b + 2) % nbuf

                @pl.when(i + 2 < PNCH)
                def _():
                    @pl.when(i + 2 - nbuf >= 0)
                    def _():
                        swait(b2)

                    xstart(i + 2, b2)

                @pl.when(i + 1 < PNCH)
                def _():
                    xwait(i + 1, b1)
                    gstart(i + 1, b1)

                gwait(b)
                dwait(i, b)
                pltpu.async_copy(rows[b], acc.at[didx[b]], ssem[b], add=True)
            return carry

        lax.fori_loop(0, PNCH // nbuf, step, 0)
        for b in range(nbuf):
            swait(b)
        plsc.subcore_barrier()
        pltpu.sync_copy(
            acc.at[pl.ds(r0, RPT)], out_hbm.at[pl.ds(c * NP + r0, RPT)]
        )

    return k(gv, src2d, dst2d, zrows)



def _matmul(xp, W):
    def body(x_ref, w_ref, o_ref):
        o_ref[...] = jnp.dot(
            x_ref[...], w_ref[...], preferred_element_type=jnp.float32
        )

    return pl.pallas_call(
        body,
        grid=(NP // BM,),
        in_specs=[
            pl.BlockSpec((BM, FIN), lambda i: (i, 0)),
            pl.BlockSpec((FIN, HID), lambda i: (0, 0)),
        ],
        out_specs=pl.BlockSpec((BM, HID), lambda i: (i, 0)),
        out_shape=jax.ShapeDtypeStruct((NP, HID), jnp.float32),
    )(xp, W)


def _scale(parts, h1):
    def body(p_ref, h_ref, g_ref, d_ref):
        deg = (jnp.sum(p_ref[...], axis=0) + 1.0)[:, None]
        d_ref[...] = deg
        g_ref[...] = h_ref[...] * lax.rsqrt(deg)

    return pl.pallas_call(
        body,
        grid=(NP // BM,),
        in_specs=[
            pl.BlockSpec((32, BM), lambda i: (0, i)),
            pl.BlockSpec((BM, HID), lambda i: (i, 0)),
        ],
        out_specs=[
            pl.BlockSpec((BM, HID), lambda i: (i, 0)),
            pl.BlockSpec((BM, 1), lambda i: (i, 0)),
        ],
        out_shape=[
            jax.ShapeDtypeStruct((NP, HID), jnp.float32),
            jax.ShapeDtypeStruct((NP, 1), jnp.float32),
        ],
    )(parts, h1)


def _layer2(acc_a, acc_b, h1, parts, W2, b1):
    def body(pa, pb, h, pr, w, b, z_ref, g_ref):
        dinv = lax.rsqrt(pr[...])
        pre = (
            jnp.concatenate([pa[...], pb[...]], axis=1) * dinv
            + (dinv * dinv) * h[...]
            + b[...]
        )
        h2 = jnp.maximum(pre, 0.0)
        z = jnp.dot(h2, w[...], preferred_element_type=jnp.float32)
        z_ref[...] = z
        g_ref[...] = z * dinv

    return pl.pallas_call(
        body,
        grid=(NP // BM,),
        in_specs=[
            pl.BlockSpec((BM, 128), lambda i: (i, 0)),
            pl.BlockSpec((BM, 128), lambda i: (i + NP // BM, 0)),
            pl.BlockSpec((BM, HID), lambda i: (i, 0)),
            pl.BlockSpec((BM, 1), lambda i: (i, 0)),
            pl.BlockSpec((HID, C), lambda i: (0, 0)),
            pl.BlockSpec((1, HID), lambda i: (0, 0)),
        ],
        out_specs=[
            pl.BlockSpec((BM, C), lambda i: (i, 0)),
            pl.BlockSpec((BM, C), lambda i: (i, 0)),
        ],
        out_shape=[
            jax.ShapeDtypeStruct((NP, C), jnp.float32),
            jax.ShapeDtypeStruct((NP, C), jnp.float32),
        ],
    )(acc_a, acc_b, h1, parts, W2, b1)


def _final(acc_a, acc_b, z, parts, b2):
    def body(pa, pb, zr, pr, b, f_ref, l_ref):
        dinv = lax.rsqrt(pr[...])
        fin = (
            (pa[...] + pb[...]) * dinv
            + (dinv * dinv) * zr[...]
            + b[...]
        )
        m = jnp.max(fin, axis=1, keepdims=True)
        lse = m + jnp.log(jnp.sum(jnp.exp(fin - m), axis=1, keepdims=True))
        f_ref[...] = fin
        l_ref[...] = fin - lse

    BMF = 2000
    return pl.pallas_call(
        body,
        grid=(N // BMF,),
        in_specs=[
            pl.BlockSpec((BMF, C), lambda i: (i, 0)),
            pl.BlockSpec((BMF, C), lambda i: (i, 0)),
            pl.BlockSpec((BMF, C), lambda i: (i, 0)),
            pl.BlockSpec((BMF, 1), lambda i: (i, 0)),
            pl.BlockSpec((1, C), lambda i: (0, 0)),
        ],
        out_specs=[
            pl.BlockSpec((BMF, C), lambda i: (i, 0)),
            pl.BlockSpec((BMF, C), lambda i: (i, 0)),
        ],
        out_shape=[
            jax.ShapeDtypeStruct((N, C), jnp.float32),
            jax.ShapeDtypeStruct((N, C), jnp.float32),
        ],
    )(acc_a, acc_b, z, parts, b2)



def kernel(x, edge_index, W1, b1, W2, b2):
    src = edge_index[0]
    dst = edge_index[1]
    pad = EP - E
    iota = jnp.arange(pad, dtype=jnp.int32)
    srcf = jnp.concatenate([src, iota % N])
    dstf = jnp.concatenate([dst, N + iota % (NP - N)])
    src64 = srcf.reshape(EP // 64, 64)
    dst64 = dstf.reshape(EP // 64, 64)
    src128 = srcf.reshape(EP // 128, 128)
    dst128 = dstf.reshape(EP // 128, 128)
    xp = jnp.pad(x, ((0, NP - N), (0, 0)))

    zeros_np = jnp.zeros((NP,), jnp.float32)
    z1 = jnp.zeros((RPT, 128), jnp.float32)
    z2 = jnp.zeros((RPT, C), jnp.float32)

    parts = _degree(dst64, zeros_np)
    h1 = _matmul(xp, W1)
    g1, deg = _scale(parts, h1)
    P1 = _propagate(g1.reshape(2 * NP, 128), src64, dst64, z1, 128, 4, 64, True)
    z, g2 = _layer2(P1, P1, h1, deg, W2, b1.reshape(1, HID))
    P2 = _propagate(g2, src128, dst128, z2, C, 4, 128, False)
    fin, lsm = _final(P2[:NP], P2[NP:], z, deg, b2.reshape(1, C))
    return fin, lsm

# --- scband reference (transcript-rebuilt; emitter-appended) ---
"""Pipeline reference for scband-gcn-90666759618858 (READ-ONLY COPY).

The authoritative reference and input builder live on the scoring server;
editing this copy changes nothing except your own understanding.
"""

import jax, jax.numpy as jnp
import numpy as np

N = 10000
E = 160000
F_IN = 256
HID = 256
C = 64


def setup_inputs(seed: int = 0) -> dict:
    key = jax.random.key(seed)
    ks = jax.random.split(key, 8)
    x = jax.random.normal(ks[0], (N, F_IN), dtype=jnp.float32)
    edge_index = jax.random.randint(ks[1], (2, E), 0, N, dtype=jnp.int32)
    # GCNConv learned params (glorot init for weights, zeros for bias)
    W1 = jax.random.normal(ks[2], (F_IN, HID), dtype=jnp.float32) * (1.0 / np.sqrt(F_IN))
    b1 = jnp.zeros((HID,), dtype=jnp.float32)
    W2 = jax.random.normal(ks[3], (HID, C), dtype=jnp.float32) * (1.0 / np.sqrt(HID))
    b2 = jnp.zeros((C,), dtype=jnp.float32)
    return {"x": x, "edge_index": edge_index, "W1": W1, "b1": b1, "W2": W2, "b2": b2}


def _gcn_conv(x, src, dst, norm, W, b, n_nodes):
    # x' = D^{-1/2} (A + I) D^{-1/2} (x W) + b
    h = x @ W
    msg = jnp.take(h, src, axis=0) * norm[:, None]
    out = jnp.zeros((n_nodes, W.shape[1]), dtype=h.dtype).at[dst].add(msg)
    return out + b


def reference(x, edge_index, W1, b1, W2, b2):
    n = x.shape[0]
    src = edge_index[0]
    dst = edge_index[1]
    # add self-loops (gcn_norm, improved=False -> fill value 1.0)
    loop = jnp.arange(n, dtype=src.dtype)
    src = jnp.concatenate([src, loop])
    dst = jnp.concatenate([dst, loop])
    ew = jnp.ones(src.shape[0], dtype=jnp.float32)
    deg = jnp.zeros((n,), dtype=jnp.float32).at[dst].add(ew)
    dinv = jnp.where(deg > 0, 1.0 / jnp.sqrt(deg), 0.0)
    norm = dinv[src] * ew * dinv[dst]
    # layer 1 + relu (dropout is identity in eval mode)
    h = jax.nn.relu(_gcn_conv(x, src, dst, norm, W1, b1, n))
    # layer 2
    final = _gcn_conv(h, src, dst, norm, W2, b2, n)
    return (final, jax.nn.log_softmax(final, axis=1))

if __name__ == "__main__":
    import jax
    _d = setup_inputs()
    print(jax.jit(kernel)(*tuple(_d.values())))

</pallas_src>

<mosaic_0001>
#map = affine_map<(d0, d1) -> (0, 0)>
#map1 = affine_map<(d0, d1) -> (0)>
module attributes {stable_mosaic.version = 14 : i64} {
  func.func @k(%arg0: i32, %arg1: i32, %arg2: memref<2560x64xi32, #tpu.memory_space<hbm>>, %arg3: memref<10240xf32, #tpu.memory_space<hbm>>, %arg4: memref<32x10240xf32, #tpu.memory_space<hbm>>, %arg5: memref<10240xf32, #tpu.memory_space<vmem>>, %arg6: memref<80x64xi32, #tpu.memory_space<vmem>>) attributes {dimension_semantics = [#tpu.dimension_semantics<core_parallel>, #tpu.dimension_semantics<subcore_parallel>], iteration_bounds = array<i64: 2, 16>, scalar_prefetch = 0 : i64, scratch_operands = 2 : i64, tpu.core_type = #tpu.core_type<sc_vector_subcore>, window_params = [{transform_indices = #map}, {transform_indices = #map1}, {transform_indices = #map}]} {
    %mul3A = arith.constant 2 : i32
    %mul3A_0 = arith.muli %arg1, %mul3A : i32
    %add3A = arith.addi %mul3A_0, %arg0 : i32
    "tpu.region"() ({
      %run_scoped3A = tpu.sem_alloc : memref<!tpu.dma_semaphore, #tpu.memory_space<semaphore_mem>>
      tpu.enqueue_dma source(%arg3 : memref<10240xf32, #tpu.memory_space<hbm>>) target(%arg5 : memref<10240xf32, #tpu.memory_space<vmem>>) target_semaphore(%run_scoped3A : memref<!tpu.dma_semaphore, #tpu.memory_space<semaphore_mem>>)
      tpu.wait_dma2 semaphore(%run_scoped3A : memref<!tpu.dma_semaphore, #tpu.memory_space<semaphore_mem>>) src(%arg3 : memref<10240xf32, #tpu.memory_space<hbm>>) dst(%arg5 : memref<10240xf32, #tpu.memory_space<vmem>>)
      tpu.yield
    }) : () -> ()
    %mul3A_1 = arith.constant 80 : i32
    %mul3A_2 = arith.muli %add3A, %mul3A_1 : i32
    "tpu.region"() ({
      %run_scoped3A = tpu.sem_alloc : memref<!tpu.dma_semaphore, #tpu.memory_space<semaphore_mem>>
      %dma_start3A = arith.constant 0 : i32
      %dma_start3A_9 = tpu.memref_slice %arg2[%mul3A_2, %dma_start3A] : memref<2560x64xi32, #tpu.memory_space<hbm>> -> memref<80x64xi32, #tpu.memory_space<hbm>>
      %dma_start3A_10 = arith.constant 0 : i32
      %dma_start3A_11 = tpu.memref_slice %arg2[%mul3A_2, %dma_start3A_10] : memref<2560x64xi32, #tpu.memory_space<hbm>> -> memref<80x64xi32, #tpu.memory_space<hbm>>
      tpu.enqueue_dma source(%dma_start3A_11 : memref<80x64xi32, #tpu.memory_space<hbm>>) target(%arg6 : memref<80x64xi32, #tpu.memory_space<vmem>>) target_semaphore(%run_scoped3A : memref<!tpu.dma_semaphore, #tpu.memory_space<semaphore_mem>>)
      %dma_wait3A = arith.constant 0 : i32
      %dma_wait3A_12 = tpu.memref_slice %arg2[%mul3A_2, %dma_wait3A] : memref<2560x64xi32, #tpu.memory_space<hbm>> -> memref<80x64xi32, #tpu.memory_space<hbm>>
      %dma_wait3A_13 = arith.constant 0 : i32
      %dma_wait3A_14 = tpu.memref_slice %arg2[%mul3A_2, %dma_wait3A_13] : memref<2560x64xi32, #tpu.memory_space<hbm>> -> memref<80x64xi32, #tpu.memory_space<hbm>>
      tpu.wait_dma2 semaphore(%run_scoped3A : memref<!tpu.dma_semaphore, #tpu.memory_space<semaphore_mem>>) src(%dma_wait3A_14 : memref<80x64xi32, #tpu.memory_space<hbm>>) dst(%arg6 : memref<80x64xi32, #tpu.memory_space<vmem>>)
      tpu.yield
    }) : () -> ()
    %broadcast_in_dim3A = arith.constant 1.000000e+00 : f32
    %broadcast_in_dim3A_3 = vector.broadcast %broadcast_in_dim3A : f32 to vector<16xf32>
    %scan3A = arith.constant 0 : i32
    %scan3A_4 = arith.constant 0 : i32
    %scan3A_5 = arith.constant 320 : i32
    %scan3A_6 = arith.addi %scan3A_4, %scan3A_5 : i32
    %scan3A_7 = arith.constant 1 : i32
    scf.for %scan3A_9 = %scan3A_4 to %scan3A_6 step %scan3A_7  : i32 {
      %jit3A = arith.constant 4 : i32
      %div3A = arith.divsi %scan3A_9, %jit3A : i32
      %sign3A = arith.constant 0 : i32
      %sign3A_10 = arith.cmpi sgt, %scan3A_9, %sign3A : i32
      %sign3A_11 = arith.extui %sign3A_10 : i1 to i32
      %sign3A_12 = arith.constant 0 : i32
      %sign3A_13 = arith.cmpi slt, %scan3A_9, %sign3A_12 : i32
      %sign3A_14 = arith.extui %sign3A_13 : i1 to i32
      %sign3A_15 = arith.subi %sign3A_11, %sign3A_14 : i32
      %sign3A_16 = arith.constant 0 : i32
      %sign3A_17 = arith.cmpi sgt, %jit3A, %sign3A_16 : i32
      %sign3A_18 = arith.extui %sign3A_17 : i1 to i32
      %sign3A_19 = arith.constant 0 : i32
      %sign3A_20 = arith.cmpi slt, %jit3A, %sign3A_19 : i32
      %sign3A_21 = arith.extui %sign3A_20 : i1 to i32
      %sign3A_22 = arith.subi %sign3A_18, %sign3A_21 : i32
      %ne3A = arith.cmpi ne, %sign3A_15, %sign3A_22 : i32
      %rem3A = arith.remsi %scan3A_9, %jit3A : i32
      %ne3A_23 = arith.constant 0 : i32
      %ne3A_24 = arith.cmpi ne, %rem3A, %ne3A_23 : i32
      %and3A = arith.andi %ne3A, %ne3A_24 : i1
      %sub3A = arith.constant 1 : i32
      %sub3A_25 = arith.subi %div3A, %sub3A : i32
      %select_n3A = arith.select %and3A, %sub3A_25, %div3A : i32
      %jit3A_26 = arith.constant 4 : i32
      %eq3A = arith.constant 0 : i32
      %eq3A_27 = arith.cmpi eq, %jit3A_26, %eq3A : i32
      %jit3A_28 = arith.constant 1 : i32
      %select_n3A_29 = arith.select %eq3A_27, %jit3A_28, %jit3A_26 : i32
      %rem3A_30 = arith.remsi %scan3A_9, %select_n3A_29 : i32
      %ne3A_31 = arith.constant 0 : i32
      %ne3A_32 = arith.cmpi ne, %rem3A_30, %ne3A_31 : i32
      %lt3A = arith.constant 0 : i32
      %lt3A_33 = arith.cmpi slt, %rem3A_30, %lt3A : i32
      %lt3A_34 = arith.constant 0 : i32
      %lt3A_35 = arith.cmpi slt, %select_n3A_29, %lt3A_34 : i32
      %ne3A_36 = arith.xori %lt3A_33, %lt3A_35 : i1
      %and3A_37 = arith.andi %ne3A_36, %ne3A_32 : i1
      %add3A_38 = arith.addi %rem3A_30, %select_n3A_29 : i32
      %select_n3A_39 = arith.select %and3A_37, %add3A_38, %rem3A_30 : i32
      %mul3A_40 = arith.constant 16 : i32
      %mul3A_41 = arith.muli %mul3A_40, %select_n3A_39 : i32
      %get3A = arith.index_cast %select_n3A : i32 to index
      %get3A_42 = arith.index_cast %mul3A_41 : i32 to index
      %get3A_43 = tpu.vector_load %arg6[%get3A, %get3A_42] {strides = array<i32>} : memref<80x64xi32, #tpu.memory_space<vmem>>, vector<16xi32>,
      tpu.vector_store_idx %arg5[%get3A_43], %broadcast_in_dim3A_3 {add = true} : memref<10240xf32, #tpu.memory_space<vmem>>[vector<16xi32>], vector<16xf32>,
    }
    %scan3A_8 = arith.constant 320 : i32
    "tpu.region"() ({
      %run_scoped3A = tpu.sem_alloc : memref<!tpu.dma_semaphore, #tpu.memory_space<semaphore_mem>>
      %dma_start3A = arith.constant 0 : i32
      %dma_start3A_9 = tpu.memref_slice %arg4[%add3A, %dma_start3A] : memref<32x10240xf32, #tpu.memory_space<hbm>> -> memref<1x10240xf32, #tpu.memory_space<hbm>>
      %dma_start3A_10 = tpu.memref_squeeze %dma_start3A_9 : memref<1x10240xf32, #tpu.memory_space<hbm>> -> memref<10240xf32, #tpu.memory_space<hbm>>
      %dma_start3A_11 = arith.constant 0 : i32
      %dma_start3A_12 = tpu.memref_slice %arg4[%add3A, %dma_start3A_11] : memref<32x10240xf32, #tpu.memory_space<hbm>> -> memref<1x10240xf32, #tpu.memory_space<hbm>>
      %dma_start3A_13 = tpu.memref_squeeze %dma_start3A_12 : memref<1x10240xf32, #tpu.memory_space<hbm>> -> memref<10240xf32, #tpu.memory_space<hbm>>
      tpu.enqueue_dma source(%arg5 : memref<10240xf32, #tpu.memory_space<vmem>>) target(%dma_start3A_13 : memref<10240xf32, #tpu.memory_space<hbm>>) target_semaphore(%run_scoped3A : memref<!tpu.dma_semaphore, #tpu.memory_space<semaphore_mem>>)
      %dma_wait3A = arith.constant 0 : i32
      %dma_wait3A_14 = tpu.memref_slice %arg4[%add3A, %dma_wait3A] : memref<32x10240xf32, #tpu.memory_space<hbm>> -> memref<1x10240xf32, #tpu.memory_space<hbm>>
      %dma_wait3A_15 = tpu.memref_squeeze %dma_wait3A_14 : memref<1x10240xf32, #tpu.memory_space<hbm>> -> memref<10240xf32, #tpu.memory_space<hbm>>
      %dma_wait3A_16 = arith.constant 0 : i32
      %dma_wait3A_17 = tpu.memref_slice %arg4[%add3A, %dma_wait3A_16] : memref<32x10240xf32, #tpu.memory_space<hbm>> -> memref<1x10240xf32, #tpu.memory_space<hbm>>
      %dma_wait3A_18 = tpu.memref_squeeze %dma_wait3A_17 : memref<1x10240xf32, #tpu.memory_space<hbm>> -> memref<10240xf32, #tpu.memory_space<hbm>>
      tpu.wait_dma2 semaphore(%run_scoped3A : memref<!tpu.dma_semaphore, #tpu.memory_space<semaphore_mem>>) src(%arg5 : memref<10240xf32, #tpu.memory_space<vmem>>) dst(%dma_wait3A_18 : memref<10240xf32, #tpu.memory_space<hbm>>)
      tpu.yield
    }) : () -> ()
    return
  }
}

#map = affine_map<(d0, d1) -> (0, 0)>
module attributes {stable_mosaic.version = 14 : i64} {
  func.func @k(%arg0: i32, %arg1: i32, %arg2: memref<10240x64xf32, #tpu.memory_space<hbm>>, %arg3: memref<1280x128xi32, #tpu.memory_space<hbm>>, %arg4: memref<1280x128xi32, #tpu.memory_space<hbm>>, %arg5: memref<640x64xf32, #tpu.memory_space<hbm>>, %arg6: memref<20480x64xf32, #tpu.memory_space<hbm>>, %arg7: memref<128x64xf32, #tpu.memory_space<vmem>>, %arg8: memref<128x64xf32, #tpu.memory_space<vmem>>, %arg9: memref<128x64xf32, #tpu.memory_space<vmem>>, %arg10: memref<128x64xf32, #tpu.memory_space<vmem>>, %arg11: memref<128xi32, #tpu.memory_space<vmem>>, %arg12: memref<128xi32, #tpu.memory_space<vmem>>, %arg13: memref<128xi32, #tpu.memory_space<vmem>>, %arg14: memref<128xi32, #tpu.memory_space<vmem>>, %arg15: memref<128xi32, #tpu.memory_space<vmem>>, %arg16: memref<128xi32, #tpu.memory_space<vmem>>, %arg17: memref<128xi32, #tpu.memory_space<vmem>>, %arg18: memref<128xi32, #tpu.memory_space<vmem>>, %arg19: memref<!tpu.dma_semaphore, #tpu.memory_space<semaphore_mem>>, %arg20: memref<!tpu.dma_semaphore, #tpu.memory_space<semaphore_mem>>, %arg21: memref<!tpu.dma_semaphore, #tpu.memory_space<semaphore_mem>>, %arg22: memref<!tpu.dma_semaphore, #tpu.memory_space<semaphore_mem>>, %arg23: memref<!tpu.dma_semaphore, #tpu.memory_space<semaphore_mem>>, %arg24: memref<!tpu.dma_semaphore, #tpu.memory_space<semaphore_mem>>, %arg25: memref<!tpu.dma_semaphore, #tpu.memory_space<semaphore_mem>>, %arg26: memref<!tpu.dma_semaphore, #tpu.memory_space<semaphore_mem>>, %arg27: memref<!tpu.dma_semaphore, #tpu.memory_space<semaphore_mem>>, %arg28: memref<!tpu.dma_semaphore, #tpu.memory_space<semaphore_mem>>, %arg29: memref<!tpu.dma_semaphore, #tpu.memory_space<semaphore_mem>>, %arg30: memref<!tpu.dma_semaphore, #tpu.memory_space<semaphore_mem>>, %arg31: memref<!tpu.dma_semaphore, #tpu.memory_space<semaphore_mem>>, %arg32: memref<!tpu.dma_semaphore, #tpu.memory_space<semaphore_mem>>, %arg33: memref<!tpu.dma_semaphore, #tpu.memory_space<semaphore_mem>>, %arg34: memref<!tpu.dma_semaphore, #tpu.memory_space<semaphore_mem>>, %arg35: memref<10240x64xf32, #tpu.memory_space<vmem_shared>>) attributes {dimension_semantics = [#tpu.dimension_semantics<core_parallel>, #tpu.dimension_semantics<subcore_parallel>], iteration_bounds = array<i64: 2, 16>, scalar_prefetch = 0 : i64, scratch_operands = 29 : i64, tpu.core_type = #tpu.core_type<sc_vector_subcore>, window_params = [{transform_indices = #map}, {transform_indices = #map}, {transform_indices = #map}, {transform_indices = #map}, {transform_indices = #map}]} {
    %mul3A = arith.constant 640 : i32
    %mul3A_0 = arith.muli %arg1, %mul3A : i32
    "tpu.region"() ({
      %run_scoped3A = tpu.sem_alloc : memref<!tpu.dma_semaphore, #tpu.memory_space<semaphore_mem>>
      %dma_start3A_67 = arith.constant 0 : i32
      %dma_start3A_68 = tpu.memref_slice %arg35[%mul3A_0, %dma_start3A_67] : memref<10240x64xf32, #tpu.memory_space<vmem_shared>> -> memref<640x64xf32, #tpu.memory_space<vmem_shared>>
      tpu.enqueue_dma source(%arg5 : memref<640x64xf32, #tpu.memory_space<hbm>>) target(%dma_start3A_68 : memref<640x64xf32, #tpu.memory_space<vmem_shared>>) target_semaphore(%run_scoped3A : memref<!tpu.dma_semaphore, #tpu.memory_space<semaphore_mem>>)
      %dma_wait3A_69 = arith.constant 0 : i32
      %dma_wait3A_70 = tpu.memref_slice %arg35[%mul3A_0, %dma_wait3A_69] : memref<10240x64xf32, #tpu.memory_space<vmem_shared>> -> memref<640x64xf32, #tpu.memory_space<vmem_shared>>
      tpu.wait_dma2 semaphore(%run_scoped3A : memref<!tpu.dma_semaphore, #tpu.memory_space<semaphore_mem>>) src(%arg5 : memref<640x64xf32, #tpu.memory_space<hbm>>) dst(%dma_wait3A_70 : memref<640x64xf32, #tpu.memory_space<vmem_shared>>)
      tpu.yield
    }) : () -> ()
    %barrier3A = arith.constant 0 : index
    tpu.barrier barrier_id(%barrier3A)
    %mul3A_1 = arith.constant 16 : i32
    %mul3A_2 = arith.muli %arg0, %mul3A_1 : i32
    %add3A = arith.addi %mul3A_2, %arg1 : i32
    %mul3A_3 = arith.constant 40 : i32
    %mul3A_4 = arith.muli %add3A, %mul3A_3 : i32
    %add3A_5 = arith.constant 0 : i32
    %add3A_6 = arith.addi %mul3A_4, %add3A_5 : i32
    %dma_start3A = arith.constant 0 : i32
    %dma_start3A_7 = tpu.memref_slice %arg3[%add3A_6, %dma_start3A] : memref<1280x128xi32, #tpu.memory_space<hbm>> -> memref<1x128xi32, #tpu.memory_space<hbm>>
    %dma_start3A_8 = tpu.memref_squeeze %dma_start3A_7 : memref<1x128xi32, #tpu.memory_space<hbm>> -> memref<128xi32, #tpu.memory_space<hbm>>
    %dma_start3A_9 = arith.constant 0 : i32
    %dma_start3A_10 = tpu.memref_slice %arg3[%add3A_6, %dma_start3A_9] : memref<1280x128xi32, #tpu.memory_space<hbm>> -> memref<1x128xi32, #tpu.memory_space<hbm>>
    %dma_start3A_11 = tpu.memref_squeeze %dma_start3A_10 : memref<1x128xi32, #tpu.memory_space<hbm>> -> memref<128xi32, #tpu.memory_space<hbm>>
    tpu.enqueue_dma source(%dma_start3A_11 : memref<128xi32, #tpu.memory_space<hbm>>) target(%arg11 : memref<128xi32, #tpu.memory_space<vmem>>) target_semaphore(%arg19 : memref<!tpu.dma_semaphore, #tpu.memory_space<semaphore_mem>>)
    %add3A_12 = arith.constant 0 : i32
    %add3A_13 = arith.addi %mul3A_4, %add3A_12 : i32
    %dma_start3A_14 = arith.constant 0 : i32
    %dma_start3A_15 = tpu.memref_slice %arg4[%add3A_13, %dma_start3A_14] : memref<1280x128xi32, #tpu.memory_space<hbm>> -> memref<1x128xi32, #tpu.memory_space<hbm>>
    %dma_start3A_16 = tpu.memref_squeeze %dma_start3A_15 : memref<1x128xi32, #tpu.memory_space<hbm>> -> memref<128xi32, #tpu.memory_space<hbm>>
    %dma_start3A_17 = arith.constant 0 : i32
    %dma_start3A_18 = tpu.memref_slice %arg4[%add3A_13, %dma_start3A_17] : memref<1280x128xi32, #tpu.memory_space<hbm>> -> memref<1x128xi32, #tpu.memory_space<hbm>>
    %dma_start3A_19 = tpu.memref_squeeze %dma_start3A_18 : memref<1x128xi32, #tpu.memory_space<hbm>> -> memref<128xi32, #tpu.memory_space<hbm>>
    tpu.enqueue_dma source(%dma_start3A_19 : memref<128xi32, #tpu.memory_space<hbm>>) target(%arg15 : memref<128xi32, #tpu.memory_space<vmem>>) target_semaphore(%arg23 : memref<!tpu.dma_semaphore, #tpu.memory_space<semaphore_mem>>)
    %add3A_20 = arith.constant 1 : i32
    %add3A_21 = arith.addi %mul3A_4, %add3A_20 : i32
    %dma_start3A_22 = arith.constant 0 : i32
    %dma_start3A_23 = tpu.memref_slice %arg3[%add3A_21, %dma_start3A_22] : memref<1280x128xi32, #tpu.memory_space<hbm>> -> memref<1x128xi32, #tpu.memory_space<hbm>>
    %dma_start3A_24 = tpu.memref_squeeze %dma_start3A_23 : memref<1x128xi32, #tpu.memory_space<hbm>> -> memref<128xi32, #tpu.memory_space<hbm>>
    %dma_start3A_25 = arith.constant 0 : i32
    %dma_start3A_26 = tpu.memref_slice %arg3[%add3A_21, %dma_start3A_25] : memref<1280x128xi32, #tpu.memory_space<hbm>> -> memref<1x128xi32, #tpu.memory_space<hbm>>
    %dma_start3A_27 = tpu.memref_squeeze %dma_start3A_26 : memref<1x128xi32, #tpu.memory_space<hbm>> -> memref<128xi32, #tpu.memory_space<hbm>>
    tpu.enqueue_dma source(%dma_start3A_27 : memref<128xi32, #tpu.memory_space<hbm>>) target(%arg12 : memref<128xi32, #tpu.memory_space<vmem>>) target_semaphore(%arg20 : memref<!tpu.dma_semaphore, #tpu.memory_space<semaphore_mem>>)
    %add3A_28 = arith.constant 1 : i32
    %add3A_29 = arith.addi %mul3A_4, %add3A_28 : i32
    %dma_start3A_30 = arith.constant 0 : i32
    %dma_start3A_31 = tpu.memref_slice %arg4[%add3A_29, %dma_start3A_30] : memref<1280x128xi32, #tpu.memory_space<hbm>> -> memref<1x128xi32, #tpu.memory_space<hbm>>
    %dma_start3A_32 = tpu.memref_squeeze %dma_start3A_31 : memref<1x128xi32, #tpu.memory_space<hbm>> -> memref<128xi32, #tpu.memory_space<hbm>>
    %dma_start3A_33 = arith.constant 0 : i32
    %dma_start3A_34 = tpu.memref_slice %arg4[%add3A_29, %dma_start3A_33] : memref<1280x128xi32, #tpu.memory_space<hbm>> -> memref<1x128xi32, #tpu.memory_space<hbm>>
    %dma_start3A_35 = tpu.memref_squeeze %dma_start3A_34 : memref<1x128xi32, #tpu.memory_space<hbm>> -> memref<128xi32, #tpu.memory_space<hbm>>
    tpu.enqueue_dma source(%dma_start3A_35 : memref<128xi32, #tpu.memory_space<hbm>>) target(%arg16 : memref<128xi32, #tpu.memory_space<vmem>>) target_semaphore(%arg24 : memref<!tpu.dma_semaphore, #tpu.memory_space<semaphore_mem>>)
    %add3A_36 = arith.constant 0 : i32
    %add3A_37 = arith.addi %mul3A_4, %add3A_36 : i32
    %dma_wait3A = arith.constant 0 : i32
    %dma_wait3A_38 = tpu.memref_slice %arg3[%add3A_37, %dma_wait3A] : memref<1280x128xi32, #tpu.memory_space<hbm>> -> memref<1x128xi32, #tpu.memory_space<hbm>>
    %dma_wait3A_39 = tpu.memref_squeeze %dma_wait3A_38 : memref<1x128xi32, #tpu.memory_space<hbm>> -> memref<128xi32, #tpu.memory_space<hbm>>
    %dma_wait3A_40 = arith.constant 0 : i32
    %dma_wait3A_41 = tpu.memref_slice %arg3[%add3A_37, %dma_wait3A_40] : memref<1280x128xi32, #tpu.memory_space<hbm>> -> memref<1x128xi32, #tpu.memory_space<hbm>>
    %dma_wait3A_42 = tpu.memref_squeeze %dma_wait3A_41 : memref<1x128xi32, #tpu.memory_space<hbm>> -> memref<128xi32, #tpu.memory_space<hbm>>
    tpu.wait_dma2 semaphore(%arg19 : memref<!tpu.dma_semaphore, #tpu.memory_space<semaphore_mem>>) src(%dma_wait3A_42 : memref<128xi32, #tpu.memory_space<hbm>>) dst(%arg11 : memref<128xi32, #tpu.memory_space<vmem>>)
    %dma_start3A_43 = arith.constant 0 : i32
    %dma_start3A_44 = arith.constant 0 : i32
    %dma_start3A_45 = tpu.memref_slice %arg2[%dma_start3A_43, %dma_start3A_44] : memref<10240x64xf32, #tpu.memory_space<hbm>> -> memref<10240x64xf32, #tpu.memory_space<hbm>>
    tpu.enqueue_indirect_dma source(%dma_start3A_45 : memref<10240x64xf32, #tpu.memory_space<hbm>>) target(%arg7 : memref<128x64xf32, #tpu.memory_space<vmem>>) offsets(%arg11 : memref<128xi32, #tpu.memory_space<vmem>>) semaphore(%arg27 : memref<!tpu.dma_semaphore, #tpu.memory_space<semaphore_mem>>)
    %scan3A = arith.constant 0 : i32
    %scan3A_46 = arith.constant 0 : i32
    %scan3A_47 = arith.constant 10 : i32
    %scan3A_48 = arith.addi %scan3A_46, %scan3A_47 : i32
    %scan3A_49 = arith.constant 1 : i32
    scf.for %scan3A_67 = %scan3A_46 to %scan3A_48 step %scan3A_49  : i32 {
      %mul3A_68 = arith.constant 4 : i32
      %mul3A_69 = arith.muli %scan3A_67, %mul3A_68 : i32
      %add3A_70 = arith.constant 0 : i32
      %add3A_71 = arith.addi %mul3A_69, %add3A_70 : i32
      %add3A_72 = arith.constant 2 : i32
      %add3A_73 = arith.addi %add3A_71, %add3A_72 : i32
      %lt3A = arith.constant 40 : i32
      %lt3A_74 = arith.cmpi slt, %add3A_73, %lt3A : i32
      %convert_element_type3A = arith.extui %lt3A_74 : i1 to i32
      %cond3A = arith.constant 0 : i32
      %cond3A_75 = arith.cmpi ne, %convert_element_type3A, %cond3A : i32
      scf.if %cond3A_75 {
        %add3A_183 = arith.constant 2 : i32
        %add3A_184 = arith.addi %add3A_71, %add3A_183 : i32
        %sub3A = arith.constant 4 : i32
        %sub3A_185 = arith.subi %add3A_184, %sub3A : i32
        %ge3A = arith.constant 0 : i32
        %ge3A_186 = arith.cmpi sge, %sub3A_185, %ge3A : i32
        %convert_element_type3A_187 = arith.extui %ge3A_186 : i1 to i32
        %cond3A_188 = arith.constant 0 : i32
        %cond3A_189 = arith.cmpi ne, %convert_element_type3A_187, %cond3A_188 : i32
        scf.if %cond3A_189 {
          %dma_wait3A_206 = arith.constant 0 : i32
          %dma_wait3A_207 = arith.constant 0 : i32
          %dma_wait3A_208 = tpu.memref_slice %arg35[%dma_wait3A_206, %dma_wait3A_207] : memref<10240x64xf32, #tpu.memory_space<vmem_shared>> -> memref<10240x64xf32, #tpu.memory_space<vmem_shared>>
          tpu.wait_indirect_dma semaphore(%arg33 : memref<!tpu.dma_semaphore, #tpu.memory_space<semaphore_mem>>) src(%arg9 : memref<128x64xf32, #tpu.memory_space<vmem>>) dst(%dma_wait3A_208 : memref<10240x64xf32, #tpu.memory_space<vmem_shared>>)
        } else {
        }
        %add3A_190 = arith.constant 2 : i32
        %add3A_191 = arith.addi %add3A_71, %add3A_190 : i32
        %add3A_192 = arith.addi %mul3A_4, %add3A_191 : i32
        %dma_start3A_193 = arith.constant 0 : i32
        %dma_start3A_194 = tpu.memref_slice %arg3[%add3A_192, %dma_start3A_193] : memref<1280x128xi32, #tpu.memory_space<hbm>> -> memref<1x128xi32, #tpu.memory_space<hbm>>
        %dma_start3A_195 = tpu.memref_squeeze %dma_start3A_194 : memref<1x128xi32, #tpu.memory_space<hbm>> -> memref<128xi32, #tpu.memory_space<hbm>>
        %dma_start3A_196 = arith.constant 0 : i32
        %dma_start3A_197 = tpu.memref_slice %arg3[%add3A_192, %dma_start3A_196] : memref<1280x128xi32, #tpu.memory_space<hbm>> -> memref<1x128xi32, #tpu.memory_space<hbm>>
        %dma_start3A_198 = tpu.memref_squeeze %dma_start3A_197 : memref<1x128xi32, #tpu.memory_space<hbm>> -> memref<128xi32, #tpu.memory_space<hbm>>
        tpu.enqueue_dma source(%dma_start3A_198 : memref<128xi32, #tpu.memory_space<hbm>>) target(%arg13 : memref<128xi32, #tpu.memory_space<vmem>>) target_semaphore(%arg21 : memref<!tpu.dma_semaphore, #tpu.memory_space<semaphore_mem>>)
        %add3A_199 = arith.addi %mul3A_4, %add3A_191 : i32
        %dma_start3A_200 = arith.constant 0 : i32
        %dma_start3A_201 = tpu.memref_slice %arg4[%add3A_199, %dma_start3A_200] : memref<1280x128xi32, #tpu.memory_space<hbm>> -> memref<1x128xi32, #tpu.memory_space<hbm>>
        %dma_start3A_202 = tpu.memref_squeeze %dma_start3A_201 : memref<1x128xi32, #tpu.memory_space<hbm>> -> memref<128xi32, #tpu.memory_space<hbm>>
        %dma_start3A_203 = arith.constant 0 : i32
        %dma_start3A_204 = tpu.memref_slice %arg4[%add3A_199, %dma_start3A_203] : memref<1280x128xi32, #tpu.memory_space<hbm>> -> memref<1x128xi32, #tpu.memory_space<hbm>>
        %dma_start3A_205 = tpu.memref_squeeze %dma_start3A_204 : memref<1x128xi32, #tpu.memory_space<hbm>> -> memref<128xi32, #tpu.memory_space<hbm>>
        tpu.enqueue_dma source(%dma_start3A_205 : memref<128xi32, #tpu.memory_space<hbm>>) target(%arg17 : memref<128xi32, #tpu.memory_space<vmem>>) target_semaphore(%arg25 : memref<!tpu.dma_semaphore, #tpu.memory_space<semaphore_mem>>)
      } else {
      }
      %add3A_76 = arith.constant 1 : i32
      %add3A_77 = arith.addi %add3A_71, %add3A_76 : i32
      %lt3A_78 = arith.constant 40 : i32
      %lt3A_79 = arith.cmpi slt, %add3A_77, %lt3A_78 : i32
      %convert_element_type3A_80 = arith.extui %lt3A_79 : i1 to i32
      %cond3A_81 = arith.constant 0 : i32
      %cond3A_82 = arith.cmpi ne, %convert_element_type3A_80, %cond3A_81 : i32
      scf.if %cond3A_82 {
        %add3A_183 = arith.constant 1 : i32
        %add3A_184 = arith.addi %add3A_71, %add3A_183 : i32
        %add3A_185 = arith.addi %mul3A_4, %add3A_184 : i32
        %dma_wait3A_186 = arith.constant 0 : i32
        %dma_wait3A_187 = tpu.memref_slice %arg3[%add3A_185, %dma_wait3A_186] : memref<1280x128xi32, #tpu.memory_space<hbm>> -> memref<1x128xi32, #tpu.memory_space<hbm>>
        %dma_wait3A_188 = tpu.memref_squeeze %dma_wait3A_187 : memref<1x128xi32, #tpu.memory_space<hbm>> -> memref<128xi32, #tpu.memory_space<hbm>>
        %dma_wait3A_189 = arith.constant 0 : i32
        %dma_wait3A_190 = tpu.memref_slice %arg3[%add3A_185, %dma_wait3A_189] : memref<1280x128xi32, #tpu.memory_space<hbm>> -> memref<1x128xi32, #tpu.memory_space<hbm>>
        %dma_wait3A_191 = tpu.memref_squeeze %dma_wait3A_190 : memref<1x128xi32, #tpu.memory_space<hbm>> -> memref<128xi32, #tpu.memory_space<hbm>>
        tpu.wait_dma2 semaphore(%arg20 : memref<!tpu.dma_semaphore, #tpu.memory_space<semaphore_mem>>) src(%dma_wait3A_191 : memref<128xi32, #tpu.memory_space<hbm>>) dst(%arg12 : memref<128xi32, #tpu.memory_space<vmem>>)
        %add3A_192 = arith.constant 1 : i32
        %add3A_193 = arith.addi %add3A_71, %add3A_192 : i32
        %dma_start3A_194 = arith.constant 0 : i32
        %dma_start3A_195 = arith.constant 0 : i32
        %dma_start3A_196 = tpu.memref_slice %arg2[%dma_start3A_194, %dma_start3A_195] : memref<10240x64xf32, #tpu.memory_space<hbm>> -> memref<10240x64xf32, #tpu.memory_space<hbm>>
        tpu.enqueue_indirect_dma source(%dma_start3A_196 : memref<10240x64xf32, #tpu.memory_space<hbm>>) target(%arg8 : memref<128x64xf32, #tpu.memory_space<vmem>>) offsets(%arg12 : memref<128xi32, #tpu.memory_space<vmem>>) semaphore(%arg28 : memref<!tpu.dma_semaphore, #tpu.memory_space<semaphore_mem>>)
      } else {
      }
      %dma_wait3A_83 = arith.constant 0 : i32
      %dma_wait3A_84 = arith.constant 0 : i32
      %dma_wait3A_85 = tpu.memref_slice %arg2[%dma_wait3A_83, %dma_wait3A_84] : memref<10240x64xf32, #tpu.memory_space<hbm>> -> memref<10240x64xf32, #tpu.memory_space<hbm>>
      tpu.wait_indirect_dma semaphore(%arg27 : memref<!tpu.dma_semaphore, #tpu.memory_space<semaphore_mem>>) src(%dma_wait3A_85 : memref<10240x64xf32, #tpu.memory_space<hbm>>) dst(%arg7 : memref<128x64xf32, #tpu.memory_space<vmem>>)
      %add3A_86 = arith.addi %mul3A_4, %add3A_71 : i32
      %dma_wait3A_87 = arith.constant 0 : i32
      %dma_wait3A_88 = tpu.memref_slice %arg4[%add3A_86, %dma_wait3A_87] : memref<1280x128xi32, #tpu.memory_space<hbm>> -> memref<1x128xi32, #tpu.memory_space<hbm>>
      %dma_wait3A_89 = tpu.memref_squeeze %dma_wait3A_88 : memref<1x128xi32, #tpu.memory_space<hbm>> -> memref<128xi32, #tpu.memory_space<hbm>>
      %dma_wait3A_90 = arith.constant 0 : i32
      %dma_wait3A_91 = tpu.memref_slice %arg4[%add3A_86, %dma_wait3A_90] : memref<1280x128xi32, #tpu.memory_space<hbm>> -> memref<1x128xi32, #tpu.memory_space<hbm>>
      %dma_wait3A_92 = tpu.memref_squeeze %dma_wait3A_91 : memref<1x128xi32, #tpu.memory_space<hbm>> -> memref<128xi32, #tpu.memory_space<hbm>>
      tpu.wait_dma2 semaphore(%arg23 : memref<!tpu.dma_semaphore, #tpu.memory_space<semaphore_mem>>) src(%dma_wait3A_92 : memref<128xi32, #tpu.memory_space<hbm>>) dst(%arg15 : memref<128xi32, #tpu.memory_space<vmem>>)
      %dma_start3A_93 = arith.constant 0 : i32
      %dma_start3A_94 = arith.constant 0 : i32
      %dma_start3A_95 = tpu.memref_slice %arg35[%dma_start3A_93, %dma_start3A_94] : memref<10240x64xf32, #tpu.memory_space<vmem_shared>> -> memref<10240x64xf32, #tpu.memory_space<vmem_shared>>
      tpu.enqueue_indirect_dma source(%arg7 : memref<128x64xf32, #tpu.memory_space<vmem>>) target(%dma_start3A_95 : memref<10240x64xf32, #tpu.memory_space<vmem_shared>>) offsets(%arg15 : memref<128xi32, #tpu.memory_space<vmem>>) semaphore(%arg31 : memref<!tpu.dma_semaphore, #tpu.memory_space<semaphore_mem>>) {add = true}
      %add3A_96 = arith.constant 1 : i32
      %add3A_97 = arith.addi %mul3A_69, %add3A_96 : i32
      %add3A_98 = arith.constant 2 : i32
      %add3A_99 = arith.addi %add3A_97, %add3A_98 : i32
      %lt3A_100 = arith.constant 40 : i32
      %lt3A_101 = arith.cmpi slt, %add3A_99, %lt3A_100 : i32
      %convert_element_type3A_102 = arith.extui %lt3A_101 : i1 to i32
      %cond3A_103 = arith.constant 0 : i32
      %cond3A_104 = arith.cmpi ne, %convert_element_type3A_102, %cond3A_103 : i32
      scf.if %cond3A_104 {
        %add3A_183 = arith.constant 2 : i32
        %add3A_184 = arith.addi %add3A_97, %add3A_183 : i32
        %sub3A = arith.constant 4 : i32
        %sub3A_185 = arith.subi %add3A_184, %sub3A : i32
        %ge3A = arith.constant 0 : i32
        %ge3A_186 = arith.cmpi sge, %sub3A_185, %ge3A : i32
        %convert_element_type3A_187 = arith.extui %ge3A_186 : i1 to i32
        %cond3A_188 = arith.constant 0 : i32
        %cond3A_189 = arith.cmpi ne, %convert_element_type3A_187, %cond3A_188 : i32
        scf.if %cond3A_189 {
          %dma_wait3A_206 = arith.constant 0 : i32
          %dma_wait3A_207 = arith.constant 0 : i32
          %dma_wait3A_208 = tpu.memref_slice %arg35[%dma_wait3A_206, %dma_wait3A_207] : memref<10240x64xf32, #tpu.memory_space<vmem_shared>> -> memref<10240x64xf32, #tpu.memory_space<vmem_shared>>
          tpu.wait_indirect_dma semaphore(%arg34 : memref<!tpu.dma_semaphore, #tpu.memory_space<semaphore_mem>>) src(%arg10 : memref<128x64xf32, #tpu.memory_space<vmem>>) dst(%dma_wait3A_208 : memref<10240x64xf32, #tpu.memory_space<vmem_shared>>)
        } else {
        }
        %add3A_190 = arith.constant 2 : i32
        %add3A_191 = arith.addi %add3A_97, %add3A_190 : i32
        %add3A_192 = arith.addi %mul3A_4, %add3A_191 : i32
        %dma_start3A_193 = arith.constant 0 : i32
        %dma_start3A_194 = tpu.memref_slice %arg3[%add3A_192, %dma_start3A_193] : memref<1280x128xi32, #tpu.memory_space<hbm>> -> memref<1x128xi32, #tpu.memory_space<hbm>>
        %dma_start3A_195 = tpu.memref_squeeze %dma_start3A_194 : memref<1x128xi32, #tpu.memory_space<hbm>> -> memref<128xi32, #tpu.memory_space<hbm>>
        %dma_start3A_196 = arith.constant 0 : i32
        %dma_start3A_197 = tpu.memref_slice %arg3[%add3A_192, %dma_start3A_196] : memref<1280x128xi32, #tpu.memory_space<hbm>> -> memref<1x128xi32, #tpu.memory_space<hbm>>
        %dma_start3A_198 = tpu.memref_squeeze %dma_start3A_197 : memref<1x128xi32, #tpu.memory_space<hbm>> -> memref<128xi32, #tpu.memory_space<hbm>>
        tpu.enqueue_dma source(%dma_start3A_198 : memref<128xi32, #tpu.memory_space<hbm>>) target(%arg14 : memref<128xi32, #tpu.memory_space<vmem>>) target_semaphore(%arg22 : memref<!tpu.dma_semaphore, #tpu.memory_space<semaphore_mem>>)
        %add3A_199 = arith.addi %mul3A_4, %add3A_191 : i32
        %dma_start3A_200 = arith.constant 0 : i32
        %dma_start3A_201 = tpu.memref_slice %arg4[%add3A_199, %dma_start3A_200] : memref<1280x128xi32, #tpu.memory_space<hbm>> -> memref<1x128xi32, #tpu.memory_space<hbm>>
        %dma_start3A_202 = tpu.memref_squeeze %dma_start3A_201 : memref<1x128xi32, #tpu.memory_space<hbm>> -> memref<128xi32, #tpu.memory_space<hbm>>
        %dma_start3A_203 = arith.constant 0 : i32
        %dma_start3A_204 = tpu.memref_slice %arg4[%add3A_199, %dma_start3A_203] : memref<1280x128xi32, #tpu.memory_space<hbm>> -> memref<1x128xi32, #tpu.memory_space<hbm>>
        %dma_start3A_205 = tpu.memref_squeeze %dma_start3A_204 : memref<1x128xi32, #tpu.memory_space<hbm>> -> memref<128xi32, #tpu.memory_space<hbm>>
        tpu.enqueue_dma source(%dma_start3A_205 : memref<128xi32, #tpu.memory_space<hbm>>) target(%arg18 : memref<128xi32, #tpu.memory_space<vmem>>) target_semaphore(%arg26 : memref<!tpu.dma_semaphore, #tpu.memory_space<semaphore_mem>>)
      } else {
      }
      %add3A_105 = arith.constant 1 : i32
      %add3A_106 = arith.addi %add3A_97, %add3A_105 : i32
      %lt3A_107 = arith.constant 40 : i32
      %lt3A_108 = arith.cmpi slt, %add3A_106, %lt3A_107 : i32
      %convert_element_type3A_109 = arith.extui %lt3A_108 : i1 to i32
      %cond3A_110 = arith.constant 0 : i32
      %cond3A_111 = arith.cmpi ne, %convert_element_type3A_109, %cond3A_110 : i32
      scf.if %cond3A_111 {
        %add3A_183 = arith.constant 1 : i32
        %add3A_184 = arith.addi %add3A_97, %add3A_183 : i32
        %add3A_185 = arith.addi %mul3A_4, %add3A_184 : i32
        %dma_wait3A_186 = arith.constant 0 : i32
        %dma_wait3A_187 = tpu.memref_slice %arg3[%add3A_185, %dma_wait3A_186] : memref<1280x128xi32, #tpu.memory_space<hbm>> -> memref<1x128xi32, #tpu.memory_space<hbm>>
        %dma_wait3A_188 = tpu.memref_squeeze %dma_wait3A_187 : memref<1x128xi32, #tpu.memory_space<hbm>> -> memref<128xi32, #tpu.memory_space<hbm>>
        %dma_wait3A_189 = arith.constant 0 : i32
        %dma_wait3A_190 = tpu.memref_slice %arg3[%add3A_185, %dma_wait3A_189] : memref<1280x128xi32, #tpu.memory_space<hbm>> -> memref<1x128xi32, #tpu.memory_space<hbm>>
        %dma_wait3A_191 = tpu.memref_squeeze %dma_wait3A_190 : memref<1x128xi32, #tpu.memory_space<hbm>> -> memref<128xi32, #tpu.memory_space<hbm>>
        tpu.wait_dma2 semaphore(%arg21 : memref<!tpu.dma_semaphore, #tpu.memory_space<semaphore_mem>>) src(%dma_wait3A_191 : memref<128xi32, #tpu.memory_space<hbm>>) dst(%arg13 : memref<128xi32, #tpu.memory_space<vmem>>)
        %add3A_192 = arith.constant 1 : i32
        %add3A_193 = arith.addi %add3A_97, %add3A_192 : i32
        %dma_start3A_194 = arith.constant 0 : i32
        %dma_start3A_195 = arith.constant 0 : i32
        %dma_start3A_196 = tpu.memref_slice %arg2[%dma_start3A_194, %dma_start3A_195] : memref<10240x64xf32, #tpu.memory_space<hbm>> -> memref<10240x64xf32, #tpu.memory_space<hbm>>
        tpu.enqueue_indirect_dma source(%dma_start3A_196 : memref<10240x64xf32, #tpu.memory_space<hbm>>) target(%arg9 : memref<128x64xf32, #tpu.memory_space<vmem>>) offsets(%arg13 : memref<128xi32, #tpu.memory_space<vmem>>) semaphore(%arg29 : memref<!tpu.dma_semaphore, #tpu.memory_space<semaphore_mem>>)
      } else {
      }
      %dma_wait3A_112 = arith.constant 0 : i32
      %dma_wait3A_113 = arith.constant 0 : i32
      %dma_wait3A_114 = tpu.memref_slice %arg2[%dma_wait3A_112, %dma_wait3A_113] : memref<10240x64xf32, #tpu.memory_space<hbm>> -> memref<10240x64xf32, #tpu.memory_space<hbm>>
      tpu.wait_indirect_dma semaphore(%arg28 : memref<!tpu.dma_semaphore, #tpu.memory_space<semaphore_mem>>) src(%dma_wait3A_114 : memref<10240x64xf32, #tpu.memory_space<hbm>>) dst(%arg8 : memref<128x64xf32, #tpu.memory_space<vmem>>)
      %add3A_115 = arith.addi %mul3A_4, %add3A_97 : i32
      %dma_wait3A_116 = arith.constant 0 : i32
      %dma_wait3A_117 = tpu.memref_slice %arg4[%add3A_115, %dma_wait3A_116] : memref<1280x128xi32, #tpu.memory_space<hbm>> -> memref<1x128xi32, #tpu.memory_space<hbm>>
      %dma_wait3A_118 = tpu.memref_squeeze %dma_wait3A_117 : memref<1x128xi32, #tpu.memory_space<hbm>> -> memref<128xi32, #tpu.memory_space<hbm>>
      %dma_wait3A_119 = arith.constant 0 : i32
      %dma_wait3A_120 = tpu.memref_slice %arg4[%add3A_115, %dma_wait3A_119] : memref<1280x128xi32, #tpu.memory_space<hbm>> -> memref<1x128xi32, #tpu.memory_space<hbm>>
      %dma_wait3A_121 = tpu.memref_squeeze %dma_wait3A_120 : memref<1x128xi32, #tpu.memory_space<hbm>> -> memref<128xi32, #tpu.memory_space<hbm>>
      tpu.wait_dma2 semaphore(%arg24 : memref<!tpu.dma_semaphore, #tpu.memory_space<semaphore_mem>>) src(%dma_wait3A_121 : memref<128xi32, #tpu.memory_space<hbm>>) dst(%arg16 : memref<128xi32, #tpu.memory_space<vmem>>)
      %dma_start3A_122 = arith.constant 0 : i32
      %dma_start3A_123 = arith.constant 0 : i32
      %dma_start3A_124 = tpu.memref_slice %arg35[%dma_start3A_122, %dma_start3A_123] : memref<10240x64xf32, #tpu.memory_space<vmem_shared>> -> memref<10240x64xf32, #tpu.memory_space<vmem_shared>>
      tpu.enqueue_indirect_dma source(%arg8 : memref<128x64xf32, #tpu.memory_space<vmem>>) target(%dma_start3A_124 : memref<10240x64xf32, #tpu.memory_space<vmem_shared>>) offsets(%arg16 : memref<128xi32, #tpu.memory_space<vmem>>) semaphore(%arg32 : memref<!tpu.dma_semaphore, #tpu.memory_space<semaphore_mem>>) {add = true}
      %add3A_125 = arith.constant 2 : i32
      %add3A_126 = arith.addi %mul3A_69, %add3A_125 : i32
      %add3A_127 = arith.constant 2 : i32
      %add3A_128 = arith.addi %add3A_126, %add3A_127 : i32
      %lt3A_129 = arith.constant 40 : i32
      %lt3A_130 = arith.cmpi slt, %add3A_128, %lt3A_129 : i32
      %convert_element_type3A_131 = arith.extui %lt3A_130 : i1 to i32
      %cond3A_132 = arith.constant 0 : i32
      %cond3A_133 = arith.cmpi ne, %convert_element_type3A_131, %cond3A_132 : i32
      scf.if %cond3A_133 {
        %add3A_183 = arith.constant 2 : i32
        %add3A_184 = arith.addi %add3A_126, %add3A_183 : i32
        %sub3A = arith.constant 4 : i32
        %sub3A_185 = arith.subi %add3A_184, %sub3A : i32
        %ge3A = arith.constant 0 : i32
        %ge3A_186 = arith.cmpi sge, %sub3A_185, %ge3A : i32
        %convert_element_type3A_187 = arith.extui %ge3A_186 : i1 to i32
        %cond3A_188 = arith.constant 0 : i32
        %cond3A_189 = arith.cmpi ne, %convert_element_type3A_187, %cond3A_188 : i32
        scf.if %cond3A_189 {
          %dma_wait3A_206 = arith.constant 0 : i32
          %dma_wait3A_207 = arith.constant 0 : i32
          %dma_wait3A_208 = tpu.memref_slice %arg35[%dma_wait3A_206, %dma_wait3A_207] : memref<10240x64xf32, #tpu.memory_space<vmem_shared>> -> memref<10240x64xf32, #tpu.memory_space<vmem_shared>>
          tpu.wait_indirect_dma semaphore(%arg31 : memref<!tpu.dma_semaphore, #tpu.memory_space<semaphore_mem>>) src(%arg7 : memref<128x64xf32, #tpu.memory_space<vmem>>) dst(%dma_wait3A_208 : memref<10240x64xf32, #tpu.memory_space<vmem_shared>>)
        } else {
        }
        %add3A_190 = arith.constant 2 : i32
        %add3A_191 = arith.addi %add3A_126, %add3A_190 : i32
        %add3A_192 = arith.addi %mul3A_4, %add3A_191 : i32
        %dma_start3A_193 = arith.constant 0 : i32
        %dma_start3A_194 = tpu.memref_slice %arg3[%add3A_192, %dma_start3A_193] : memref<1280x128xi32, #tpu.memory_space<hbm>> -> memref<1x128xi32, #tpu.memory_space<hbm>>
        %dma_start3A_195 = tpu.memref_squeeze %dma_start3A_194 : memref<1x128xi32, #tpu.memory_space<hbm>> -> memref<128xi32, #tpu.memory_space<hbm>>
        %dma_start3A_196 = arith.constant 0 : i32
        %dma_start3A_197 = tpu.memref_slice %arg3[%add3A_192, %dma_start3A_196] : memref<1280x128xi32, #tpu.memory_space<hbm>> -> memref<1x128xi32, #tpu.memory_space<hbm>>
        %dma_start3A_198 = tpu.memref_squeeze %dma_start3A_197 : memref<1x128xi32, #tpu.memory_space<hbm>> -> memref<128xi32, #tpu.memory_space<hbm>>
        tpu.enqueue_dma source(%dma_start3A_198 : memref<128xi32, #tpu.memory_space<hbm>>) target(%arg11 : memref<128xi32, #tpu.memory_space<vmem>>) target_semaphore(%arg19 : memref<!tpu.dma_semaphore, #tpu.memory_space<semaphore_mem>>)
        %add3A_199 = arith.addi %mul3A_4, %add3A_191 : i32
        %dma_start3A_200 = arith.constant 0 : i32
        %dma_start3A_201 = tpu.memref_slice %arg4[%add3A_199, %dma_start3A_200] : memref<1280x128xi32, #tpu.memory_space<hbm>> -> memref<1x128xi32, #tpu.memory_space<hbm>>
        %dma_start3A_202 = tpu.memref_squeeze %dma_start3A_201 : memref<1x128xi32, #tpu.memory_space<hbm>> -> memref<128xi32, #tpu.memory_space<hbm>>
        %dma_start3A_203 = arith.constant 0 : i32
        %dma_start3A_204 = tpu.memref_slice %arg4[%add3A_199, %dma_start3A_203] : memref<1280x128xi32, #tpu.memory_space<hbm>> -> memref<1x128xi32, #tpu.memory_space<hbm>>
        %dma_start3A_205 = tpu.memref_squeeze %dma_start3A_204 : memref<1x128xi32, #tpu.memory_space<hbm>> -> memref<128xi32, #tpu.memory_space<hbm>>
        tpu.enqueue_dma source(%dma_start3A_205 : memref<128xi32, #tpu.memory_space<hbm>>) target(%arg15 : memref<128xi32, #tpu.memory_space<vmem>>) target_semaphore(%arg23 : memref<!tpu.dma_semaphore, #tpu.memory_space<semaphore_mem>>)
      } else {
      }
      %add3A_134 = arith.constant 1 : i32
      %add3A_135 = arith.addi %add3A_126, %add3A_134 : i32
      %lt3A_136 = arith.constant 40 : i32
      %lt3A_137 = arith.cmpi slt, %add3A_135, %lt3A_136 : i32
      %convert_element_type3A_138 = arith.extui %lt3A_137 : i1 to i32
      %cond3A_139 = arith.constant 0 : i32
      %cond3A_140 = arith.cmpi ne, %convert_element_type3A_138, %cond3A_139 : i32
      scf.if %cond3A_140 {
        %add3A_183 = arith.constant 1 : i32
        %add3A_184 = arith.addi %add3A_126, %add3A_183 : i32
        %add3A_185 = arith.addi %mul3A_4, %add3A_184 : i32
        %dma_wait3A_186 = arith.constant 0 : i32
        %dma_wait3A_187 = tpu.memref_slice %arg3[%add3A_185, %dma_wait3A_186] : memref<1280x128xi32, #tpu.memory_space<hbm>> -> memref<1x128xi32, #tpu.memory_space<hbm>>
        %dma_wait3A_188 = tpu.memref_squeeze %dma_wait3A_187 : memref<1x128xi32, #tpu.memory_space<hbm>> -> memref<128xi32, #tpu.memory_space<hbm>>
        %dma_wait3A_189 = arith.constant 0 : i32
        %dma_wait3A_190 = tpu.memref_slice %arg3[%add3A_185, %dma_wait3A_189] : memref<1280x128xi32, #tpu.memory_space<hbm>> -> memref<1x128xi32, #tpu.memory_space<hbm>>
        %dma_wait3A_191 = tpu.memref_squeeze %dma_wait3A_190 : memref<1x128xi32, #tpu.memory_space<hbm>> -> memref<128xi32, #tpu.memory_space<hbm>>
        tpu.wait_dma2 semaphore(%arg22 : memref<!tpu.dma_semaphore, #tpu.memory_space<semaphore_mem>>) src(%dma_wait3A_191 : memref<128xi32, #tpu.memory_space<hbm>>) dst(%arg14 : memref<128xi32, #tpu.memory_space<vmem>>)
        %add3A_192 = arith.constant 1 : i32
        %add3A_193 = arith.addi %add3A_126, %add3A_192 : i32
        %dma_start3A_194 = arith.constant 0 : i32
        %dma_start3A_195 = arith.constant 0 : i32
        %dma_start3A_196 = tpu.memref_slice %arg2[%dma_start3A_194, %dma_start3A_195] : memref<10240x64xf32, #tpu.memory_space<hbm>> -> memref<10240x64xf32, #tpu.memory_space<hbm>>
        tpu.enqueue_indirect_dma source(%dma_start3A_196 : memref<10240x64xf32, #tpu.memory_space<hbm>>) target(%arg10 : memref<128x64xf32, #tpu.memory_space<vmem>>) offsets(%arg14 : memref<128xi32, #tpu.memory_space<vmem>>) semaphore(%arg30 : memref<!tpu.dma_semaphore, #tpu.memory_space<semaphore_mem>>)
      } else {
      }
      %dma_wait3A_141 = arith.constant 0 : i32
      %dma_wait3A_142 = arith.constant 0 : i32
      %dma_wait3A_143 = tpu.memref_slice %arg2[%dma_wait3A_141, %dma_wait3A_142] : memref<10240x64xf32, #tpu.memory_space<hbm>> -> memref<10240x64xf32, #tpu.memory_space<hbm>>
      tpu.wait_indirect_dma semaphore(%arg29 : memref<!tpu.dma_semaphore, #tpu.memory_space<semaphore_mem>>) src(%dma_wait3A_143 : memref<10240x64xf32, #tpu.memory_space<hbm>>) dst(%arg9 : memref<128x64xf32, #tpu.memory_space<vmem>>)
      %add3A_144 = arith.addi %mul3A_4, %add3A_126 : i32
      %dma_wait3A_145 = arith.constant 0 : i32
      %dma_wait3A_146 = tpu.memref_slice %arg4[%add3A_144, %dma_wait3A_145] : memref<1280x128xi32, #tpu.memory_space<hbm>> -> memref<1x128xi32, #tpu.memory_space<hbm>>
      %dma_wait3A_147 = tpu.memref_squeeze %dma_wait3A_146 : memref<1x128xi32, #tpu.memory_space<hbm>> -> memref<128xi32, #tpu.memory_space<hbm>>
      %dma_wait3A_148 = arith.constant 0 : i32
      %dma_wait3A_149 = tpu.memref_slice %arg4[%add3A_144, %dma_wait3A_148] : memref<1280x128xi32, #tpu.memory_space<hbm>> -> memref<1x128xi32, #tpu.memory_space<hbm>>
      %dma_wait3A_150 = tpu.memref_squeeze %dma_wait3A_149 : memref<1x128xi32, #tpu.memory_space<hbm>> -> memref<128xi32, #tpu.memory_space<hbm>>
      tpu.wait_dma2 semaphore(%arg25 : memref<!tpu.dma_semaphore, #tpu.memory_space<semaphore_mem>>) src(%dma_wait3A_150 : memref<128xi32, #tpu.memory_space<hbm>>) dst(%arg17 : memref<128xi32, #tpu.memory_space<vmem>>)
      %dma_start3A_151 = arith.constant 0 : i32
      %dma_start3A_152 = arith.constant 0 : i32
      %dma_start3A_153 = tpu.memref_slice %arg35[%dma_start3A_151, %dma_start3A_152] : memref<10240x64xf32, #tpu.memory_space<vmem_shared>> -> memref<10240x64xf32, #tpu.memory_space<vmem_shared>>
      tpu.enqueue_indirect_dma source(%arg9 : memref<128x64xf32, #tpu.memory_space<vmem>>) target(%dma_start3A_153 : memref<10240x64xf32, #tpu.memory_space<vmem_shared>>) offsets(%arg17 : memref<128xi32, #tpu.memory_space<vmem>>) semaphore(%arg33 : memref<!tpu.dma_semaphore, #tpu.memory_space<semaphore_mem>>) {add = true}
      %add3A_154 = arith.constant 3 : i32
      %add3A_155 = arith.addi %mul3A_69, %add3A_154 : i32
      %add3A_156 = arith.constant 2 : i32
      %add3A_157 = arith.addi %add3A_155, %add3A_156 : i32
      %lt3A_158 = arith.constant 40 : i32
      %lt3A_159 = arith.cmpi slt, %add3A_157, %lt3A_158 : i32
      %convert_element_type3A_160 = arith.extui %lt3A_159 : i1 to i32
      %cond3A_161 = arith.constant 0 : i32
      %cond3A_162 = arith.cmpi ne, %convert_element_type3A_160, %cond3A_161 : i32
      scf.if %cond3A_162 {
        %add3A_183 = arith.constant 2 : i32
        %add3A_184 = arith.addi %add3A_155, %add3A_183 : i32
        %sub3A = arith.constant 4 : i32
        %sub3A_185 = arith.subi %add3A_184, %sub3A : i32
        %ge3A = arith.constant 0 : i32
        %ge3A_186 = arith.cmpi sge, %sub3A_185, %ge3A : i32
        %convert_element_type3A_187 = arith.extui %ge3A_186 : i1 to i32
        %cond3A_188 = arith.constant 0 : i32
        %cond3A_189 = arith.cmpi ne, %convert_element_type3A_187, %cond3A_188 : i32
        scf.if %cond3A_189 {
          %dma_wait3A_206 = arith.constant 0 : i32
          %dma_wait3A_207 = arith.constant 0 : i32
          %dma_wait3A_208 = tpu.memref_slice %arg35[%dma_wait3A_206, %dma_wait3A_207] : memref<10240x64xf32, #tpu.memory_space<vmem_shared>> -> memref<10240x64xf32, #tpu.memory_space<vmem_shared>>
          tpu.wait_indirect_dma semaphore(%arg32 : memref<!tpu.dma_semaphore, #tpu.memory_space<semaphore_mem>>) src(%arg8 : memref<128x64xf32, #tpu.memory_space<vmem>>) dst(%dma_wait3A_208 : memref<10240x64xf32, #tpu.memory_space<vmem_shared>>)
        } else {
        }
        %add3A_190 = arith.constant 2 : i32
        %add3A_191 = arith.addi %add3A_155, %add3A_190 : i32
        %add3A_192 = arith.addi %mul3A_4, %add3A_191 : i32
        %dma_start3A_193 = arith.constant 0 : i32
        %dma_start3A_194 = tpu.memref_slice %arg3[%add3A_192, %dma_start3A_193] : memref<1280x128xi32, #tpu.memory_space<hbm>> -> memref<1x128xi32, #tpu.memory_space<hbm>>
        %dma_start3A_195 = tpu.memref_squeeze %dma_start3A_194 : memref<1x128xi32, #tpu.memory_space<hbm>> -> memref<128xi32, #tpu.memory_space<hbm>>
        %dma_start3A_196 = arith.constant 0 : i32
        %dma_start3A_197 = tpu.memref_slice %arg3[%add3A_192, %dma_start3A_196] : memref<1280x128xi32, #tpu.memory_space<hbm>> -> memref<1x128xi32, #tpu.memory_space<hbm>>
        %dma_start3A_198 = tpu.memref_squeeze %dma_start3A_197 : memref<1x128xi32, #tpu.memory_space<hbm>> -> memref<128xi32, #tpu.memory_space<hbm>>
        tpu.enqueue_dma source(%dma_start3A_198 : memref<128xi32, #tpu.memory_space<hbm>>) target(%arg12 : memref<128xi32, #tpu.memory_space<vmem>>) target_semaphore(%arg20 : memref<!tpu.dma_semaphore, #tpu.memory_space<semaphore_mem>>)
        %add3A_199 = arith.addi %mul3A_4, %add3A_191 : i32
        %dma_start3A_200 = arith.constant 0 : i32
        %dma_start3A_201 = tpu.memref_slice %arg4[%add3A_199, %dma_start3A_200] : memref<1280x128xi32, #tpu.memory_space<hbm>> -> memref<1x128xi32, #tpu.memory_space<hbm>>
        %dma_start3A_202 = tpu.memref_squeeze %dma_start3A_201 : memref<1x128xi32, #tpu.memory_space<hbm>> -> memref<128xi32, #tpu.memory_space<hbm>>
        %dma_start3A_203 = arith.constant 0 : i32
        %dma_start3A_204 = tpu.memref_slice %arg4[%add3A_199, %dma_start3A_203] : memref<1280x128xi32, #tpu.memory_space<hbm>> -> memref<1x128xi32, #tpu.memory_space<hbm>>
        %dma_start3A_205 = tpu.memref_squeeze %dma_start3A_204 : memref<1x128xi32, #tpu.memory_space<hbm>> -> memref<128xi32, #tpu.memory_space<hbm>>
        tpu.enqueue_dma source(%dma_start3A_205 : memref<128xi32, #tpu.memory_space<hbm>>) target(%arg16 : memref<128xi32, #tpu.memory_space<vmem>>) target_semaphore(%arg24 : memref<!tpu.dma_semaphore, #tpu.memory_space<semaphore_mem>>)
      } else {
      }
      %add3A_163 = arith.constant 1 : i32
      %add3A_164 = arith.addi %add3A_155, %add3A_163 : i32
      %lt3A_165 = arith.constant 40 : i32
      %lt3A_166 = arith.cmpi slt, %add3A_164, %lt3A_165 : i32
      %convert_element_type3A_167 = arith.extui %lt3A_166 : i1 to i32
      %cond3A_168 = arith.constant 0 : i32
      %cond3A_169 = arith.cmpi ne, %convert_element_type3A_167, %cond3A_168 : i32
      scf.if %cond3A_169 {
        %add3A_183 = arith.constant 1 : i32
        %add3A_184 = arith.addi %add3A_155, %add3A_183 : i32
        %add3A_185 = arith.addi %mul3A_4, %add3A_184 : i32
        %dma_wait3A_186 = arith.constant 0 : i32
        %dma_wait3A_187 = tpu.memref_slice %arg3[%add3A_185, %dma_wait3A_186] : memref<1280x128xi32, #tpu.memory_space<hbm>> -> memref<1x128xi32, #tpu.memory_space<hbm>>
        %dma_wait3A_188 = tpu.memref_squeeze %dma_wait3A_187 : memref<1x128xi32, #tpu.memory_space<hbm>> -> memref<128xi32, #tpu.memory_space<hbm>>
        %dma_wait3A_189 = arith.constant 0 : i32
        %dma_wait3A_190 = tpu.memref_slice %arg3[%add3A_185, %dma_wait3A_189] : memref<1280x128xi32, #tpu.memory_space<hbm>> -> memref<1x128xi32, #tpu.memory_space<hbm>>
        %dma_wait3A_191 = tpu.memref_squeeze %dma_wait3A_190 : memref<1x128xi32, #tpu.memory_space<hbm>> -> memref<128xi32, #tpu.memory_space<hbm>>
        tpu.wait_dma2 semaphore(%arg19 : memref<!tpu.dma_semaphore, #tpu.memory_space<semaphore_mem>>) src(%dma_wait3A_191 : memref<128xi32, #tpu.memory_space<hbm>>) dst(%arg11 : memref<128xi32, #tpu.memory_space<vmem>>)
        %add3A_192 = arith.constant 1 : i32
        %add3A_193 = arith.addi %add3A_155, %add3A_192 : i32
        %dma_start3A_194 = arith.constant 0 : i32
        %dma_start3A_195 = arith.constant 0 : i32
        %dma_start3A_196 = tpu.memref_slice %arg2[%dma_start3A_194, %dma_start3A_195] : memref<10240x64xf32, #tpu.memory_space<hbm>> -> memref<10240x64xf32, #tpu.memory_space<hbm>>
        tpu.enqueue_indirect_dma source(%dma_start3A_196 : memref<10240x64xf32, #tpu.memory_space<hbm>>) target(%arg7 : memref<128x64xf32, #tpu.memory_space<vmem>>) offsets(%arg11 : memref<128xi32, #tpu.memory_space<vmem>>) semaphore(%arg27 : memref<!tpu.dma_semaphore, #tpu.memory_space<semaphore_mem>>)
      } else {
      }
      %dma_wait3A_170 = arith.constant 0 : i32
      %dma_wait3A_171 = arith.constant 0 : i32
      %dma_wait3A_172 = tpu.memref_slice %arg2[%dma_wait3A_170, %dma_wait3A_171] : memref<10240x64xf32, #tpu.memory_space<hbm>> -> memref<10240x64xf32, #tpu.memory_space<hbm>>
      tpu.wait_indirect_dma semaphore(%arg30 : memref<!tpu.dma_semaphore, #tpu.memory_space<semaphore_mem>>) src(%dma_wait3A_172 : memref<10240x64xf32, #tpu.memory_space<hbm>>) dst(%arg10 : memref<128x64xf32, #tpu.memory_space<vmem>>)
      %add3A_173 = arith.addi %mul3A_4, %add3A_155 : i32
      %dma_wait3A_174 = arith.constant 0 : i32
      %dma_wait3A_175 = tpu.memref_slice %arg4[%add3A_173, %dma_wait3A_174] : memref<1280x128xi32, #tpu.memory_space<hbm>> -> memref<1x128xi32, #tpu.memory_space<hbm>>
      %dma_wait3A_176 = tpu.memref_squeeze %dma_wait3A_175 : memref<1x128xi32, #tpu.memory_space<hbm>> -> memref<128xi32, #tpu.memory_space<hbm>>
      %dma_wait3A_177 = arith.constant 0 : i32
      %dma_wait3A_178 = tpu.memref_slice %arg4[%add3A_173, %dma_wait3A_177] : memref<1280x128xi32, #tpu.memory_space<hbm>> -> memref<1x128xi32, #tpu.memory_space<hbm>>
      %dma_wait3A_179 = tpu.memref_squeeze %dma_wait3A_178 : memref<1x128xi32, #tpu.memory_space<hbm>> -> memref<128xi32, #tpu.memory_space<hbm>>
      tpu.wait_dma2 semaphore(%arg26 : memref<!tpu.dma_semaphore, #tpu.memory_space<semaphore_mem>>) src(%dma_wait3A_179 : memref<128xi32, #tpu.memory_space<hbm>>) dst(%arg18 : memref<128xi32, #tpu.memory_space<vmem>>)
      %dma_start3A_180 = arith.constant 0 : i32
      %dma_start3A_181 = arith.constant 0 : i32
      %dma_start3A_182 = tpu.memref_slice %arg35[%dma_start3A_180, %dma_start3A_181] : memref<10240x64xf32, #tpu.memory_space<vmem_shared>> -> memref<10240x64xf32, #tpu.memory_space<vmem_shared>>
      tpu.enqueue_indirect_dma source(%arg10 : memref<128x64xf32, #tpu.memory_space<vmem>>) target(%dma_start3A_182 : memref<10240x64xf32, #tpu.memory_space<vmem_shared>>) offsets(%arg18 : memref<128xi32, #tpu.memory_space<vmem>>) semaphore(%arg34 : memref<!tpu.dma_semaphore, #tpu.memory_space<semaphore_mem>>) {add = true}
    }
    %scan3A_50 = arith.constant 10 : i32
    %dma_wait3A_51 = arith.constant 0 : i32
    %dma_wait3A_52 = arith.constant 0 : i32
    %dma_wait3A_53 = tpu.memref_slice %arg35[%dma_wait3A_51, %dma_wait3A_52] : memref<10240x64xf32, #tpu.memory_space<vmem_shared>> -> memref<10240x64xf32, #tpu.memory_space<vmem_shared>>
    tpu.wait_indirect_dma semaphore(%arg31 : memref<!tpu.dma_semaphore, #tpu.memory_space<semaphore_mem>>) src(%arg7 : memref<128x64xf32, #tpu.memory_space<vmem>>) dst(%dma_wait3A_53 : memref<10240x64xf32, #tpu.memory_space<vmem_shared>>)
    %dma_wait3A_54 = arith.constant 0 : i32
    %dma_wait3A_55 = arith.constant 0 : i32
    %dma_wait3A_56 = tpu.memref_slice %arg35[%dma_wait3A_54, %dma_wait3A_55] : memref<10240x64xf32, #tpu.memory_space<vmem_shared>> -> memref<10240x64xf32, #tpu.memory_space<vmem_shared>>
    tpu.wait_indirect_dma semaphore(%arg32 : memref<!tpu.dma_semaphore, #tpu.memory_space<semaphore_mem>>) src(%arg8 : memref<128x64xf32, #tpu.memory_space<vmem>>) dst(%dma_wait3A_56 : memref<10240x64xf32, #tpu.memory_space<vmem_shared>>)
    %dma_wait3A_57 = arith.constant 0 : i32
    %dma_wait3A_58 = arith.constant 0 : i32
    %dma_wait3A_59 = tpu.memref_slice %arg35[%dma_wait3A_57, %dma_wait3A_58] : memref<10240x64xf32, #tpu.memory_space<vmem_shared>> -> memref<10240x64xf32, #tpu.memory_space<vmem_shared>>
    tpu.wait_indirect_dma semaphore(%arg33 : memref<!tpu.dma_semaphore, #tpu.memory_space<semaphore_mem>>) src(%arg9 : memref<128x64xf32, #tpu.memory_space<vmem>>) dst(%dma_wait3A_59 : memref<10240x64xf32, #tpu.memory_space<vmem_shared>>)
    %dma_wait3A_60 = arith.constant 0 : i32
    %dma_wait3A_61 = arith.constant 0 : i32
    %dma_wait3A_62 = tpu.memref_slice %arg35[%dma_wait3A_60, %dma_wait3A_61] : memref<10240x64xf32, #tpu.memory_space<vmem_shared>> -> memref<10240x64xf32, #tpu.memory_space<vmem_shared>>
    tpu.wait_indirect_dma semaphore(%arg34 : memref<!tpu.dma_semaphore, #tpu.memory_space<semaphore_mem>>) src(%arg10 : memref<128x64xf32, #tpu.memory_space<vmem>>) dst(%dma_wait3A_62 : memref<10240x64xf32, #tpu.memory_space<vmem_shared>>)
    %barrier3A_63 = arith.constant 0 : index
    tpu.barrier barrier_id(%barrier3A_63)
    %mul3A_64 = arith.constant 10240 : i32
    %mul3A_65 = arith.muli %arg0, %mul3A_64 : i32
    %add3A_66 = arith.addi %mul3A_65, %mul3A_0 : i32
    "tpu.region"() ({
      %run_scoped3A = tpu.sem_alloc : memref<!tpu.dma_semaphore, #tpu.memory_space<semaphore_mem>>
      %dma_start3A_67 = arith.constant 0 : i32
      %dma_start3A_68 = tpu.memref_slice %arg6[%add3A_66, %dma_start3A_67] : memref<20480x64xf32, #tpu.memory_space<hbm>> -> memref<640x64xf32, #tpu.memory_space<hbm>>
      %dma_start3A_69 = arith.constant 0 : i32
      %dma_start3A_70 = tpu.memref_slice %arg35[%mul3A_0, %dma_start3A_69] : memref<10240x64xf32, #tpu.memory_space<vmem_shared>> -> memref<640x64xf32, #tpu.memory_space<vmem_shared>>
      tpu.enqueue_dma source(%dma_start3A_70 : memref<640x64xf32, #tpu.memory_space<vmem_shared>>) target(%dma_start3A_68 : memref<640x64xf32, #tpu.memory_space<hbm>>) target_semaphore(%run_scoped3A : memref<!tpu.dma_semaphore, #tpu.memory_space<semaphore_mem>>)
      %dma_wait3A_71 = arith.constant 0 : i32
      %dma_wait3A_72 = tpu.memref_slice %arg6[%add3A_66, %dma_wait3A_71] : memref<20480x64xf32, #tpu.memory_space<hbm>> -> memref<640x64xf32, #tpu.memory_space<hbm>>
      %dma_wait3A_73 = arith.constant 0 : i32
      %dma_wait3A_74 = tpu.memref_slice %arg35[%mul3A_0, %dma_wait3A_73] : memref<10240x64xf32, #tpu.memory_space<vmem_shared>> -> memref<640x64xf32, #tpu.memory_space<vmem_shared>>
      tpu.wait_dma2 semaphore(%run_scoped3A : memref<!tpu.dma_semaphore, #tpu.memory_space<semaphore_mem>>) src(%dma_wait3A_74 : memref<640x64xf32, #tpu.memory_space<vmem_shared>>) dst(%dma_wait3A_72 : memref<640x64xf32, #tpu.memory_space<hbm>>)
      tpu.yield
    }) : () -> ()
    return
  }
}

#map = affine_map<(d0, d1) -> (0, 0)>
module attributes {stable_mosaic.version = 14 : i64} {
  func.func @k(%arg0: i32, %arg1: i32, %arg2: memref<20480x128xf32, #tpu.memory_space<hbm>>, %arg3: memref<2560x64xi32, #tpu.memory_space<hbm>>, %arg4: memref<2560x64xi32, #tpu.memory_space<hbm>>, %arg5: memref<640x128xf32, #tpu.memory_space<hbm>>, %arg6: memref<20480x128xf32, #tpu.memory_space<hbm>>, %arg7: memref<64x128xf32, #tpu.memory_space<vmem>>, %arg8: memref<64x128xf32, #tpu.memory_space<vmem>>, %arg9: memref<64x128xf32, #tpu.memory_space<vmem>>, %arg10: memref<64x128xf32, #tpu.memory_space<vmem>>, %arg11: memref<64xi32, #tpu.memory_space<vmem>>, %arg12: memref<64xi32, #tpu.memory_space<vmem>>, %arg13: memref<64xi32, #tpu.memory_space<vmem>>, %arg14: memref<64xi32, #tpu.memory_space<vmem>>, %arg15: memref<64xi32, #tpu.memory_space<vmem>>, %arg16: memref<64xi32, #tpu.memory_space<vmem>>, %arg17: memref<64xi32, #tpu.memory_space<vmem>>, %arg18: memref<64xi32, #tpu.memory_space<vmem>>, %arg19: memref<!tpu.dma_semaphore, #tpu.memory_space<semaphore_mem>>, %arg20: memref<!tpu.dma_semaphore, #tpu.memory_space<semaphore_mem>>, %arg21: memref<!tpu.dma_semaphore, #tpu.memory_space<semaphore_mem>>, %arg22: memref<!tpu.dma_semaphore, #tpu.memory_space<semaphore_mem>>, %arg23: memref<!tpu.dma_semaphore, #tpu.memory_space<semaphore_mem>>, %arg24: memref<!tpu.dma_semaphore, #tpu.memory_space<semaphore_mem>>, %arg25: memref<!tpu.dma_semaphore, #tpu.memory_space<semaphore_mem>>, %arg26: memref<!tpu.dma_semaphore, #tpu.memory_space<semaphore_mem>>, %arg27: memref<!tpu.dma_semaphore, #tpu.memory_space<semaphore_mem>>, %arg28: memref<!tpu.dma_semaphore, #tpu.memory_space<semaphore_mem>>, %arg29: memref<!tpu.dma_semaphore, #tpu.memory_space<semaphore_mem>>, %arg30: memref<!tpu.dma_semaphore, #tpu.memory_space<semaphore_mem>>, %arg31: memref<!tpu.dma_semaphore, #tpu.memory_space<semaphore_mem>>, %arg32: memref<!tpu.dma_semaphore, #tpu.memory_space<semaphore_mem>>, %arg33: memref<!tpu.dma_semaphore, #tpu.memory_space<semaphore_mem>>, %arg34: memref<!tpu.dma_semaphore, #tpu.memory_space<semaphore_mem>>, %arg35: memref<10240x128xf32, #tpu.memory_space<vmem_shared>>) attributes {dimension_semantics = [#tpu.dimension_semantics<core_parallel>, #tpu.dimension_semantics<subcore_parallel>], iteration_bounds = array<i64: 2, 16>, scalar_prefetch = 0 : i64, scratch_operands = 29 : i64, tpu.core_type = #tpu.core_type<sc_vector_subcore>, window_params = [{transform_indices = #map}, {transform_indices = #map}, {transform_indices = #map}, {transform_indices = #map}, {transform_indices = #map}]} {
    %mul3A = arith.constant 640 : i32
    %mul3A_0 = arith.muli %arg1, %mul3A : i32
    "tpu.region"() ({
      %run_scoped3A = tpu.sem_alloc : memref<!tpu.dma_semaphore, #tpu.memory_space<semaphore_mem>>
      %dma_start3A_90 = arith.constant 0 : i32
      %dma_start3A_91 = tpu.memref_slice %arg35[%mul3A_0, %dma_start3A_90] : memref<10240x128xf32, #tpu.memory_space<vmem_shared>> -> memref<640x128xf32, #tpu.memory_space<vmem_shared>>
      tpu.enqueue_dma source(%arg5 : memref<640x128xf32, #tpu.memory_space<hbm>>) target(%dma_start3A_91 : memref<640x128xf32, #tpu.memory_space<vmem_shared>>) target_semaphore(%run_scoped3A : memref<!tpu.dma_semaphore, #tpu.memory_space<semaphore_mem>>)
      %dma_wait3A_92 = arith.constant 0 : i32
      %dma_wait3A_93 = tpu.memref_slice %arg35[%mul3A_0, %dma_wait3A_92] : memref<10240x128xf32, #tpu.memory_space<vmem_shared>> -> memref<640x128xf32, #tpu.memory_space<vmem_shared>>
      tpu.wait_dma2 semaphore(%run_scoped3A : memref<!tpu.dma_semaphore, #tpu.memory_space<semaphore_mem>>) src(%arg5 : memref<640x128xf32, #tpu.memory_space<hbm>>) dst(%dma_wait3A_93 : memref<640x128xf32, #tpu.memory_space<vmem_shared>>)
      tpu.yield
    }) : () -> ()
    %barrier3A = arith.constant 0 : index
    tpu.barrier barrier_id(%barrier3A)
    %mul3A_1 = arith.constant 160 : i32
    %mul3A_2 = arith.muli %arg1, %mul3A_1 : i32
    %add3A = arith.constant 0 : i32
    %add3A_3 = arith.addi %mul3A_2, %add3A : i32
    %dma_start3A = arith.constant 0 : i32
    %dma_start3A_4 = tpu.memref_slice %arg3[%add3A_3, %dma_start3A] : memref<2560x64xi32, #tpu.memory_space<hbm>> -> memref<1x64xi32, #tpu.memory_space<hbm>>
    %dma_start3A_5 = tpu.memref_squeeze %dma_start3A_4 : memref<1x64xi32, #tpu.memory_space<hbm>> -> memref<64xi32, #tpu.memory_space<hbm>>
    %dma_start3A_6 = arith.constant 0 : i32
    %dma_start3A_7 = tpu.memref_slice %arg3[%add3A_3, %dma_start3A_6] : memref<2560x64xi32, #tpu.memory_space<hbm>> -> memref<1x64xi32, #tpu.memory_space<hbm>>
    %dma_start3A_8 = tpu.memref_squeeze %dma_start3A_7 : memref<1x64xi32, #tpu.memory_space<hbm>> -> memref<64xi32, #tpu.memory_space<hbm>>
    tpu.enqueue_dma source(%dma_start3A_8 : memref<64xi32, #tpu.memory_space<hbm>>) target(%arg11 : memref<64xi32, #tpu.memory_space<vmem>>) target_semaphore(%arg19 : memref<!tpu.dma_semaphore, #tpu.memory_space<semaphore_mem>>)
    %add3A_9 = arith.constant 0 : i32
    %add3A_10 = arith.addi %mul3A_2, %add3A_9 : i32
    %dma_start3A_11 = arith.constant 0 : i32
    %dma_start3A_12 = tpu.memref_slice %arg4[%add3A_10, %dma_start3A_11] : memref<2560x64xi32, #tpu.memory_space<hbm>> -> memref<1x64xi32, #tpu.memory_space<hbm>>
    %dma_start3A_13 = tpu.memref_squeeze %dma_start3A_12 : memref<1x64xi32, #tpu.memory_space<hbm>> -> memref<64xi32, #tpu.memory_space<hbm>>
    %dma_start3A_14 = arith.constant 0 : i32
    %dma_start3A_15 = tpu.memref_slice %arg4[%add3A_10, %dma_start3A_14] : memref<2560x64xi32, #tpu.memory_space<hbm>> -> memref<1x64xi32, #tpu.memory_space<hbm>>
    %dma_start3A_16 = tpu.memref_squeeze %dma_start3A_15 : memref<1x64xi32, #tpu.memory_space<hbm>> -> memref<64xi32, #tpu.memory_space<hbm>>
    tpu.enqueue_dma source(%dma_start3A_16 : memref<64xi32, #tpu.memory_space<hbm>>) target(%arg15 : memref<64xi32, #tpu.memory_space<vmem>>) target_semaphore(%arg23 : memref<!tpu.dma_semaphore, #tpu.memory_space<semaphore_mem>>)
    %add3A_17 = arith.constant 1 : i32
    %add3A_18 = arith.addi %mul3A_2, %add3A_17 : i32
    %dma_start3A_19 = arith.constant 0 : i32
    %dma_start3A_20 = tpu.memref_slice %arg3[%add3A_18, %dma_start3A_19] : memref<2560x64xi32, #tpu.memory_space<hbm>> -> memref<1x64xi32, #tpu.memory_space<hbm>>
    %dma_start3A_21 = tpu.memref_squeeze %dma_start3A_20 : memref<1x64xi32, #tpu.memory_space<hbm>> -> memref<64xi32, #tpu.memory_space<hbm>>
    %dma_start3A_22 = arith.constant 0 : i32
    %dma_start3A_23 = tpu.memref_slice %arg3[%add3A_18, %dma_start3A_22] : memref<2560x64xi32, #tpu.memory_space<hbm>> -> memref<1x64xi32, #tpu.memory_space<hbm>>
    %dma_start3A_24 = tpu.memref_squeeze %dma_start3A_23 : memref<1x64xi32, #tpu.memory_space<hbm>> -> memref<64xi32, #tpu.memory_space<hbm>>
    tpu.enqueue_dma source(%dma_start3A_24 : memref<64xi32, #tpu.memory_space<hbm>>) target(%arg12 : memref<64xi32, #tpu.memory_space<vmem>>) target_semaphore(%arg20 : memref<!tpu.dma_semaphore, #tpu.memory_space<semaphore_mem>>)
    %add3A_25 = arith.constant 1 : i32
    %add3A_26 = arith.addi %mul3A_2, %add3A_25 : i32
    %dma_start3A_27 = arith.constant 0 : i32
    %dma_start3A_28 = tpu.memref_slice %arg4[%add3A_26, %dma_start3A_27] : memref<2560x64xi32, #tpu.memory_space<hbm>> -> memref<1x64xi32, #tpu.memory_space<hbm>>
    %dma_start3A_29 = tpu.memref_squeeze %dma_start3A_28 : memref<1x64xi32, #tpu.memory_space<hbm>> -> memref<64xi32, #tpu.memory_space<hbm>>
    %dma_start3A_30 = arith.constant 0 : i32
    %dma_start3A_31 = tpu.memref_slice %arg4[%add3A_26, %dma_start3A_30] : memref<2560x64xi32, #tpu.memory_space<hbm>> -> memref<1x64xi32, #tpu.memory_space<hbm>>
    %dma_start3A_32 = tpu.memref_squeeze %dma_start3A_31 : memref<1x64xi32, #tpu.memory_space<hbm>> -> memref<64xi32, #tpu.memory_space<hbm>>
    tpu.enqueue_dma source(%dma_start3A_32 : memref<64xi32, #tpu.memory_space<hbm>>) target(%arg16 : memref<64xi32, #tpu.memory_space<vmem>>) target_semaphore(%arg24 : memref<!tpu.dma_semaphore, #tpu.memory_space<semaphore_mem>>)
    %add3A_33 = arith.constant 0 : i32
    %add3A_34 = arith.addi %mul3A_2, %add3A_33 : i32
    %dma_wait3A = arith.constant 0 : i32
    %dma_wait3A_35 = tpu.memref_slice %arg3[%add3A_34, %dma_wait3A] : memref<2560x64xi32, #tpu.memory_space<hbm>> -> memref<1x64xi32, #tpu.memory_space<hbm>>
    %dma_wait3A_36 = tpu.memref_squeeze %dma_wait3A_35 : memref<1x64xi32, #tpu.memory_space<hbm>> -> memref<64xi32, #tpu.memory_space<hbm>>
    %dma_wait3A_37 = arith.constant 0 : i32
    %dma_wait3A_38 = tpu.memref_slice %arg3[%add3A_34, %dma_wait3A_37] : memref<2560x64xi32, #tpu.memory_space<hbm>> -> memref<1x64xi32, #tpu.memory_space<hbm>>
    %dma_wait3A_39 = tpu.memref_squeeze %dma_wait3A_38 : memref<1x64xi32, #tpu.memory_space<hbm>> -> memref<64xi32, #tpu.memory_space<hbm>>
    tpu.wait_dma2 semaphore(%arg19 : memref<!tpu.dma_semaphore, #tpu.memory_space<semaphore_mem>>) src(%dma_wait3A_39 : memref<64xi32, #tpu.memory_space<hbm>>) dst(%arg11 : memref<64xi32, #tpu.memory_space<vmem>>)
    %get3A = arith.constant 0 : index
    %get3A_40 = tpu.vector_load %arg11[%get3A] {strides = array<i32>} : memref<64xi32, #tpu.memory_space<vmem>>, vector<16xi32>,
    %add3A_41 = arith.addi %get3A_40, %get3A_40 : vector<16xi32>
    %add3A_42 = vector.broadcast %arg0 : i32 to vector<16xi32>
    %add3A_43 = arith.addi %add3A_41, %add3A_42 : vector<16xi32>
    %swap3A = arith.constant 0 : index
    %swap3A_44 = tpu.vector_load %arg11[%swap3A] {strides = array<i32>} : memref<64xi32, #tpu.memory_space<vmem>>, vector<16xi32>,
    tpu.vector_store %arg11[%swap3A], %add3A_43 {strides = array<i32>} : memref<64xi32, #tpu.memory_space<vmem>>, vector<16xi32>,
    %get3A_45 = arith.constant 16 : index
    %get3A_46 = tpu.vector_load %arg11[%get3A_45] {strides = array<i32>} : memref<64xi32, #tpu.memory_space<vmem>>, vector<16xi32>,
    %add3A_47 = arith.addi %get3A_46, %get3A_46 : vector<16xi32>
    %add3A_48 = vector.broadcast %arg0 : i32 to vector<16xi32>
    %add3A_49 = arith.addi %add3A_47, %add3A_48 : vector<16xi32>
    %swap3A_50 = arith.constant 16 : index
    %swap3A_51 = tpu.vector_load %arg11[%swap3A_50] {strides = array<i32>} : memref<64xi32, #tpu.memory_space<vmem>>, vector<16xi32>,
    tpu.vector_store %arg11[%swap3A_50], %add3A_49 {strides = array<i32>} : memref<64xi32, #tpu.memory_space<vmem>>, vector<16xi32>,
    %get3A_52 = arith.constant 32 : index
    %get3A_53 = tpu.vector_load %arg11[%get3A_52] {strides = array<i32>} : memref<64xi32, #tpu.memory_space<vmem>>, vector<16xi32>,
    %add3A_54 = arith.addi %get3A_53, %get3A_53 : vector<16xi32>
    %add3A_55 = vector.broadcast %arg0 : i32 to vector<16xi32>
    %add3A_56 = arith.addi %add3A_54, %add3A_55 : vector<16xi32>
    %swap3A_57 = arith.constant 32 : index
    %swap3A_58 = tpu.vector_load %arg11[%swap3A_57] {strides = array<i32>} : memref<64xi32, #tpu.memory_space<vmem>>, vector<16xi32>,
    tpu.vector_store %arg11[%swap3A_57], %add3A_56 {strides = array<i32>} : memref<64xi32, #tpu.memory_space<vmem>>, vector<16xi32>,
    %get3A_59 = arith.constant 48 : index
    %get3A_60 = tpu.vector_load %arg11[%get3A_59] {strides = array<i32>} : memref<64xi32, #tpu.memory_space<vmem>>, vector<16xi32>,
    %add3A_61 = arith.addi %get3A_60, %get3A_60 : vector<16xi32>
    %add3A_62 = vector.broadcast %arg0 : i32 to vector<16xi32>
    %add3A_63 = arith.addi %add3A_61, %add3A_62 : vector<16xi32>
    %swap3A_64 = arith.constant 48 : index
    %swap3A_65 = tpu.vector_load %arg11[%swap3A_64] {strides = array<i32>} : memref<64xi32, #tpu.memory_space<vmem>>, vector<16xi32>,
    tpu.vector_store %arg11[%swap3A_64], %add3A_63 {strides = array<i32>} : memref<64xi32, #tpu.memory_space<vmem>>, vector<16xi32>,
    %dma_start3A_66 = arith.constant 0 : i32
    %dma_start3A_67 = arith.constant 0 : i32
    %dma_start3A_68 = tpu.memref_slice %arg2[%dma_start3A_66, %dma_start3A_67] : memref<20480x128xf32, #tpu.memory_space<hbm>> -> memref<20480x128xf32, #tpu.memory_space<hbm>>
    tpu.enqueue_indirect_dma source(%dma_start3A_68 : memref<20480x128xf32, #tpu.memory_space<hbm>>) target(%arg7 : memref<64x128xf32, #tpu.memory_space<vmem>>) offsets(%arg11 : memref<64xi32, #tpu.memory_space<vmem>>) semaphore(%arg27 : memref<!tpu.dma_semaphore, #tpu.memory_space<semaphore_mem>>)
    %scan3A = arith.constant 0 : i32
    %scan3A_69 = arith.constant 0 : i32
    %scan3A_70 = arith.constant 40 : i32
    %scan3A_71 = arith.addi %scan3A_69, %scan3A_70 : i32
    %scan3A_72 = arith.constant 1 : i32
    scf.for %scan3A_90 = %scan3A_69 to %scan3A_71 step %scan3A_72  : i32 {
      %mul3A_91 = arith.constant 4 : i32
      %mul3A_92 = arith.muli %scan3A_90, %mul3A_91 : i32
      %add3A_93 = arith.constant 0 : i32
      %add3A_94 = arith.addi %mul3A_92, %add3A_93 : i32
      %add3A_95 = arith.constant 2 : i32
      %add3A_96 = arith.addi %add3A_94, %add3A_95 : i32
      %lt3A = arith.constant 160 : i32
      %lt3A_97 = arith.cmpi slt, %add3A_96, %lt3A : i32
      %convert_element_type3A = arith.extui %lt3A_97 : i1 to i32
      %cond3A = arith.constant 0 : i32
      %cond3A_98 = arith.cmpi ne, %convert_element_type3A, %cond3A : i32
      scf.if %cond3A_98 {
        %add3A_206 = arith.constant 2 : i32
        %add3A_207 = arith.addi %add3A_94, %add3A_206 : i32
        %sub3A = arith.constant 4 : i32
        %sub3A_208 = arith.subi %add3A_207, %sub3A : i32
        %ge3A = arith.constant 0 : i32
        %ge3A_209 = arith.cmpi sge, %sub3A_208, %ge3A : i32
        %convert_element_type3A_210 = arith.extui %ge3A_209 : i1 to i32
        %cond3A_211 = arith.constant 0 : i32
        %cond3A_212 = arith.cmpi ne, %convert_element_type3A_210, %cond3A_211 : i32
        scf.if %cond3A_212 {
          %dma_wait3A_229 = arith.constant 0 : i32
          %dma_wait3A_230 = arith.constant 0 : i32
          %dma_wait3A_231 = tpu.memref_slice %arg35[%dma_wait3A_229, %dma_wait3A_230] : memref<10240x128xf32, #tpu.memory_space<vmem_shared>> -> memref<10240x128xf32, #tpu.memory_space<vmem_shared>>
          tpu.wait_indirect_dma semaphore(%arg33 : memref<!tpu.dma_semaphore, #tpu.memory_space<semaphore_mem>>) src(%arg9 : memref<64x128xf32, #tpu.memory_space<vmem>>) dst(%dma_wait3A_231 : memref<10240x128xf32, #tpu.memory_space<vmem_shared>>)
        } else {
        }
        %add3A_213 = arith.constant 2 : i32
        %add3A_214 = arith.addi %add3A_94, %add3A_213 : i32
        %add3A_215 = arith.addi %mul3A_2, %add3A_214 : i32
        %dma_start3A_216 = arith.constant 0 : i32
        %dma_start3A_217 = tpu.memref_slice %arg3[%add3A_215, %dma_start3A_216] : memref<2560x64xi32, #tpu.memory_space<hbm>> -> memref<1x64xi32, #tpu.memory_space<hbm>>
        %dma_start3A_218 = tpu.memref_squeeze %dma_start3A_217 : memref<1x64xi32, #tpu.memory_space<hbm>> -> memref<64xi32, #tpu.memory_space<hbm>>
        %dma_start3A_219 = arith.constant 0 : i32
        %dma_start3A_220 = tpu.memref_slice %arg3[%add3A_215, %dma_start3A_219] : memref<2560x64xi32, #tpu.memory_space<hbm>> -> memref<1x64xi32, #tpu.memory_space<hbm>>
        %dma_start3A_221 = tpu.memref_squeeze %dma_start3A_220 : memref<1x64xi32, #tpu.memory_space<hbm>> -> memref<64xi32, #tpu.memory_space<hbm>>
        tpu.enqueue_dma source(%dma_start3A_221 : memref<64xi32, #tpu.memory_space<hbm>>) target(%arg13 : memref<64xi32, #tpu.memory_space<vmem>>) target_semaphore(%arg21 : memref<!tpu.dma_semaphore, #tpu.memory_space<semaphore_mem>>)
        %add3A_222 = arith.addi %mul3A_2, %add3A_214 : i32
        %dma_start3A_223 = arith.constant 0 : i32
        %dma_start3A_224 = tpu.memref_slice %arg4[%add3A_222, %dma_start3A_223] : memref<2560x64xi32, #tpu.memory_space<hbm>> -> memref<1x64xi32, #tpu.memory_space<hbm>>
        %dma_start3A_225 = tpu.memref_squeeze %dma_start3A_224 : memref<1x64xi32, #tpu.memory_space<hbm>> -> memref<64xi32, #tpu.memory_space<hbm>>
        %dma_start3A_226 = arith.constant 0 : i32
        %dma_start3A_227 = tpu.memref_slice %arg4[%add3A_222, %dma_start3A_226] : memref<2560x64xi32, #tpu.memory_space<hbm>> -> memref<1x64xi32, #tpu.memory_space<hbm>>
        %dma_start3A_228 = tpu.memref_squeeze %dma_start3A_227 : memref<1x64xi32, #tpu.memory_space<hbm>> -> memref<64xi32, #tpu.memory_space<hbm>>
        tpu.enqueue_dma source(%dma_start3A_228 : memref<64xi32, #tpu.memory_space<hbm>>) target(%arg17 : memref<64xi32, #tpu.memory_space<vmem>>) target_semaphore(%arg25 : memref<!tpu.dma_semaphore, #tpu.memory_space<semaphore_mem>>)
      } else {
      }
      %add3A_99 = arith.constant 1 : i32
      %add3A_100 = arith.addi %add3A_94, %add3A_99 : i32
      %lt3A_101 = arith.constant 160 : i32
      %lt3A_102 = arith.cmpi slt, %add3A_100, %lt3A_101 : i32
      %convert_element_type3A_103 = arith.extui %lt3A_102 : i1 to i32
      %cond3A_104 = arith.constant 0 : i32
      %cond3A_105 = arith.cmpi ne, %convert_element_type3A_103, %cond3A_104 : i32
      scf.if %cond3A_105 {
        %add3A_206 = arith.constant 1 : i32
        %add3A_207 = arith.addi %add3A_94, %add3A_206 : i32
        %add3A_208 = arith.addi %mul3A_2, %add3A_207 : i32
        %dma_wait3A_209 = arith.constant 0 : i32
        %dma_wait3A_210 = tpu.memref_slice %arg3[%add3A_208, %dma_wait3A_209] : memref<2560x64xi32, #tpu.memory_space<hbm>> -> memref<1x64xi32, #tpu.memory_space<hbm>>
        %dma_wait3A_211 = tpu.memref_squeeze %dma_wait3A_210 : memref<1x64xi32, #tpu.memory_space<hbm>> -> memref<64xi32, #tpu.memory_space<hbm>>
        %dma_wait3A_212 = arith.constant 0 : i32
        %dma_wait3A_213 = tpu.memref_slice %arg3[%add3A_208, %dma_wait3A_212] : memref<2560x64xi32, #tpu.memory_space<hbm>> -> memref<1x64xi32, #tpu.memory_space<hbm>>
        %dma_wait3A_214 = tpu.memref_squeeze %dma_wait3A_213 : memref<1x64xi32, #tpu.memory_space<hbm>> -> memref<64xi32, #tpu.memory_space<hbm>>
        tpu.wait_dma2 semaphore(%arg20 : memref<!tpu.dma_semaphore, #tpu.memory_space<semaphore_mem>>) src(%dma_wait3A_214 : memref<64xi32, #tpu.memory_space<hbm>>) dst(%arg12 : memref<64xi32, #tpu.memory_space<vmem>>)
        %add3A_215 = arith.constant 1 : i32
        %add3A_216 = arith.addi %add3A_94, %add3A_215 : i32
        %get3A_217 = arith.constant 0 : index
        %get3A_218 = tpu.vector_load %arg12[%get3A_217] {strides = array<i32>} : memref<64xi32, #tpu.memory_space<vmem>>, vector<16xi32>,
        %add3A_219 = arith.addi %get3A_218, %get3A_218 : vector<16xi32>
        %add3A_220 = vector.broadcast %arg0 : i32 to vector<16xi32>
        %add3A_221 = arith.addi %add3A_219, %add3A_220 : vector<16xi32>
        %swap3A_222 = arith.constant 0 : index
        %swap3A_223 = tpu.vector_load %arg12[%swap3A_222] {strides = array<i32>} : memref<64xi32, #tpu.memory_space<vmem>>, vector<16xi32>,
        tpu.vector_store %arg12[%swap3A_222], %add3A_221 {strides = array<i32>} : memref<64xi32, #tpu.memory_space<vmem>>, vector<16xi32>,
        %get3A_224 = arith.constant 16 : index
        %get3A_225 = tpu.vector_load %arg12[%get3A_224] {strides = array<i32>} : memref<64xi32, #tpu.memory_space<vmem>>, vector<16xi32>,
        %add3A_226 = arith.addi %get3A_225, %get3A_225 : vector<16xi32>
        %add3A_227 = vector.broadcast %arg0 : i32 to vector<16xi32>
        %add3A_228 = arith.addi %add3A_226, %add3A_227 : vector<16xi32>
        %swap3A_229 = arith.constant 16 : index
        %swap3A_230 = tpu.vector_load %arg12[%swap3A_229] {strides = array<i32>} : memref<64xi32, #tpu.memory_space<vmem>>, vector<16xi32>,
        tpu.vector_store %arg12[%swap3A_229], %add3A_228 {strides = array<i32>} : memref<64xi32, #tpu.memory_space<vmem>>, vector<16xi32>,
        %get3A_231 = arith.constant 32 : index
        %get3A_232 = tpu.vector_load %arg12[%get3A_231] {strides = array<i32>} : memref<64xi32, #tpu.memory_space<vmem>>, vector<16xi32>,
        %add3A_233 = arith.addi %get3A_232, %get3A_232 : vector<16xi32>
        %add3A_234 = vector.broadcast %arg0 : i32 to vector<16xi32>
        %add3A_235 = arith.addi %add3A_233, %add3A_234 : vector<16xi32>
        %swap3A_236 = arith.constant 32 : index
        %swap3A_237 = tpu.vector_load %arg12[%swap3A_236] {strides = array<i32>} : memref<64xi32, #tpu.memory_space<vmem>>, vector<16xi32>,
        tpu.vector_store %arg12[%swap3A_236], %add3A_235 {strides = array<i32>} : memref<64xi32, #tpu.memory_space<vmem>>, vector<16xi32>,
        %get3A_238 = arith.constant 48 : index
        %get3A_239 = tpu.vector_load %arg12[%get3A_238] {strides = array<i32>} : memref<64xi32, #tpu.memory_space<vmem>>, vector<16xi32>,
        %add3A_240 = arith.addi %get3A_239, %get3A_239 : vector<16xi32>
        %add3A_241 = vector.broadcast %arg0 : i32 to vector<16xi32>
        %add3A_242 = arith.addi %add3A_240, %add3A_241 : vector<16xi32>
        %swap3A_243 = arith.constant 48 : index
        %swap3A_244 = tpu.vector_load %arg12[%swap3A_243] {strides = array<i32>} : memref<64xi32, #tpu.memory_space<vmem>>, vector<16xi32>,
        tpu.vector_store %arg12[%swap3A_243], %add3A_242 {strides = array<i32>} : memref<64xi32, #tpu.memory_space<vmem>>, vector<16xi32>,
        %dma_start3A_245 = arith.constant 0 : i32
        %dma_start3A_246 = arith.constant 0 : i32
        %dma_start3A_247 = tpu.memref_slice %arg2[%dma_start3A_245, %dma_start3A_246] : memref<20480x128xf32, #tpu.memory_space<hbm>> -> memref<20480x128xf32, #tpu.memory_space<hbm>>
        tpu.enqueue_indirect_dma source(%dma_start3A_247 : memref<20480x128xf32, #tpu.memory_space<hbm>>) target(%arg8 : memref<64x128xf32, #tpu.memory_space<vmem>>) offsets(%arg12 : memref<64xi32, #tpu.memory_space<vmem>>) semaphore(%arg28 : memref<!tpu.dma_semaphore, #tpu.memory_space<semaphore_mem>>)
      } else {
      }
      %dma_wait3A_106 = arith.constant 0 : i32
      %dma_wait3A_107 = arith.constant 0 : i32
      %dma_wait3A_108 = tpu.memref_slice %arg2[%dma_wait3A_106, %dma_wait3A_107] : memref<20480x128xf32, #tpu.memory_space<hbm>> -> memref<20480x128xf32, #tpu.memory_space<hbm>>
      tpu.wait_indirect_dma semaphore(%arg27 : memref<!tpu.dma_semaphore, #tpu.memory_space<semaphore_mem>>) src(%dma_wait3A_108 : memref<20480x128xf32, #tpu.memory_space<hbm>>) dst(%arg7 : memref<64x128xf32, #tpu.memory_space<vmem>>)
      %add3A_109 = arith.addi %mul3A_2, %add3A_94 : i32
      %dma_wait3A_110 = arith.constant 0 : i32
      %dma_wait3A_111 = tpu.memref_slice %arg4[%add3A_109, %dma_wait3A_110] : memref<2560x64xi32, #tpu.memory_space<hbm>> -> memref<1x64xi32, #tpu.memory_space<hbm>>
      %dma_wait3A_112 = tpu.memref_squeeze %dma_wait3A_111 : memref<1x64xi32, #tpu.memory_space<hbm>> -> memref<64xi32, #tpu.memory_space<hbm>>
      %dma_wait3A_113 = arith.constant 0 : i32
      %dma_wait3A_114 = tpu.memref_slice %arg4[%add3A_109, %dma_wait3A_113] : memref<2560x64xi32, #tpu.memory_space<hbm>> -> memref<1x64xi32, #tpu.memory_space<hbm>>
      %dma_wait3A_115 = tpu.memref_squeeze %dma_wait3A_114 : memref<1x64xi32, #tpu.memory_space<hbm>> -> memref<64xi32, #tpu.memory_space<hbm>>
      tpu.wait_dma2 semaphore(%arg23 : memref<!tpu.dma_semaphore, #tpu.memory_space<semaphore_mem>>) src(%dma_wait3A_115 : memref<64xi32, #tpu.memory_space<hbm>>) dst(%arg15 : memref<64xi32, #tpu.memory_space<vmem>>)
      %dma_start3A_116 = arith.constant 0 : i32
      %dma_start3A_117 = arith.constant 0 : i32
      %dma_start3A_118 = tpu.memref_slice %arg35[%dma_start3A_116, %dma_start3A_117] : memref<10240x128xf32, #tpu.memory_space<vmem_shared>> -> memref<10240x128xf32, #tpu.memory_space<vmem_shared>>
      tpu.enqueue_indirect_dma source(%arg7 : memref<64x128xf32, #tpu.memory_space<vmem>>) target(%dma_start3A_118 : memref<10240x128xf32, #tpu.memory_space<vmem_shared>>) offsets(%arg15 : memref<64xi32, #tpu.memory_space<vmem>>) semaphore(%arg31 : memref<!tpu.dma_semaphore, #tpu.memory_space<semaphore_mem>>) {add = true}
      %add3A_119 = arith.constant 1 : i32
      %add3A_120 = arith.addi %mul3A_92, %add3A_119 : i32
      %add3A_121 = arith.constant 2 : i32
      %add3A_122 = arith.addi %add3A_120, %add3A_121 : i32
      %lt3A_123 = arith.constant 160 : i32
      %lt3A_124 = arith.cmpi slt, %add3A_122, %lt3A_123 : i32
      %convert_element_type3A_125 = arith.extui %lt3A_124 : i1 to i32
      %cond3A_126 = arith.constant 0 : i32
      %cond3A_127 = arith.cmpi ne, %convert_element_type3A_125, %cond3A_126 : i32
      scf.if %cond3A_127 {
        %add3A_206 = arith.constant 2 : i32
        %add3A_207 = arith.addi %add3A_120, %add3A_206 : i32
        %sub3A = arith.constant 4 : i32
        %sub3A_208 = arith.subi %add3A_207, %sub3A : i32
        %ge3A = arith.constant 0 : i32
        %ge3A_209 = arith.cmpi sge, %sub3A_208, %ge3A : i32
        %convert_element_type3A_210 = arith.extui %ge3A_209 : i1 to i32
        %cond3A_211 = arith.constant 0 : i32
        %cond3A_212 = arith.cmpi ne, %convert_element_type3A_210, %cond3A_211 : i32
        scf.if %cond3A_212 {
          %dma_wait3A_229 = arith.constant 0 : i32
          %dma_wait3A_230 = arith.constant 0 : i32
          %dma_wait3A_231 = tpu.memref_slice %arg35[%dma_wait3A_229, %dma_wait3A_230] : memref<10240x128xf32, #tpu.memory_space<vmem_shared>> -> memref<10240x128xf32, #tpu.memory_space<vmem_shared>>
          tpu.wait_indirect_dma semaphore(%arg34 : memref<!tpu.dma_semaphore, #tpu.memory_space<semaphore_mem>>) src(%arg10 : memref<64x128xf32, #tpu.memory_space<vmem>>) dst(%dma_wait3A_231 : memref<10240x128xf32, #tpu.memory_space<vmem_shared>>)
        } else {
        }
        %add3A_213 = arith.constant 2 : i32
        %add3A_214 = arith.addi %add3A_120, %add3A_213 : i32
        %add3A_215 = arith.addi %mul3A_2, %add3A_214 : i32
        %dma_start3A_216 = arith.constant 0 : i32
        %dma_start3A_217 = tpu.memref_slice %arg3[%add3A_215, %dma_start3A_216] : memref<2560x64xi32, #tpu.memory_space<hbm>> -> memref<1x64xi32, #tpu.memory_space<hbm>>
        %dma_start3A_218 = tpu.memref_squeeze %dma_start3A_217 : memref<1x64xi32, #tpu.memory_space<hbm>> -> memref<64xi32, #tpu.memory_space<hbm>>
        %dma_start3A_219 = arith.constant 0 : i32
        %dma_start3A_220 = tpu.memref_slice %arg3[%add3A_215, %dma_start3A_219] : memref<2560x64xi32, #tpu.memory_space<hbm>> -> memref<1x64xi32, #tpu.memory_space<hbm>>
        %dma_start3A_221 = tpu.memref_squeeze %dma_start3A_220 : memref<1x64xi32, #tpu.memory_space<hbm>> -> memref<64xi32, #tpu.memory_space<hbm>>
        tpu.enqueue_dma source(%dma_start3A_221 : memref<64xi32, #tpu.memory_space<hbm>>) target(%arg14 : memref<64xi32, #tpu.memory_space<vmem>>) target_semaphore(%arg22 : memref<!tpu.dma_semaphore, #tpu.memory_space<semaphore_mem>>)
        %add3A_222 = arith.addi %mul3A_2, %add3A_214 : i32
        %dma_start3A_223 = arith.constant 0 : i32
        %dma_start3A_224 = tpu.memref_slice %arg4[%add3A_222, %dma_start3A_223] : memref<2560x64xi32, #tpu.memory_space<hbm>> -> memref<1x64xi32, #tpu.memory_space<hbm>>
        %dma_start3A_225 = tpu.memref_squeeze %dma_start3A_224 : memref<1x64xi32, #tpu.memory_space<hbm>> -> memref<64xi32, #tpu.memory_space<hbm>>
        %dma_start3A_226 = arith.constant 0 : i32
        %dma_start3A_227 = tpu.memref_slice %arg4[%add3A_222, %dma_start3A_226] : memref<2560x64xi32, #tpu.memory_space<hbm>> -> memref<1x64xi32, #tpu.memory_space<hbm>>
        %dma_start3A_228 = tpu.memref_squeeze %dma_start3A_227 : memref<1x64xi32, #tpu.memory_space<hbm>> -> memref<64xi32, #tpu.memory_space<hbm>>
        tpu.enqueue_dma source(%dma_start3A_228 : memref<64xi32, #tpu.memory_space<hbm>>) target(%arg18 : memref<64xi32, #tpu.memory_space<vmem>>) target_semaphore(%arg26 : memref<!tpu.dma_semaphore, #tpu.memory_space<semaphore_mem>>)
      } else {
      }
      %add3A_128 = arith.constant 1 : i32
      %add3A_129 = arith.addi %add3A_120, %add3A_128 : i32
      %lt3A_130 = arith.constant 160 : i32
      %lt3A_131 = arith.cmpi slt, %add3A_129, %lt3A_130 : i32
      %convert_element_type3A_132 = arith.extui %lt3A_131 : i1 to i32
      %cond3A_133 = arith.constant 0 : i32
      %cond3A_134 = arith.cmpi ne, %convert_element_type3A_132, %cond3A_133 : i32
      scf.if %cond3A_134 {
        %add3A_206 = arith.constant 1 : i32
        %add3A_207 = arith.addi %add3A_120, %add3A_206 : i32
        %add3A_208 = arith.addi %mul3A_2, %add3A_207 : i32
        %dma_wait3A_209 = arith.constant 0 : i32
        %dma_wait3A_210 = tpu.memref_slice %arg3[%add3A_208, %dma_wait3A_209] : memref<2560x64xi32, #tpu.memory_space<hbm>> -> memref<1x64xi32, #tpu.memory_space<hbm>>
        %dma_wait3A_211 = tpu.memref_squeeze %dma_wait3A_210 : memref<1x64xi32, #tpu.memory_space<hbm>> -> memref<64xi32, #tpu.memory_space<hbm>>
        %dma_wait3A_212 = arith.constant 0 : i32
        %dma_wait3A_213 = tpu.memref_slice %arg3[%add3A_208, %dma_wait3A_212] : memref<2560x64xi32, #tpu.memory_space<hbm>> -> memref<1x64xi32, #tpu.memory_space<hbm>>
        %dma_wait3A_214 = tpu.memref_squeeze %dma_wait3A_213 : memref<1x64xi32, #tpu.memory_space<hbm>> -> memref<64xi32, #tpu.memory_space<hbm>>
        tpu.wait_dma2 semaphore(%arg21 : memref<!tpu.dma_semaphore, #tpu.memory_space<semaphore_mem>>) src(%dma_wait3A_214 : memref<64xi32, #tpu.memory_space<hbm>>) dst(%arg13 : memref<64xi32, #tpu.memory_space<vmem>>)
        %add3A_215 = arith.constant 1 : i32
        %add3A_216 = arith.addi %add3A_120, %add3A_215 : i32
        %get3A_217 = arith.constant 0 : index
        %get3A_218 = tpu.vector_load %arg13[%get3A_217] {strides = array<i32>} : memref<64xi32, #tpu.memory_space<vmem>>, vector<16xi32>,
        %add3A_219 = arith.addi %get3A_218, %get3A_218 : vector<16xi32>
        %add3A_220 = vector.broadcast %arg0 : i32 to vector<16xi32>
        %add3A_221 = arith.addi %add3A_219, %add3A_220 : vector<16xi32>
        %swap3A_222 = arith.constant 0 : index
        %swap3A_223 = tpu.vector_load %arg13[%swap3A_222] {strides = array<i32>} : memref<64xi32, #tpu.memory_space<vmem>>, vector<16xi32>,
        tpu.vector_store %arg13[%swap3A_222], %add3A_221 {strides = array<i32>} : memref<64xi32, #tpu.memory_space<vmem>>, vector<16xi32>,
        %get3A_224 = arith.constant 16 : index
        %get3A_225 = tpu.vector_load %arg13[%get3A_224] {strides = array<i32>} : memref<64xi32, #tpu.memory_space<vmem>>, vector<16xi32>,
        %add3A_226 = arith.addi %get3A_225, %get3A_225 : vector<16xi32>
        %add3A_227 = vector.broadcast %arg0 : i32 to vector<16xi32>
        %add3A_228 = arith.addi %add3A_226, %add3A_227 : vector<16xi32>
        %swap3A_229 = arith.constant 16 : index
        %swap3A_230 = tpu.vector_load %arg13[%swap3A_229] {strides = array<i32>} : memref<64xi32, #tpu.memory_space<vmem>>, vector<16xi32>,
        tpu.vector_store %arg13[%swap3A_229], %add3A_228 {strides = array<i32>} : memref<64xi32, #tpu.memory_space<vmem>>, vector<16xi32>,
        %get3A_231 = arith.constant 32 : index
        %get3A_232 = tpu.vector_load %arg13[%get3A_231] {strides = array<i32>} : memref<64xi32, #tpu.memory_space<vmem>>, vector<16xi32>,
        %add3A_233 = arith.addi %get3A_232, %get3A_232 : vector<16xi32>
        %add3A_234 = vector.broadcast %arg0 : i32 to vector<16xi32>
        %add3A_235 = arith.addi %add3A_233, %add3A_234 : vector<16xi32>
        %swap3A_236 = arith.constant 32 : index
        %swap3A_237 = tpu.vector_load %arg13[%swap3A_236] {strides = array<i32>} : memref<64xi32, #tpu.memory_space<vmem>>, vector<16xi32>,
        tpu.vector_store %arg13[%swap3A_236], %add3A_235 {strides = array<i32>} : memref<64xi32, #tpu.memory_space<vmem>>, vector<16xi32>,
        %get3A_238 = arith.constant 48 : index
        %get3A_239 = tpu.vector_load %arg13[%get3A_238] {strides = array<i32>} : memref<64xi32, #tpu.memory_space<vmem>>, vector<16xi32>,
        %add3A_240 = arith.addi %get3A_239, %get3A_239 : vector<16xi32>
        %add3A_241 = vector.broadcast %arg0 : i32 to vector<16xi32>
        %add3A_242 = arith.addi %add3A_240, %add3A_241 : vector<16xi32>
        %swap3A_243 = arith.constant 48 : index
        %swap3A_244 = tpu.vector_load %arg13[%swap3A_243] {strides = array<i32>} : memref<64xi32, #tpu.memory_space<vmem>>, vector<16xi32>,
        tpu.vector_store %arg13[%swap3A_243], %add3A_242 {strides = array<i32>} : memref<64xi32, #tpu.memory_space<vmem>>, vector<16xi32>,
        %dma_start3A_245 = arith.constant 0 : i32
        %dma_start3A_246 = arith.constant 0 : i32
        %dma_start3A_247 = tpu.memref_slice %arg2[%dma_start3A_245, %dma_start3A_246] : memref<20480x128xf32, #tpu.memory_space<hbm>> -> memref<20480x128xf32, #tpu.memory_space<hbm>>
        tpu.enqueue_indirect_dma source(%dma_start3A_247 : memref<20480x128xf32, #tpu.memory_space<hbm>>) target(%arg9 : memref<64x128xf32, #tpu.memory_space<vmem>>) offsets(%arg13 : memref<64xi32, #tpu.memory_space<vmem>>) semaphore(%arg29 : memref<!tpu.dma_semaphore, #tpu.memory_space<semaphore_mem>>)
      } else {
      }
      %dma_wait3A_135 = arith.constant 0 : i32
      %dma_wait3A_136 = arith.constant 0 : i32
      %dma_wait3A_137 = tpu.memref_slice %arg2[%dma_wait3A_135, %dma_wait3A_136] : memref<20480x128xf32, #tpu.memory_space<hbm>> -> memref<20480x128xf32, #tpu.memory_space<hbm>>
      tpu.wait_indirect_dma semaphore(%arg28 : memref<!tpu.dma_semaphore, #tpu.memory_space<semaphore_mem>>) src(%dma_wait3A_137 : memref<20480x128xf32, #tpu.memory_space<hbm>>) dst(%arg8 : memref<64x128xf32, #tpu.memory_space<vmem>>)
      %add3A_138 = arith.addi %mul3A_2, %add3A_120 : i32
      %dma_wait3A_139 = arith.constant 0 : i32
      %dma_wait3A_140 = tpu.memref_slice %arg4[%add3A_138, %dma_wait3A_139] : memref<2560x64xi32, #tpu.memory_space<hbm>> -> memref<1x64xi32, #tpu.memory_space<hbm>>
      %dma_wait3A_141 = tpu.memref_squeeze %dma_wait3A_140 : memref<1x64xi32, #tpu.memory_space<hbm>> -> memref<64xi32, #tpu.memory_space<hbm>>
      %dma_wait3A_142 = arith.constant 0 : i32
      %dma_wait3A_143 = tpu.memref_slice %arg4[%add3A_138, %dma_wait3A_142] : memref<2560x64xi32, #tpu.memory_space<hbm>> -> memref<1x64xi32, #tpu.memory_space<hbm>>
      %dma_wait3A_144 = tpu.memref_squeeze %dma_wait3A_143 : memref<1x64xi32, #tpu.memory_space<hbm>> -> memref<64xi32, #tpu.memory_space<hbm>>
      tpu.wait_dma2 semaphore(%arg24 : memref<!tpu.dma_semaphore, #tpu.memory_space<semaphore_mem>>) src(%dma_wait3A_144 : memref<64xi32, #tpu.memory_space<hbm>>) dst(%arg16 : memref<64xi32, #tpu.memory_space<vmem>>)
      %dma_start3A_145 = arith.constant 0 : i32
      %dma_start3A_146 = arith.constant 0 : i32
      %dma_start3A_147 = tpu.memref_slice %arg35[%dma_start3A_145, %dma_start3A_146] : memref<10240x128xf32, #tpu.memory_space<vmem_shared>> -> memref<10240x128xf32, #tpu.memory_space<vmem_shared>>
      tpu.enqueue_indirect_dma source(%arg8 : memref<64x128xf32, #tpu.memory_space<vmem>>) target(%dma_start3A_147 : memref<10240x128xf32, #tpu.memory_space<vmem_shared>>) offsets(%arg16 : memref<64xi32, #tpu.memory_space<vmem>>) semaphore(%arg32 : memref<!tpu.dma_semaphore, #tpu.memory_space<semaphore_mem>>) {add = true}
      %add3A_148 = arith.constant 2 : i32
      %add3A_149 = arith.addi %mul3A_92, %add3A_148 : i32
      %add3A_150 = arith.constant 2 : i32
      %add3A_151 = arith.addi %add3A_149, %add3A_150 : i32
      %lt3A_152 = arith.constant 160 : i32
      %lt3A_153 = arith.cmpi slt, %add3A_151, %lt3A_152 : i32
      %convert_element_type3A_154 = arith.extui %lt3A_153 : i1 to i32
      %cond3A_155 = arith.constant 0 : i32
      %cond3A_156 = arith.cmpi ne, %convert_element_type3A_154, %cond3A_155 : i32
      scf.if %cond3A_156 {
        %add3A_206 = arith.constant 2 : i32
        %add3A_207 = arith.addi %add3A_149, %add3A_206 : i32
        %sub3A = arith.constant 4 : i32
        %sub3A_208 = arith.subi %add3A_207, %sub3A : i32
        %ge3A = arith.constant 0 : i32
        %ge3A_209 = arith.cmpi sge, %sub3A_208, %ge3A : i32
        %convert_element_type3A_210 = arith.extui %ge3A_209 : i1 to i32
        %cond3A_211 = arith.constant 0 : i32
        %cond3A_212 = arith.cmpi ne, %convert_element_type3A_210, %cond3A_211 : i32
        scf.if %cond3A_212 {
          %dma_wait3A_229 = arith.constant 0 : i32
          %dma_wait3A_230 = arith.constant 0 : i32
          %dma_wait3A_231 = tpu.memref_slice %arg35[%dma_wait3A_229, %dma_wait3A_230] : memref<10240x128xf32, #tpu.memory_space<vmem_shared>> -> memref<10240x128xf32, #tpu.memory_space<vmem_shared>>
          tpu.wait_indirect_dma semaphore(%arg31 : memref<!tpu.dma_semaphore, #tpu.memory_space<semaphore_mem>>) src(%arg7 : memref<64x128xf32, #tpu.memory_space<vmem>>) dst(%dma_wait3A_231 : memref<10240x128xf32, #tpu.memory_space<vmem_shared>>)
        } else {
        }
        %add3A_213 = arith.constant 2 : i32
        %add3A_214 = arith.addi %add3A_149, %add3A_213 : i32
        %add3A_215 = arith.addi %mul3A_2, %add3A_214 : i32
        %dma_start3A_216 = arith.constant 0 : i32
        %dma_start3A_217 = tpu.memref_slice %arg3[%add3A_215, %dma_start3A_216] : memref<2560x64xi32, #tpu.memory_space<hbm>> -> memref<1x64xi32, #tpu.memory_space<hbm>>
        %dma_start3A_218 = tpu.memref_squeeze %dma_start3A_217 : memref<1x64xi32, #tpu.memory_space<hbm>> -> memref<64xi32, #tpu.memory_space<hbm>>
        %dma_start3A_219 = arith.constant 0 : i32
        %dma_start3A_220 = tpu.memref_slice %arg3[%add3A_215, %dma_start3A_219] : memref<2560x64xi32, #tpu.memory_space<hbm>> -> memref<1x64xi32, #tpu.memory_space<hbm>>
        %dma_start3A_221 = tpu.memref_squeeze %dma_start3A_220 : memref<1x64xi32, #tpu.memory_space<hbm>> -> memref<64xi32, #tpu.memory_space<hbm>>
        tpu.enqueue_dma source(%dma_start3A_221 : memref<64xi32, #tpu.memory_space<hbm>>) target(%arg11 : memref<64xi32, #tpu.memory_space<vmem>>) target_semaphore(%arg19 : memref<!tpu.dma_semaphore, #tpu.memory_space<semaphore_mem>>)
        %add3A_222 = arith.addi %mul3A_2, %add3A_214 : i32
        %dma_start3A_223 = arith.constant 0 : i32
        %dma_start3A_224 = tpu.memref_slice %arg4[%add3A_222, %dma_start3A_223] : memref<2560x64xi32, #tpu.memory_space<hbm>> -> memref<1x64xi32, #tpu.memory_space<hbm>>
        %dma_start3A_225 = tpu.memref_squeeze %dma_start3A_224 : memref<1x64xi32, #tpu.memory_space<hbm>> -> memref<64xi32, #tpu.memory_space<hbm>>
        %dma_start3A_226 = arith.constant 0 : i32
        %dma_start3A_227 = tpu.memref_slice %arg4[%add3A_222, %dma_start3A_226] : memref<2560x64xi32, #tpu.memory_space<hbm>> -> memref<1x64xi32, #tpu.memory_space<hbm>>
        %dma_start3A_228 = tpu.memref_squeeze %dma_start3A_227 : memref<1x64xi32, #tpu.memory_space<hbm>> -> memref<64xi32, #tpu.memory_space<hbm>>
        tpu.enqueue_dma source(%dma_start3A_228 : memref<64xi32, #tpu.memory_space<hbm>>) target(%arg15 : memref<64xi32, #tpu.memory_space<vmem>>) target_semaphore(%arg23 : memref<!tpu.dma_semaphore, #tpu.memory_space<semaphore_mem>>)
      } else {
      }
      %add3A_157 = arith.constant 1 : i32
      %add3A_158 = arith.addi %add3A_149, %add3A_157 : i32
      %lt3A_159 = arith.constant 160 : i32
      %lt3A_160 = arith.cmpi slt, %add3A_158, %lt3A_159 : i32
      %convert_element_type3A_161 = arith.extui %lt3A_160 : i1 to i32
      %cond3A_162 = arith.constant 0 : i32
      %cond3A_163 = arith.cmpi ne, %convert_element_type3A_161, %cond3A_162 : i32
      scf.if %cond3A_163 {
        %add3A_206 = arith.constant 1 : i32
        %add3A_207 = arith.addi %add3A_149, %add3A_206 : i32
        %add3A_208 = arith.addi %mul3A_2, %add3A_207 : i32
        %dma_wait3A_209 = arith.constant 0 : i32
        %dma_wait3A_210 = tpu.memref_slice %arg3[%add3A_208, %dma_wait3A_209] : memref<2560x64xi32, #tpu.memory_space<hbm>> -> memref<1x64xi32, #tpu.memory_space<hbm>>
        %dma_wait3A_211 = tpu.memref_squeeze %dma_wait3A_210 : memref<1x64xi32, #tpu.memory_space<hbm>> -> memref<64xi32, #tpu.memory_space<hbm>>
        %dma_wait3A_212 = arith.constant 0 : i32
        %dma_wait3A_213 = tpu.memref_slice %arg3[%add3A_208, %dma_wait3A_212] : memref<2560x64xi32, #tpu.memory_space<hbm>> -> memref<1x64xi32, #tpu.memory_space<hbm>>
        %dma_wait3A_214 = tpu.memref_squeeze %dma_wait3A_213 : memref<1x64xi32, #tpu.memory_space<hbm>> -> memref<64xi32, #tpu.memory_space<hbm>>
        tpu.wait_dma2 semaphore(%arg22 : memref<!tpu.dma_semaphore, #tpu.memory_space<semaphore_mem>>) src(%dma_wait3A_214 : memref<64xi32, #tpu.memory_space<hbm>>) dst(%arg14 : memref<64xi32, #tpu.memory_space<vmem>>)
        %add3A_215 = arith.constant 1 : i32
        %add3A_216 = arith.addi %add3A_149, %add3A_215 : i32
        %get3A_217 = arith.constant 0 : index
        %get3A_218 = tpu.vector_load %arg14[%get3A_217] {strides = array<i32>} : memref<64xi32, #tpu.memory_space<vmem>>, vector<16xi32>,
        %add3A_219 = arith.addi %get3A_218, %get3A_218 : vector<16xi32>
        %add3A_220 = vector.broadcast %arg0 : i32 to vector<16xi32>
        %add3A_221 = arith.addi %add3A_219, %add3A_220 : vector<16xi32>
        %swap3A_222 = arith.constant 0 : index
        %swap3A_223 = tpu.vector_load %arg14[%swap3A_222] {strides = array<i32>} : memref<64xi32, #tpu.memory_space<vmem>>, vector<16xi32>,
        tpu.vector_store %arg14[%swap3A_222], %add3A_221 {strides = array<i32>} : memref<64xi32, #tpu.memory_space<vmem>>, vector<16xi32>,
        %get3A_224 = arith.constant 16 : index
        %get3A_225 = tpu.vector_load %arg14[%get3A_224] {strides = array<i32>} : memref<64xi32, #tpu.memory_space<vmem>>, vector<16xi32>,
        %add3A_226 = arith.addi %get3A_225, %get3A_225 : vector<16xi32>
        %add3A_227 = vector.broadcast %arg0 : i32 to vector<16xi32>
        %add3A_228 = arith.addi %add3A_226, %add3A_227 : vector<16xi32>
        %swap3A_229 = arith.constant 16 : index
        %swap3A_230 = tpu.vector_load %arg14[%swap3A_229] {strides = array<i32>} : memref<64xi32, #tpu.memory_space<vmem>>, vector<16xi32>,
        tpu.vector_store %arg14[%swap3A_229], %add3A_228 {strides = array<i32>} : memref<64xi32, #tpu.memory_space<vmem>>, vector<16xi32>,
        %get3A_231 = arith.constant 32 : index
        %get3A_232 = tpu.vector_load %arg14[%get3A_231] {strides = array<i32>} : memref<64xi32, #tpu.memory_space<vmem>>, vector<16xi32>,
        %add3A_233 = arith.addi %get3A_232, %get3A_232 : vector<16xi32>
        %add3A_234 = vector.broadcast %arg0 : i32 to vector<16xi32>
        %add3A_235 = arith.addi %add3A_233, %add3A_234 : vector<16xi32>
        %swap3A_236 = arith.constant 32 : index
        %swap3A_237 = tpu.vector_load %arg14[%swap3A_236] {strides = array<i32>} : memref<64xi32, #tpu.memory_space<vmem>>, vector<16xi32>,
        tpu.vector_store %arg14[%swap3A_236], %add3A_235 {strides = array<i32>} : memref<64xi32, #tpu.memory_space<vmem>>, vector<16xi32>,
        %get3A_238 = arith.constant 48 : index
        %get3A_239 = tpu.vector_load %arg14[%get3A_238] {strides = array<i32>} : memref<64xi32, #tpu.memory_space<vmem>>, vector<16xi32>,
        %add3A_240 = arith.addi %get3A_239, %get3A_239 : vector<16xi32>
        %add3A_241 = vector.broadcast %arg0 : i32 to vector<16xi32>
        %add3A_242 = arith.addi %add3A_240, %add3A_241 : vector<16xi32>
        %swap3A_243 = arith.constant 48 : index
        %swap3A_244 = tpu.vector_load %arg14[%swap3A_243] {strides = array<i32>} : memref<64xi32, #tpu.memory_space<vmem>>, vector<16xi32>,
        tpu.vector_store %arg14[%swap3A_243], %add3A_242 {strides = array<i32>} : memref<64xi32, #tpu.memory_space<vmem>>, vector<16xi32>,
        %dma_start3A_245 = arith.constant 0 : i32
        %dma_start3A_246 = arith.constant 0 : i32
        %dma_start3A_247 = tpu.memref_slice %arg2[%dma_start3A_245, %dma_start3A_246] : memref<20480x128xf32, #tpu.memory_space<hbm>> -> memref<20480x128xf32, #tpu.memory_space<hbm>>
        tpu.enqueue_indirect_dma source(%dma_start3A_247 : memref<20480x128xf32, #tpu.memory_space<hbm>>) target(%arg10 : memref<64x128xf32, #tpu.memory_space<vmem>>) offsets(%arg14 : memref<64xi32, #tpu.memory_space<vmem>>) semaphore(%arg30 : memref<!tpu.dma_semaphore, #tpu.memory_space<semaphore_mem>>)
      } else {
      }
      %dma_wait3A_164 = arith.constant 0 : i32
      %dma_wait3A_165 = arith.constant 0 : i32
      %dma_wait3A_166 = tpu.memref_slice %arg2[%dma_wait3A_164, %dma_wait3A_165] : memref<20480x128xf32, #tpu.memory_space<hbm>> -> memref<20480x128xf32, #tpu.memory_space<hbm>>
      tpu.wait_indirect_dma semaphore(%arg29 : memref<!tpu.dma_semaphore, #tpu.memory_space<semaphore_mem>>) src(%dma_wait3A_166 : memref<20480x128xf32, #tpu.memory_space<hbm>>) dst(%arg9 : memref<64x128xf32, #tpu.memory_space<vmem>>)
      %add3A_167 = arith.addi %mul3A_2, %add3A_149 : i32
      %dma_wait3A_168 = arith.constant 0 : i32
      %dma_wait3A_169 = tpu.memref_slice %arg4[%add3A_167, %dma_wait3A_168] : memref<2560x64xi32, #tpu.memory_space<hbm>> -> memref<1x64xi32, #tpu.memory_space<hbm>>
      %dma_wait3A_170 = tpu.memref_squeeze %dma_wait3A_169 : memref<1x64xi32, #tpu.memory_space<hbm>> -> memref<64xi32, #tpu.memory_space<hbm>>
      %dma_wait3A_171 = arith.constant 0 : i32
      %dma_wait3A_172 = tpu.memref_slice %arg4[%add3A_167, %dma_wait3A_171] : memref<2560x64xi32, #tpu.memory_space<hbm>> -> memref<1x64xi32, #tpu.memory_space<hbm>>
      %dma_wait3A_173 = tpu.memref_squeeze %dma_wait3A_172 : memref<1x64xi32, #tpu.memory_space<hbm>> -> memref<64xi32, #tpu.memory_space<hbm>>
      tpu.wait_dma2 semaphore(%arg25 : memref<!tpu.dma_semaphore, #tpu.memory_space<semaphore_mem>>) src(%dma_wait3A_173 : memref<64xi32, #tpu.memory_space<hbm>>) dst(%arg17 : memref<64xi32, #tpu.memory_space<vmem>>)
      %dma_start3A_174 = arith.constant 0 : i32
      %dma_start3A_175 = arith.constant 0 : i32
      %dma_start3A_176 = tpu.memref_slice %arg35[%dma_start3A_174, %dma_start3A_175] : memref<10240x128xf32, #tpu.memory_space<vmem_shared>> -> memref<10240x128xf32, #tpu.memory_space<vmem_shared>>
      tpu.enqueue_indirect_dma source(%arg9 : memref<64x128xf32, #tpu.memory_space<vmem>>) target(%dma_start3A_176 : memref<10240x128xf32, #tpu.memory_space<vmem_shared>>) offsets(%arg17 : memref<64xi32, #tpu.memory_space<vmem>>) semaphore(%arg33 : memref<!tpu.dma_semaphore, #tpu.memory_space<semaphore_mem>>) {add = true}
      %add3A_177 = arith.constant 3 : i32
      %add3A_178 = arith.addi %mul3A_92, %add3A_177 : i32
      %add3A_179 = arith.constant 2 : i32
      %add3A_180 = arith.addi %add3A_178, %add3A_179 : i32
      %lt3A_181 = arith.constant 160 : i32
      %lt3A_182 = arith.cmpi slt, %add3A_180, %lt3A_181 : i32
      %convert_element_type3A_183 = arith.extui %lt3A_182 : i1 to i32
      %cond3A_184 = arith.constant 0 : i32
      %cond3A_185 = arith.cmpi ne, %convert_element_type3A_183, %cond3A_184 : i32
      scf.if %cond3A_185 {
        %add3A_206 = arith.constant 2 : i32
        %add3A_207 = arith.addi %add3A_178, %add3A_206 : i32
        %sub3A = arith.constant 4 : i32
        %sub3A_208 = arith.subi %add3A_207, %sub3A : i32
        %ge3A = arith.constant 0 : i32
        %ge3A_209 = arith.cmpi sge, %sub3A_208, %ge3A : i32
        %convert_element_type3A_210 = arith.extui %ge3A_209 : i1 to i32
        %cond3A_211 = arith.constant 0 : i32
        %cond3A_212 = arith.cmpi ne, %convert_element_type3A_210, %cond3A_211 : i32
        scf.if %cond3A_212 {
          %dma_wait3A_229 = arith.constant 0 : i32
          %dma_wait3A_230 = arith.constant 0 : i32
          %dma_wait3A_231 = tpu.memref_slice %arg35[%dma_wait3A_229, %dma_wait3A_230] : memref<10240x128xf32, #tpu.memory_space<vmem_shared>> -> memref<10240x128xf32, #tpu.memory_space<vmem_shared>>
          tpu.wait_indirect_dma semaphore(%arg32 : memref<!tpu.dma_semaphore, #tpu.memory_space<semaphore_mem>>) src(%arg8 : memref<64x128xf32, #tpu.memory_space<vmem>>) dst(%dma_wait3A_231 : memref<10240x128xf32, #tpu.memory_space<vmem_shared>>)
        } else {
        }
        %add3A_213 = arith.constant 2 : i32
        %add3A_214 = arith.addi %add3A_178, %add3A_213 : i32
        %add3A_215 = arith.addi %mul3A_2, %add3A_214 : i32
        %dma_start3A_216 = arith.constant 0 : i32
        %dma_start3A_217 = tpu.memref_slice %arg3[%add3A_215, %dma_start3A_216] : memref<2560x64xi32, #tpu.memory_space<hbm>> -> memref<1x64xi32, #tpu.memory_space<hbm>>
        %dma_start3A_218 = tpu.memref_squeeze %dma_start3A_217 : memref<1x64xi32, #tpu.memory_space<hbm>> -> memref<64xi32, #tpu.memory_space<hbm>>
        %dma_start3A_219 = arith.constant 0 : i32
        %dma_start3A_220 = tpu.memref_slice %arg3[%add3A_215, %dma_start3A_219] : memref<2560x64xi32, #tpu.memory_space<hbm>> -> memref<1x64xi32, #tpu.memory_space<hbm>>
        %dma_start3A_221 = tpu.memref_squeeze %dma_start3A_220 : memref<1x64xi32, #tpu.memory_space<hbm>> -> memref<64xi32, #tpu.memory_space<hbm>>
        tpu.enqueue_dma source(%dma_start3A_221 : memref<64xi32, #tpu.memory_space<hbm>>) target(%arg12 : memref<64xi32, #tpu.memory_space<vmem>>) target_semaphore(%arg20 : memref<!tpu.dma_semaphore, #tpu.memory_space<semaphore_mem>>)
        %add3A_222 = arith.addi %mul3A_2, %add3A_214 : i32
        %dma_start3A_223 = arith.constant 0 : i32
        %dma_start3A_224 = tpu.memref_slice %arg4[%add3A_222, %dma_start3A_223] : memref<2560x64xi32, #tpu.memory_space<hbm>> -> memref<1x64xi32, #tpu.memory_space<hbm>>
        %dma_start3A_225 = tpu.memref_squeeze %dma_start3A_224 : memref<1x64xi32, #tpu.memory_space<hbm>> -> memref<64xi32, #tpu.memory_space<hbm>>
        %dma_start3A_226 = arith.constant 0 : i32
        %dma_start3A_227 = tpu.memref_slice %arg4[%add3A_222, %dma_start3A_226] : memref<2560x64xi32, #tpu.memory_space<hbm>> -> memref<1x64xi32, #tpu.memory_space<hbm>>
        %dma_start3A_228 = tpu.memref_squeeze %dma_start3A_227 : memref<1x64xi32, #tpu.memory_space<hbm>> -> memref<64xi32, #tpu.memory_space<hbm>>
        tpu.enqueue_dma source(%dma_start3A_228 : memref<64xi32, #tpu.memory_space<hbm>>) target(%arg16 : memref<64xi32, #tpu.memory_space<vmem>>) target_semaphore(%arg24 : memref<!tpu.dma_semaphore, #tpu.memory_space<semaphore_mem>>)
      } else {
      }
      %add3A_186 = arith.constant 1 : i32
      %add3A_187 = arith.addi %add3A_178, %add3A_186 : i32
      %lt3A_188 = arith.constant 160 : i32
      %lt3A_189 = arith.cmpi slt, %add3A_187, %lt3A_188 : i32
      %convert_element_type3A_190 = arith.extui %lt3A_189 : i1 to i32
      %cond3A_191 = arith.constant 0 : i32
      %cond3A_192 = arith.cmpi ne, %convert_element_type3A_190, %cond3A_191 : i32
      scf.if %cond3A_192 {
        %add3A_206 = arith.constant 1 : i32
        %add3A_207 = arith.addi %add3A_178, %add3A_206 : i32
        %add3A_208 = arith.addi %mul3A_2, %add3A_207 : i32
        %dma_wait3A_209 = arith.constant 0 : i32
        %dma_wait3A_210 = tpu.memref_slice %arg3[%add3A_208, %dma_wait3A_209] : memref<2560x64xi32, #tpu.memory_space<hbm>> -> memref<1x64xi32, #tpu.memory_space<hbm>>
        %dma_wait3A_211 = tpu.memref_squeeze %dma_wait3A_210 : memref<1x64xi32, #tpu.memory_space<hbm>> -> memref<64xi32, #tpu.memory_space<hbm>>
        %dma_wait3A_212 = arith.constant 0 : i32
        %dma_wait3A_213 = tpu.memref_slice %arg3[%add3A_208, %dma_wait3A_212] : memref<2560x64xi32, #tpu.memory_space<hbm>> -> memref<1x64xi32, #tpu.memory_space<hbm>>
        %dma_wait3A_214 = tpu.memref_squeeze %dma_wait3A_213 : memref<1x64xi32, #tpu.memory_space<hbm>> -> memref<64xi32, #tpu.memory_space<hbm>>
        tpu.wait_dma2 semaphore(%arg19 : memref<!tpu.dma_semaphore, #tpu.memory_space<semaphore_mem>>) src(%dma_wait3A_214 : memref<64xi32, #tpu.memory_space<hbm>>) dst(%arg11 : memref<64xi32, #tpu.memory_space<vmem>>)
        %add3A_215 = arith.constant 1 : i32
        %add3A_216 = arith.addi %add3A_178, %add3A_215 : i32
        %get3A_217 = arith.constant 0 : index
        %get3A_218 = tpu.vector_load %arg11[%get3A_217] {strides = array<i32>} : memref<64xi32, #tpu.memory_space<vmem>>, vector<16xi32>,
        %add3A_219 = arith.addi %get3A_218, %get3A_218 : vector<16xi32>
        %add3A_220 = vector.broadcast %arg0 : i32 to vector<16xi32>
        %add3A_221 = arith.addi %add3A_219, %add3A_220 : vector<16xi32>
        %swap3A_222 = arith.constant 0 : index
        %swap3A_223 = tpu.vector_load %arg11[%swap3A_222] {strides = array<i32>} : memref<64xi32, #tpu.memory_space<vmem>>, vector<16xi32>,
        tpu.vector_store %arg11[%swap3A_222], %add3A_221 {strides = array<i32>} : memref<64xi32, #tpu.memory_space<vmem>>, vector<16xi32>,
        %get3A_224 = arith.constant 16 : index
        %get3A_225 = tpu.vector_load %arg11[%get3A_224] {strides = array<i32>} : memref<64xi32, #tpu.memory_space<vmem>>, vector<16xi32>,
        %add3A_226 = arith.addi %get3A_225, %get3A_225 : vector<16xi32>
        %add3A_227 = vector.broadcast %arg0 : i32 to vector<16xi32>
        %add3A_228 = arith.addi %add3A_226, %add3A_227 : vector<16xi32>
        %swap3A_229 = arith.constant 16 : index
        %swap3A_230 = tpu.vector_load %arg11[%swap3A_229] {strides = array<i32>} : memref<64xi32, #tpu.memory_space<vmem>>, vector<16xi32>,
        tpu.vector_store %arg11[%swap3A_229], %add3A_228 {strides = array<i32>} : memref<64xi32, #tpu.memory_space<vmem>>, vector<16xi32>,
        %get3A_231 = arith.constant 32 : index
        %get3A_232 = tpu.vector_load %arg11[%get3A_231] {strides = array<i32>} : memref<64xi32, #tpu.memory_space<vmem>>, vector<16xi32>,
        %add3A_233 = arith.addi %get3A_232, %get3A_232 : vector<16xi32>
        %add3A_234 = vector.broadcast %arg0 : i32 to vector<16xi32>
        %add3A_235 = arith.addi %add3A_233, %add3A_234 : vector<16xi32>
        %swap3A_236 = arith.constant 32 : index
        %swap3A_237 = tpu.vector_load %arg11[%swap3A_236] {strides = array<i32>} : memref<64xi32, #tpu.memory_space<vmem>>, vector<16xi32>,
        tpu.vector_store %arg11[%swap3A_236], %add3A_235 {strides = array<i32>} : memref<64xi32, #tpu.memory_space<vmem>>, vector<16xi32>,
        %get3A_238 = arith.constant 48 : index
        %get3A_239 = tpu.vector_load %arg11[%get3A_238] {strides = array<i32>} : memref<64xi32, #tpu.memory_space<vmem>>, vector<16xi32>,
        %add3A_240 = arith.addi %get3A_239, %get3A_239 : vector<16xi32>
        %add3A_241 = vector.broadcast %arg0 : i32 to vector<16xi32>
        %add3A_242 = arith.addi %add3A_240, %add3A_241 : vector<16xi32>
        %swap3A_243 = arith.constant 48 : index
        %swap3A_244 = tpu.vector_load %arg11[%swap3A_243] {strides = array<i32>} : memref<64xi32, #tpu.memory_space<vmem>>, vector<16xi32>,
        tpu.vector_store %arg11[%swap3A_243], %add3A_242 {strides = array<i32>} : memref<64xi32, #tpu.memory_space<vmem>>, vector<16xi32>,
        %dma_start3A_245 = arith.constant 0 : i32
        %dma_start3A_246 = arith.constant 0 : i32
        %dma_start3A_247 = tpu.memref_slice %arg2[%dma_start3A_245, %dma_start3A_246] : memref<20480x128xf32, #tpu.memory_space<hbm>> -> memref<20480x128xf32, #tpu.memory_space<hbm>>
        tpu.enqueue_indirect_dma source(%dma_start3A_247 : memref<20480x128xf32, #tpu.memory_space<hbm>>) target(%arg7 : memref<64x128xf32, #tpu.memory_space<vmem>>) offsets(%arg11 : memref<64xi32, #tpu.memory_space<vmem>>) semaphore(%arg27 : memref<!tpu.dma_semaphore, #tpu.memory_space<semaphore_mem>>)
      } else {
      }
      %dma_wait3A_193 = arith.constant 0 : i32
      %dma_wait3A_194 = arith.constant 0 : i32
      %dma_wait3A_195 = tpu.memref_slice %arg2[%dma_wait3A_193, %dma_wait3A_194] : memref<20480x128xf32, #tpu.memory_space<hbm>> -> memref<20480x128xf32, #tpu.memory_space<hbm>>
      tpu.wait_indirect_dma semaphore(%arg30 : memref<!tpu.dma_semaphore, #tpu.memory_space<semaphore_mem>>) src(%dma_wait3A_195 : memref<20480x128xf32, #tpu.memory_space<hbm>>) dst(%arg10 : memref<64x128xf32, #tpu.memory_space<vmem>>)
      %add3A_196 = arith.addi %mul3A_2, %add3A_178 : i32
      %dma_wait3A_197 = arith.constant 0 : i32
      %dma_wait3A_198 = tpu.memref_slice %arg4[%add3A_196, %dma_wait3A_197] : memref<2560x64xi32, #tpu.memory_space<hbm>> -> memref<1x64xi32, #tpu.memory_space<hbm>>
      %dma_wait3A_199 = tpu.memref_squeeze %dma_wait3A_198 : memref<1x64xi32, #tpu.memory_space<hbm>> -> memref<64xi32, #tpu.memory_space<hbm>>
      %dma_wait3A_200 = arith.constant 0 : i32
      %dma_wait3A_201 = tpu.memref_slice %arg4[%add3A_196, %dma_wait3A_200] : memref<2560x64xi32, #tpu.memory_space<hbm>> -> memref<1x64xi32, #tpu.memory_space<hbm>>
      %dma_wait3A_202 = tpu.memref_squeeze %dma_wait3A_201 : memref<1x64xi32, #tpu.memory_space<hbm>> -> memref<64xi32, #tpu.memory_space<hbm>>
      tpu.wait_dma2 semaphore(%arg26 : memref<!tpu.dma_semaphore, #tpu.memory_space<semaphore_mem>>) src(%dma_wait3A_202 : memref<64xi32, #tpu.memory_space<hbm>>) dst(%arg18 : memref<64xi32, #tpu.memory_space<vmem>>)
      %dma_start3A_203 = arith.constant 0 : i32
      %dma_start3A_204 = arith.constant 0 : i32
      %dma_start3A_205 = tpu.memref_slice %arg35[%dma_start3A_203, %dma_start3A_204] : memref<10240x128xf32, #tpu.memory_space<vmem_shared>> -> memref<10240x128xf32, #tpu.memory_space<vmem_shared>>
      tpu.enqueue_indirect_dma source(%arg10 : memref<64x128xf32, #tpu.memory_space<vmem>>) target(%dma_start3A_205 : memref<10240x128xf32, #tpu.memory_space<vmem_shared>>) offsets(%arg18 : memref<64xi32, #tpu.memory_space<vmem>>) semaphore(%arg34 : memref<!tpu.dma_semaphore, #tpu.memory_space<semaphore_mem>>) {add = true}
    }
    %scan3A_73 = arith.constant 40 : i32
    %dma_wait3A_74 = arith.constant 0 : i32
    %dma_wait3A_75 = arith.constant 0 : i32
    %dma_wait3A_76 = tpu.memref_slice %arg35[%dma_wait3A_74, %dma_wait3A_75] : memref<10240x128xf32, #tpu.memory_space<vmem_shared>> -> memref<10240x128xf32, #tpu.memory_space<vmem_shared>>
    tpu.wait_indirect_dma semaphore(%arg31 : memref<!tpu.dma_semaphore, #tpu.memory_space<semaphore_mem>>) src(%arg7 : memref<64x128xf32, #tpu.memory_space<vmem>>) dst(%dma_wait3A_76 : memref<10240x128xf32, #tpu.memory_space<vmem_shared>>)
    %dma_wait3A_77 = arith.constant 0 : i32
    %dma_wait3A_78 = arith.constant 0 : i32
    %dma_wait3A_79 = tpu.memref_slice %arg35[%dma_wait3A_77, %dma_wait3A_78] : memref<10240x128xf32, #tpu.memory_space<vmem_shared>> -> memref<10240x128xf32, #tpu.memory_space<vmem_shared>>
    tpu.wait_indirect_dma semaphore(%arg32 : memref<!tpu.dma_semaphore, #tpu.memory_space<semaphore_mem>>) src(%arg8 : memref<64x128xf32, #tpu.memory_space<vmem>>) dst(%dma_wait3A_79 : memref<10240x128xf32, #tpu.memory_space<vmem_shared>>)
    %dma_wait3A_80 = arith.constant 0 : i32
    %dma_wait3A_81 = arith.constant 0 : i32
    %dma_wait3A_82 = tpu.memref_slice %arg35[%dma_wait3A_80, %dma_wait3A_81] : memref<10240x128xf32, #tpu.memory_space<vmem_shared>> -> memref<10240x128xf32, #tpu.memory_space<vmem_shared>>
    tpu.wait_indirect_dma semaphore(%arg33 : memref<!tpu.dma_semaphore, #tpu.memory_space<semaphore_mem>>) src(%arg9 : memref<64x128xf32, #tpu.memory_space<vmem>>) dst(%dma_wait3A_82 : memref<10240x128xf32, #tpu.memory_space<vmem_shared>>)
    %dma_wait3A_83 = arith.constant 0 : i32
    %dma_wait3A_84 = arith.constant 0 : i32
    %dma_wait3A_85 = tpu.memref_slice %arg35[%dma_wait3A_83, %dma_wait3A_84] : memref<10240x128xf32, #tpu.memory_space<vmem_shared>> -> memref<10240x128xf32, #tpu.memory_space<vmem_shared>>
    tpu.wait_indirect_dma semaphore(%arg34 : memref<!tpu.dma_semaphore, #tpu.memory_space<semaphore_mem>>) src(%arg10 : memref<64x128xf32, #tpu.memory_space<vmem>>) dst(%dma_wait3A_85 : memref<10240x128xf32, #tpu.memory_space<vmem_shared>>)
    %barrier3A_86 = arith.constant 0 : index
    tpu.barrier barrier_id(%barrier3A_86)
    %mul3A_87 = arith.constant 10240 : i32
    %mul3A_88 = arith.muli %arg0, %mul3A_87 : i32
    %add3A_89 = arith.addi %mul3A_88, %mul3A_0 : i32
    "tpu.region"() ({
      %run_scoped3A = tpu.sem_alloc : memref<!tpu.dma_semaphore, #tpu.memory_space<semaphore_mem>>
      %dma_start3A_90 = arith.constant 0 : i32
      %dma_start3A_91 = tpu.memref_slice %arg6[%add3A_89, %dma_start3A_90] : memref<20480x128xf32, #tpu.memory_space<hbm>> -> memref<640x128xf32, #tpu.memory_space<hbm>>
      %dma_start3A_92 = arith.constant 0 : i32
      %dma_start3A_93 = tpu.memref_slice %arg35[%mul3A_0, %dma_start3A_92] : memref<10240x128xf32, #tpu.memory_space<vmem_shared>> -> memref<640x128xf32, #tpu.memory_space<vmem_shared>>
      tpu.enqueue_dma source(%dma_start3A_93 : memref<640x128xf32, #tpu.memory_space<vmem_shared>>) target(%dma_start3A_91 : memref<640x128xf32, #tpu.memory_space<hbm>>) target_semaphore(%run_scoped3A : memref<!tpu.dma_semaphore, #tpu.memory_space<semaphore_mem>>)
      %dma_wait3A_94 = arith.constant 0 : i32
      %dma_wait3A_95 = tpu.memref_slice %arg6[%add3A_89, %dma_wait3A_94] : memref<20480x128xf32, #tpu.memory_space<hbm>> -> memref<640x128xf32, #tpu.memory_space<hbm>>
      %dma_wait3A_96 = arith.constant 0 : i32
      %dma_wait3A_97 = tpu.memref_slice %arg35[%mul3A_0, %dma_wait3A_96] : memref<10240x128xf32, #tpu.memory_space<vmem_shared>> -> memref<640x128xf32, #tpu.memory_space<vmem_shared>>
      tpu.wait_dma2 semaphore(%run_scoped3A : memref<!tpu.dma_semaphore, #tpu.memory_space<semaphore_mem>>) src(%dma_wait3A_97 : memref<640x128xf32, #tpu.memory_space<vmem_shared>>) dst(%dma_wait3A_95 : memref<640x128xf32, #tpu.memory_space<hbm>>)
      tpu.yield
    }) : () -> ()
    return
  }
}

module attributes {stable_mosaic.version = 14 : i64} {
  func.func @body(%arg0: i32, %arg1: memref<512x256xf32, #tpu.memory_space<vmem>>, %arg2: memref<256x256xf32, #tpu.memory_space<vmem>>, %arg3: memref<512x256xf32, #tpu.memory_space<vmem>>) attributes {dimension_semantics = [#tpu.dimension_semantics<arbitrary>], iteration_bounds = array<i64: 20>, scalar_prefetch = 0 : i64, scratch_operands = 0 : i64, tpu.core_type = #tpu.core_type<tc>, window_params = [{transform_indices = @transform_0, window_bounds = array<i64: 512, 256>}, {pipeline_mode = #tpu.pipeline_mode<synchronous>, transform_indices = @transform_1, window_bounds = array<i64: 256, 256>}, {transform_indices = @transform_2, window_bounds = array<i64: 512, 256>}]} {
    %get3A = arith.constant 0 : index
    %get3A_0 = arith.constant 0 : index
    %get3A_1 = vector.load %arg1[%get3A, %get3A_0] : memref<512x256xf32, #tpu.memory_space<vmem>>, vector<512x256xf32>
    %get3A_2 = arith.constant 0 : index
    %get3A_3 = arith.constant 0 : index
    %get3A_4 = vector.load %arg2[%get3A_2, %get3A_3] : memref<256x256xf32, #tpu.memory_space<vmem>>, vector<256x256xf32>
    %dot_general3A = arith.constant dense<0.000000e+00> : vector<512x256xf32>
    %dot_general3A_5 = tpu.matmul %get3A_1, %get3A_4, %dot_general3A {dimension_numbers = #tpu.dot_dimension_numbers<[1], [0], [0], [1], [0, 0, 1, 1], [], []>, transpose_lhs_hint = false} : vector<512x256xf32>, vector<256x256xf32>, vector<512x256xf32> -> vector<512x256xf32>
    %swap3A = arith.constant 0 : index
    %swap3A_6 = arith.constant 0 : index
    %swap3A_7 = vector.load %arg3[%swap3A, %swap3A_6] : memref<512x256xf32, #tpu.memory_space<vmem>>, vector<512x256xf32>
    tpu.vector_store %arg3[%swap3A, %swap3A_6], %dot_general3A_5 {strides = array<i32>} : memref<512x256xf32, #tpu.memory_space<vmem>>, vector<512x256xf32>,
    return
  }
  func.func @transform_0(%arg0: i32) -> (i32, i32) {
    %c0_i32 = arith.constant 0 : i32
    %c0_i32_0 = arith.constant 0 : i32
    return %arg0, %c0_i32 : i32, i32
  }
  func.func @transform_1(%arg0: i32) -> (i32, i32) {
    %c0_i32 = arith.constant 0 : i32
    %c0_i32_0 = arith.constant 0 : i32
    %c0_i32_1 = arith.constant 0 : i32
    return %c0_i32, %c0_i32_0 : i32, i32
  }
  func.func @transform_2(%arg0: i32) -> (i32, i32) {
    %c0_i32 = arith.constant 0 : i32
    %c0_i32_0 = arith.constant 0 : i32
    return %arg0, %c0_i32 : i32, i32
  }
}

module attributes {stable_mosaic.version = 14 : i64} {
  func.func @body(%arg0: i32, %arg1: memref<32x512xf32, #tpu.memory_space<vmem>>, %arg2: memref<512x256xf32, #tpu.memory_space<vmem>>, %arg3: memref<512x256xf32, #tpu.memory_space<vmem>>, %arg4: memref<512x1xf32, #tpu.memory_space<vmem>>) attributes {dimension_semantics = [#tpu.dimension_semantics<arbitrary>], iteration_bounds = array<i64: 20>, scalar_prefetch = 0 : i64, scratch_operands = 0 : i64, tpu.core_type = #tpu.core_type<tc>, window_params = [{transform_indices = @transform_0, window_bounds = array<i64: 32, 512>}, {transform_indices = @transform_1, window_bounds = array<i64: 512, 256>}, {transform_indices = @transform_2, window_bounds = array<i64: 512, 256>}, {transform_indices = @transform_3, window_bounds = array<i64: 512, 1>}]} {
    %get3A = arith.constant 0 : index
    %get3A_0 = arith.constant 0 : index
    %get3A_1 = vector.load %arg1[%get3A, %get3A_0] : memref<32x512xf32, #tpu.memory_space<vmem>>, vector<32x512xf32>
    %reduce_sum3A = arith.constant dense<0.000000e+00> : vector<512xf32>
    %reduce_sum3A_2 = vector.multi_reduction <add>, %get3A_1, %reduce_sum3A [0] : vector<32x512xf32> to vector<512xf32>
    %add3A = arith.constant 1.000000e+00 : f32
    %add3A_3 = vector.broadcast %add3A : f32 to vector<512xf32>
    %add3A_4 = arith.addf %reduce_sum3A_2, %add3A_3 : vector<512xf32>
    %broadcast_in_dim3A = vector.shape_cast %add3A_4 : vector<512xf32> to vector<512x1xf32>
    %swap3A = arith.constant 0 : index
    %swap3A_5 = arith.constant 0 : index
    %swap3A_6 = vector.load %arg4[%swap3A, %swap3A_5] : memref<512x1xf32, #tpu.memory_space<vmem>>, vector<512x1xf32>
    tpu.vector_store %arg4[%swap3A, %swap3A_5], %broadcast_in_dim3A {strides = array<i32>} : memref<512x1xf32, #tpu.memory_space<vmem>>, vector<512x1xf32>,
    %get3A_7 = arith.constant 0 : index
    %get3A_8 = arith.constant 0 : index
    %get3A_9 = vector.load %arg2[%get3A_7, %get3A_8] : memref<512x256xf32, #tpu.memory_space<vmem>>, vector<512x256xf32>
    %rsqrt3A = math.rsqrt %broadcast_in_dim3A : vector<512x1xf32>
    %mul3A = vector.broadcast %rsqrt3A : vector<512x1xf32> to vector<512x256xf32>
    %mul3A_10 = arith.mulf %get3A_9, %mul3A : vector<512x256xf32>
    %swap3A_11 = arith.constant 0 : index
    %swap3A_12 = arith.constant 0 : index
    %swap3A_13 = vector.load %arg3[%swap3A_11, %swap3A_12] : memref<512x256xf32, #tpu.memory_space<vmem>>, vector<512x256xf32>
    tpu.vector_store %arg3[%swap3A_11, %swap3A_12], %mul3A_10 {strides = array<i32>} : memref<512x256xf32, #tpu.memory_space<vmem>>, vector<512x256xf32>,
    return
  }
  func.func @transform_0(%arg0: i32) -> (i32, i32) {
    %c0_i32 = arith.constant 0 : i32
    %c0_i32_0 = arith.constant 0 : i32
    return %c0_i32, %arg0 : i32, i32
  }
  func.func @transform_1(%arg0: i32) -> (i32, i32) {
    %c0_i32 = arith.constant 0 : i32
    %c0_i32_0 = arith.constant 0 : i32
    return %arg0, %c0_i32 : i32, i32
  }
  func.func @transform_2(%arg0: i32) -> (i32, i32) {
    %c0_i32 = arith.constant 0 : i32
    %c0_i32_0 = arith.constant 0 : i32
    return %arg0, %c0_i32 : i32, i32
  }
  func.func @transform_3(%arg0: i32) -> (i32, i32) {
    %c0_i32 = arith.constant 0 : i32
    %c0_i32_0 = arith.constant 0 : i32
    return %arg0, %c0_i32 : i32, i32
  }
}

module attributes {stable_mosaic.version = 14 : i64} {
  func.func @body(%arg0: i32, %arg1: memref<512x128xf32, #tpu.memory_space<vmem>>, %arg2: memref<512x128xf32, #tpu.memory_space<vmem>>, %arg3: memref<512x256xf32, #tpu.memory_space<vmem>>, %arg4: memref<512x1xf32, #tpu.memory_space<vmem>>, %arg5: memref<256x64xf32, #tpu.memory_space<vmem>>, %arg6: memref<1x256xf32, #tpu.memory_space<vmem>>, %arg7: memref<512x64xf32, #tpu.memory_space<vmem>>, %arg8: memref<512x64xf32, #tpu.memory_space<vmem>>) attributes {dimension_semantics = [#tpu.dimension_semantics<arbitrary>], iteration_bounds = array<i64: 20>, scalar_prefetch = 0 : i64, scratch_operands = 0 : i64, tpu.core_type = #tpu.core_type<tc>, window_params = [{transform_indices = @transform_0, window_bounds = array<i64: 512, 128>}, {transform_indices = @transform_1, window_bounds = array<i64: 512, 128>}, {transform_indices = @transform_2, window_bounds = array<i64: 512, 256>}, {transform_indices = @transform_3, window_bounds = array<i64: 512, 1>}, {pipeline_mode = #tpu.pipeline_mode<synchronous>, transform_indices = @transform_4, window_bounds = array<i64: 256, 64>}, {pipeline_mode = #tpu.pipeline_mode<synchronous>, transform_indices = @transform_5, window_bounds = array<i64: 1, 256>}, {transform_indices = @transform_6, window_bounds = array<i64: 512, 64>}, {transform_indices = @transform_7, window_bounds = array<i64: 512, 64>}]} {
    %get3A = arith.constant 0 : index
    %get3A_0 = arith.constant 0 : index
    %get3A_1 = vector.load %arg4[%get3A, %get3A_0] : memref<512x1xf32, #tpu.memory_space<vmem>>, vector<512x1xf32>
    %rsqrt3A = math.rsqrt %get3A_1 : vector<512x1xf32>
    %get3A_2 = arith.constant 0 : index
    %get3A_3 = arith.constant 0 : index
    %get3A_4 = vector.load %arg1[%get3A_2, %get3A_3] : memref<512x128xf32, #tpu.memory_space<vmem>>, vector<512x128xf32>
    %get3A_5 = arith.constant 0 : index
    %get3A_6 = arith.constant 0 : index
    %get3A_7 = vector.load %arg2[%get3A_5, %get3A_6] : memref<512x128xf32, #tpu.memory_space<vmem>>, vector<512x128xf32>
    %concatenate3A = tpu.concatenate %get3A_4, %get3A_7 in 1 : vector<512x128xf32>, vector<512x128xf32> -> vector<512x256xf32>
    %mul3A = vector.broadcast %rsqrt3A : vector<512x1xf32> to vector<512x256xf32>
    %mul3A_8 = arith.mulf %concatenate3A, %mul3A : vector<512x256xf32>
    %mul3A_9 = arith.mulf %rsqrt3A, %rsqrt3A : vector<512x1xf32>
    %get3A_10 = arith.constant 0 : index
    %get3A_11 = arith.constant 0 : index
    %get3A_12 = vector.load %arg3[%get3A_10, %get3A_11] : memref<512x256xf32, #tpu.memory_space<vmem>>, vector<512x256xf32>
    %mul3A_13 = vector.broadcast %mul3A_9 : vector<512x1xf32> to vector<512x256xf32>
    %mul3A_14 = arith.mulf %mul3A_13, %get3A_12 : vector<512x256xf32>
    %add3A = arith.addf %mul3A_8, %mul3A_14 : vector<512x256xf32>
    %get3A_15 = arith.constant 0 : index
    %get3A_16 = arith.constant 0 : index
    %get3A_17 = vector.load %arg6[%get3A_15, %get3A_16] : memref<1x256xf32, #tpu.memory_space<vmem>>, vector<1x256xf32>
    %add3A_18 = vector.broadcast %get3A_17 : vector<1x256xf32> to vector<512x256xf32>
    %add3A_19 = arith.addf %add3A, %add3A_18 : vector<512x256xf32>
    %max3A = arith.constant 0.000000e+00 : f32
    %max3A_20 = vector.broadcast %max3A : f32 to vector<512x256xf32>
    %max3A_21 = arith.maximumf %add3A_19, %max3A_20 : vector<512x256xf32>
    %get3A_22 = arith.constant 0 : index
    %get3A_23 = arith.constant 0 : index
    %get3A_24 = vector.load %arg5[%get3A_22, %get3A_23] : memref<256x64xf32, #tpu.memory_space<vmem>>, vector<256x64xf32>
    %dot_general3A = arith.constant dense<0.000000e+00> : vector<512x64xf32>
    %dot_general3A_25 = tpu.matmul %max3A_21, %get3A_24, %dot_general3A {dimension_numbers = #tpu.dot_dimension_numbers<[1], [0], [0], [1], [0, 0, 1, 1], [], []>, transpose_lhs_hint = false} : vector<512x256xf32>, vector<256x64xf32>, vector<512x64xf32> -> vector<512x64xf32>
    %swap3A = arith.constant 0 : index
    %swap3A_26 = arith.constant 0 : index
    %swap3A_27 = vector.load %arg7[%swap3A, %swap3A_26] : memref<512x64xf32, #tpu.memory_space<vmem>>, vector<512x64xf32>
    tpu.vector_store %arg7[%swap3A, %swap3A_26], %dot_general3A_25 {strides = array<i32>} : memref<512x64xf32, #tpu.memory_space<vmem>>, vector<512x64xf32>,
    %mul3A_28 = vector.broadcast %rsqrt3A : vector<512x1xf32> to vector<512x64xf32>
    %mul3A_29 = arith.mulf %dot_general3A_25, %mul3A_28 : vector<512x64xf32>
    %swap3A_30 = arith.constant 0 : index
    %swap3A_31 = arith.constant 0 : index
    %swap3A_32 = vector.load %arg8[%swap3A_30, %swap3A_31] : memref<512x64xf32, #tpu.memory_space<vmem>>, vector<512x64xf32>
    tpu.vector_store %arg8[%swap3A_30, %swap3A_31], %mul3A_29 {strides = array<i32>} : memref<512x64xf32, #tpu.memory_space<vmem>>, vector<512x64xf32>,
    return
  }
  func.func @transform_0(%arg0: i32) -> (i32, i32) {
    %c0_i32 = arith.constant 0 : i32
    %c0_i32_0 = arith.constant 0 : i32
    return %arg0, %c0_i32 : i32, i32
  }
  func.func @transform_1(%arg0: i32) -> (i32, i32) {
    %add3A = arith.constant 20 : i32
    %add3A_0 = arith.addi %arg0, %add3A : i32
    %c0_i32 = arith.constant 0 : i32
    %c0_i32_1 = arith.constant 0 : i32
    return %add3A_0, %c0_i32 : i32, i32
  }
  func.func @transform_2(%arg0: i32) -> (i32, i32) {
    %c0_i32 = arith.constant 0 : i32
    %c0_i32_0 = arith.constant 0 : i32
    return %arg0, %c0_i32 : i32, i32
  }
  func.func @transform_3(%arg0: i32) -> (i32, i32) {
    %c0_i32 = arith.constant 0 : i32
    %c0_i32_0 = arith.constant 0 : i32
    return %arg0, %c0_i32 : i32, i32
  }
  func.func @transform_4(%arg0: i32) -> (i32, i32) {
    %c0_i32 = arith.constant 0 : i32
    %c0_i32_0 = arith.constant 0 : i32
    %c0_i32_1 = arith.constant 0 : i32
    return %c0_i32, %c0_i32_0 : i32, i32
  }
  func.func @transform_5(%arg0: i32) -> (i32, i32) {
    %c0_i32 = arith.constant 0 : i32
    %c0_i32_0 = arith.constant 0 : i32
    %c0_i32_1 = arith.constant 0 : i32
    return %c0_i32, %c0_i32_0 : i32, i32
  }
  func.func @transform_6(%arg0: i32) -> (i32, i32) {
    %c0_i32 = arith.constant 0 : i32
    %c0_i32_0 = arith.constant 0 : i32
    return %arg0, %c0_i32 : i32, i32
  }
  func.func @transform_7(%arg0: i32) -> (i32, i32) {
    %c0_i32 = arith.constant 0 : i32
    %c0_i32_0 = arith.constant 0 : i32
    return %arg0, %c0_i32 : i32, i32
  }
}

module attributes {stable_mosaic.version = 14 : i64} {
  func.func @body(%arg0: i32, %arg1: memref<2000x64xf32, #tpu.memory_space<vmem>>, %arg2: memref<2000x64xf32, #tpu.memory_space<vmem>>, %arg3: memref<2000x64xf32, #tpu.memory_space<vmem>>, %arg4: memref<2000x1xf32, #tpu.memory_space<vmem>>, %arg5: memref<1x64xf32, #tpu.memory_space<vmem>>, %arg6: memref<2000x64xf32, #tpu.memory_space<vmem>>, %arg7: memref<2000x64xf32, #tpu.memory_space<vmem>>) attributes {dimension_semantics = [#tpu.dimension_semantics<arbitrary>], iteration_bounds = array<i64: 5>, scalar_prefetch = 0 : i64, scratch_operands = 0 : i64, tpu.core_type = #tpu.core_type<tc>, window_params = [{transform_indices = @transform_0, window_bounds = array<i64: 2000, 64>}, {transform_indices = @transform_1, window_bounds = array<i64: 2000, 64>}, {transform_indices = @transform_2, window_bounds = array<i64: 2000, 64>}, {transform_indices = @transform_3, window_bounds = array<i64: 2000, 1>}, {pipeline_mode = #tpu.pipeline_mode<synchronous>, transform_indices = @transform_4, window_bounds = array<i64: 1, 64>}, {transform_indices = @transform_5, window_bounds = array<i64: 2000, 64>}, {transform_indices = @transform_6, window_bounds = array<i64: 2000, 64>}]} {
    %get3A = arith.constant 0 : index
    %get3A_0 = arith.constant 0 : index
    %get3A_1 = vector.load %arg4[%get3A, %get3A_0] : memref<2000x1xf32, #tpu.memory_space<vmem>>, vector<2000x1xf32>
    %rsqrt3A = math.rsqrt %get3A_1 : vector<2000x1xf32>
    %get3A_2 = arith.constant 0 : index
    %get3A_3 = arith.constant 0 : index
    %get3A_4 = vector.load %arg1[%get3A_2, %get3A_3] : memref<2000x64xf32, #tpu.memory_space<vmem>>, vector<2000x64xf32>
    %get3A_5 = arith.constant 0 : index
    %get3A_6 = arith.constant 0 : index
    %get3A_7 = vector.load %arg2[%get3A_5, %get3A_6] : memref<2000x64xf32, #tpu.memory_space<vmem>>, vector<2000x64xf32>
    %add3A = arith.addf %get3A_4, %get3A_7 : vector<2000x64xf32>
    %mul3A = vector.broadcast %rsqrt3A : vector<2000x1xf32> to vector<2000x64xf32>
    %mul3A_8 = arith.mulf %add3A, %mul3A : vector<2000x64xf32>
    %mul3A_9 = arith.mulf %rsqrt3A, %rsqrt3A : vector<2000x1xf32>
    %get3A_10 = arith.constant 0 : index
    %get3A_11 = arith.constant 0 : index
    %get3A_12 = vector.load %arg3[%get3A_10, %get3A_11] : memref<2000x64xf32, #tpu.memory_space<vmem>>, vector<2000x64xf32>
    %mul3A_13 = vector.broadcast %mul3A_9 : vector<2000x1xf32> to vector<2000x64xf32>
    %mul3A_14 = arith.mulf %mul3A_13, %get3A_12 : vector<2000x64xf32>
    %add3A_15 = arith.addf %mul3A_8, %mul3A_14 : vector<2000x64xf32>
    %get3A_16 = arith.constant 0 : index
    %get3A_17 = arith.constant 0 : index
    %get3A_18 = vector.load %arg5[%get3A_16, %get3A_17] : memref<1x64xf32, #tpu.memory_space<vmem>>, vector<1x64xf32>
    %add3A_19 = vector.broadcast %get3A_18 : vector<1x64xf32> to vector<2000x64xf32>
    %add3A_20 = arith.addf %add3A_15, %add3A_19 : vector<2000x64xf32>
    %reduce_max3A = arith.constant dense<0xFF800000> : vector<2000xf32>
    %reduce_max3A_21 = vector.multi_reduction <maximumf>, %add3A_20, %reduce_max3A [1] : vector<2000x64xf32> to vector<2000xf32>
    %broadcast_in_dim3A = vector.shape_cast %reduce_max3A_21 : vector<2000xf32> to vector<2000x1xf32>
    %sub3A = vector.broadcast %broadcast_in_dim3A : vector<2000x1xf32> to vector<2000x64xf32>
    %sub3A_22 = arith.subf %add3A_20, %sub3A : vector<2000x64xf32>
    %exp3A = math.exp %sub3A_22 : vector<2000x64xf32>
    %reduce_sum3A = arith.constant dense<0.000000e+00> : vector<2000xf32>
    %reduce_sum3A_23 = vector.multi_reduction <add>, %exp3A, %reduce_sum3A [1] : vector<2000x64xf32> to vector<2000xf32>
    %broadcast_in_dim3A_24 = vector.shape_cast %reduce_sum3A_23 : vector<2000xf32> to vector<2000x1xf32>
    %log3A = math.log %broadcast_in_dim3A_24 : vector<2000x1xf32>
    %add3A_25 = arith.addf %broadcast_in_dim3A, %log3A : vector<2000x1xf32>
    %swap3A = arith.constant 0 : index
    %swap3A_26 = arith.constant 0 : index
    %swap3A_27 = vector.load %arg6[%swap3A, %swap3A_26] : memref<2000x64xf32, #tpu.memory_space<vmem>>, vector<2000x64xf32>
    tpu.vector_store %arg6[%swap3A, %swap3A_26], %add3A_20 {strides = array<i32>} : memref<2000x64xf32, #tpu.memory_space<vmem>>, vector<2000x64xf32>,
    %sub3A_28 = vector.broadcast %add3A_25 : vector<2000x1xf32> to vector<2000x64xf32>
    %sub3A_29 = arith.subf %add3A_20, %sub3A_28 : vector<2000x64xf32>
    %swap3A_30 = arith.constant 0 : index
    %swap3A_31 = arith.constant 0 : index
    %swap3A_32 = vector.load %arg7[%swap3A_30, %swap3A_31] : memref<2000x64xf32, #tpu.memory_space<vmem>>, vector<2000x64xf32>
    tpu.vector_store %arg7[%swap3A_30, %swap3A_31], %sub3A_29 {strides = array<i32>} : memref<2000x64xf32, #tpu.memory_space<vmem>>, vector<2000x64xf32>,
    return
  }
  func.func @transform_0(%arg0: i32) -> (i32, i32) {
    %c0_i32 = arith.constant 0 : i32
    %c0_i32_0 = arith.constant 0 : i32
    return %arg0, %c0_i32 : i32, i32
  }
  func.func @transform_1(%arg0: i32) -> (i32, i32) {
    %c0_i32 = arith.constant 0 : i32
    %c0_i32_0 = arith.constant 0 : i32
    return %arg0, %c0_i32 : i32, i32
  }
  func.func @transform_2(%arg0: i32) -> (i32, i32) {
    %c0_i32 = arith.constant 0 : i32
    %c0_i32_0 = arith.constant 0 : i32
    return %arg0, %c0_i32 : i32, i32
  }
  func.func @transform_3(%arg0: i32) -> (i32, i32) {
    %c0_i32 = arith.constant 0 : i32
    %c0_i32_0 = arith.constant 0 : i32
    return %arg0, %c0_i32 : i32, i32
  }
  func.func @transform_4(%arg0: i32) -> (i32, i32) {
    %c0_i32 = arith.constant 0 : i32
    %c0_i32_0 = arith.constant 0 : i32
    %c0_i32_1 = arith.constant 0 : i32
    return %c0_i32, %c0_i32_0 : i32, i32
  }
  func.func @transform_5(%arg0: i32) -> (i32, i32) {
    %c0_i32 = arith.constant 0 : i32
    %c0_i32_0 = arith.constant 0 : i32
    return %arg0, %c0_i32 : i32, i32
  }
  func.func @transform_6(%arg0: i32) -> (i32, i32) {
    %c0_i32 = arith.constant 0 : i32
    %c0_i32_0 = arith.constant 0 : i32
    return %arg0, %c0_i32 : i32, i32
  }
}

</mosaic_0001>

<sc_bundles>
// kernel: kernel.12.cloned.1.call-start
scs
__scs_entry_jumppad:
0x0: {  	(pc) =	sbr.rel $0x88, $3  }
0x1: {  	(tag) =	ssettag $0x0;
	lr =	simm.s32 $0x1  }
0x2: {  	[smem:$0x3F9B] =	sst lr;
	_ =	strace $0xD0000000  }
0x3: {  	_ = 	snop  }
0x4: {  	_ = 	snop  }
0x5: {  	_ = 	snop  }
0x6: {  	_ = 	snop  }
0x7: {  	_ = 	snop  }
__scs_overlays_trampoline_lowered:
0x8: {  	[smem:$0x3FAA] =	sst s0  }
0x9: {  	[smem:$0x3FAB] =	sst s1  }
0xa: {  	[smem:$0x3FAC] =	sst s2  }
0xb: {  	[smem:$0x3FAD] =	sst s3  }
0xc: {  	[smem:$0x3FAE] =	sst s4  }
0xd: {  	[smem:$0x3FAF] =	sst s5  }
0xe: {  	[smem:$0x3FB0] =	sst s6  }
0xf: {  	[smem:$0x3FB1] =	sst s7  }
0x10: {  	[smem:$0x3FB2] =	sst s8  }
0x11: {  	[smem:$0x3FB3] =	sst s9;
	s0 =	simm.s32 @!p0 $0x0  }
0x12: {  	s1 =	sld [smem:$0x3F99];
	s0 =	simm.s32 @p0 $0x1  }
0x13: {  	[smem:$0x3FB4] =	sst s0;
	s0 =	simm.s32 @!p1 $0x0  }
0x14: {  	s2 =	sld [smem:$0x3F98];
	s0 =	simm.s32 @p1 $0x1  }
0x15: {  	[smem:$0x3FB5] =	sst s0;
	s0 =	simm.s32 @!p2 $0x0  }
0x16: {  	s3 =	sld [smem:$0x3FDB];
	s0 =	simm.s32 @p2 $0x1  }
0x17: {  	s4 =	simm.s32 $0x1BF5;
	[smem:$0x3FB7] =	sst s0  }
0x18: {  	s0 =	sld [smem:$0x3F9A];
	_ =	swait.ge [sflag:s4], $0x0  }
0x19: {  	s7 =	sld [smem:$0x3F9B]  }
0x1a: {  	s8 =	sadd.s32 $0xFFFFE003, lr  }
0x1b: {  	s9 =	sadd.s32 $0xFFFFFEF7, lr;
	s5 =	simm.s32 $0xFFFFFFFF;
	p2 =	slt.u32 s8, $0xFFFFF086  }
0x1c: {  	p1 =	slt.u32 s9, $0xF7A;
	s5 =	simm.s32 @!p2 $0x0  }
0x1d: {  	s5 =	simm.s32 @p1 $0x1;
	p0 =	seq.s32 s7, s2  }
0x1e: {  	s7 =	smul.u32 @!p0 $0xF7A, s2;
	p2 =	seq.s32 @!p0 s5, $0x0  }
0x1f: {  	s9 =	smul.u32 $0xF7A, s1;
	s8 =	simm.s32 @!p0 $0x1BF5;
	p2 =	por !p2, p0  }
0x20: {  	[sflag:s8] =	ssyncset.s32 @!p0 $0xFFFFF086;
	s6 =	sadd.s32 @!p0 s3, s7;
	s7 =	simm.s32 @!p0 $0x108  }
0x21: {  	s3 =	sadd.s32 s3, s9;
	s6 =	sadd.s32 @!p0 $0x88, s6;
	s7 =	simm.s32 @p2 $0x1082  }
0x22: {  	[simem:s7], [sflag:s8] =	dma.local @!p0 [hbm:s6], $0xF7A  }
0x23: {  	s9 =	sor.u32 $0xD0000000, s2;
	s6 =	simm.s32 $0x108;
	_ =	swait.ge @!p0 [sflag:s8], $0x0  }
0x24: {  	s3 =	sadd.s32 $0x88, s3;
	s6 =	simm.s32 @!p1 $0x1082;
	[sflag:s4] =	ssyncset.s32 $0xFFFFF086  }
0x25: {  	[simem:s6], [sflag:s4] =	dma.local [hbm:s3], $0xF7A  }
0x26: {  	[smem:$0x3F9B] =	sst s1;
	(tag) =	ssettag s2;
	_ =	strace s9  }
0x27: {  	s1 =	sld [smem:$0x3FAB]  }
0x28: {  	s2 =	sld [smem:$0x3FAC]  }
0x29: {  	s4 =	sld [smem:$0x3FAE]  }
0x2a: {  	p0 =	seq.s32 s5, $0x0;
	s5 =	sld [smem:$0x3FAF]  }
0x2b: {  	s6 =	sld [smem:$0x3FB0]  }
0x2c: {  	s7 =	sld [smem:$0x3FB1]  }
0x2d: {  	s3 =	simm.s32 $0x108;
	s8 =	sld [smem:$0x3FB2]  }
0x2e: {  	s3 =	simm.s32 @!p0 $0x1082;
	s9 =	sld [smem:$0x3FB3]  }
0x2f: {  	lr =	sadd.s32 s0, s3;
	s0 =	sld [smem:$0x3FAA]  }
0x30: {  	s3 =	sld [smem:$0x3FAD]  }
0x31: {  	[smem:$0x3FB6] =	sst s10  }
0x32: {  	s10 =	sld [smem:$0x3FB4];
	_ =	sdelay $0x3  }
0x33: {  	p0 =	seq.s32 s10, $0x1;
	s10 =	sld [smem:$0x3FB6];
	_ =	sdelay $0x3  }
0x34: {  	[smem:$0x3FB6] =	sst s10  }
0x35: {  	s10 =	sld [smem:$0x3FB5];
	_ =	sdelay $0x3  }
0x36: {  	p1 =	seq.s32 s10, $0x1;
	s10 =	sld [smem:$0x3FB6];
	_ =	sdelay $0x3  }
0x37: {  	[smem:$0x3FB6] =	sst s10  }
0x38: {  	s10 =	sld [smem:$0x3FB7]  }
0x39: {  	_ = 	snop;
	(pc) =	sbr.ind lr, $3  }
0x3a: {  	_ = 	snop  }
0x3b: {  	_ = 	snop  }
0x3c: {  	p2 =	seq.s32 s10, $0x1;
	s10 =	sld [smem:$0x3FB6]  }
0x3d: {  	_ =	shalt  }
0x3e: {  	_ =	shalt  }
0x3f: {  	_ =	shalt  }
0x40: {  	_ =	shalt  }
0x41: {  	_ =	shalt  }
0x42: {  	_ =	shalt  }
0x43: {  	_ =	shalt  }
0x44: {  	_ =	shalt  }
0x45: {  	_ =	shalt  }
0x46: {  	_ =	shalt  }
0x47: {  	_ =	shalt  }
0x48: {  	_ =	shalt  }
0x49: {  	_ =	shalt  }
0x4a: {  	_ =	shalt  }
0x4b: {  	_ =	shalt  }
0x4c: {  	_ =	shalt  }
0x4d: {  	_ =	shalt  }
0x4e: {  	_ =	shalt  }
0x4f: {  	_ =	shalt  }
0x50: {  	_ =	shalt  }
0x51: {  	_ =	shalt  }
0x52: {  	_ =	shalt  }
0x53: {  	_ =	shalt  }
0x54: {  	_ =	shalt  }
0x55: {  	_ =	shalt  }
0x56: {  	_ =	shalt  }
0x57: {  	_ =	shalt  }
0x58: {  	_ =	shalt  }
0x59: {  	_ =	shalt  }
0x5a: {  	_ =	shalt  }
0x5b: {  	_ =	shalt  }
0x5c: {  	_ =	shalt  }
0x5d: {  	_ =	shalt  }
0x5e: {  	_ =	shalt  }
0x5f: {  	_ =	shalt  }
0x60: {  	_ =	shalt  }
0x61: {  	_ =	shalt  }
0x62: {  	_ =	shalt  }
0x63: {  	_ =	shalt  }
0x64: {  	_ =	shalt  }
0x65: {  	_ =	shalt  }
0x66: {  	_ =	shalt  }
0x67: {  	_ =	shalt  }
0x68: {  	_ =	shalt  }
0x69: {  	_ =	shalt  }
0x6a: {  	_ =	shalt  }
0x6b: {  	_ =	shalt  }
0x6c: {  	_ =	shalt  }
0x6d: {  	_ =	shalt  }
0x6e: {  	_ =	shalt  }
0x6f: {  	_ =	shalt  }
0x70: {  	_ =	shalt  }
0x71: {  	_ =	shalt  }
0x72: {  	_ =	shalt  }
0x73: {  	_ =	shalt  }
0x74: {  	_ =	shalt  }
0x75: {  	_ =	shalt  }
0x76: {  	_ =	shalt  }
0x77: {  	_ =	shalt  }
0x78: {  	_ =	shalt  }
0x79: {  	_ =	shalt  }
0x7a: {  	_ =	shalt  }
0x7b: {  	_ =	shalt  }
0x7c: {  	_ =	shalt  }
0x7d: {  	_ =	shalt  }
0x7e: {  	_ =	shalt  }
0x7f: {  	_ =	shalt  }
0x80: {  	_ =	shalt  }
0x81: {  	_ =	shalt  }
0x82: {  	_ =	shalt  }
0x83: {  	_ =	shalt  }
0x84: {  	_ =	shalt  }
0x85: {  	_ =	shalt  }
0x86: {  	_ =	shalt  }
0x87: {  	_ =	shalt  }
.Lfunc_end0:
.L_simem_size_0:
called_computation.1_lowered:
.L_overlay_start_0:
0x88: {  	s2 =	sld [smem:$0x3FD9]  }
0x89: {  	s3 =	sld [smem:$0x3FFE];
	_ =	sdelay $0x1  }
0x8a: {  	s1 =	srdreg.scid  }
0x8b: {  	s0 =	sand.u32 $0x1, s1  }
0x8c: {  	s14 =	sshll.u32 s0, $0xA;
	s2 =	sadd.s32 s3, s2  }
0x8d: {  	s2 =	sadd.s32 s2, s14  }
0x8e: {  	[smem:$0x3FC2] =	sst s2  }
0x8f: {  	_ = 	snop  }
0x90: {  	s2 =	sld [smem:$0x3FD0];
	_ =	sdelay $0x2  }
0x91: {  	s15 =	simm.s32 $0xA;
	s4 =	simm.s32 $0x10  }
0x92: {  	[smem:s4], [sflag:s15] =	dma.local [hbm:s2], $0x1  }
0x93: {  	_ =	swait.eq [sflag:s15], $0x1  }
0x94: {  	[sflag:s15] =	ssyncset.done $0x0  }
0x95: {  	s16 =	sld [smem:$0x10];
	[sflag:s15] =	ssyncadd.s32 $0xFFFFFFFF  }
0x96: {  	s17 =	sld [smem:$0x11];
	(tm) =	ssettm $0x1  }
0x97: {  	s18 =	sld [smem:$0x3FFB];
	_ =	sdelay $0x3  }
0x98: {  	_ =	strace s18  }
0x99: {  	s4 =	sld [smem:$0x3FFC];
	_ =	sdelay $0x3  }
0x9a: {  	_ =	strace s4  }
0x9b: {  	s4 =	sld [smem:$0x3FFD];
	_ =	sdelay $0x3  }
0x9c: {  	_ =	strace s4  }
0x9d: {  	_ =	strace $0x8FFFFFFF  }
0x9e: {  	s19 =	sld [smem:$0x3FDB];
	_ =	sdelay $0x1  }
0x9f: {  	s5 =	simm.s32 $_scs_section_size  }
0xa0: {  	s6 =	simm.s32 $_size__tile_overlayer_lowered;
	s7 =	simm.s32 $_tile_overlayer_lowered  }
0xa1: {  	s22 =	simm.s32 $0x1BFF;
	s21 =	sshll.u32 s7, $0x1;
	s4 =	sadd.s32 s5, s19  }
0xa2: {  	s8 =	simm.s32 $0x0;
	s20 =	sshll.u32 s6, $0x1;
	s6 =	sadd.s32 s21, s4  }
0xa3: {  	[timem:s8], [sflag:s22] =	dma.local [hbm:s6], s20  }
0xa4: {  	_ =	swait.ge [sflag:s22], s20  }
0xa5: {  	s5 =	ssub.s32 $0x0, s20;
	[sflag:s22] =	ssyncset.done $0x0  }
0xa6: {  	[sflag:s22] =	ssyncadd.s32 s5;
	_ =	sdelay $0x1  }
0xa7: {  	s23 =	simm.s32 $0x1B8B  }
0xa8: {  	_ =	swait.ge [sflag:s23], $0x1  }
0xa9: {  	[sflag:s23] =	ssyncset.done $0x0  }
0xaa: {  	s25 =	simm.s32 $0x1B8E;
	s24 =	sld [smem:$0x3FFE];
	[sflag:s23] =	ssyncadd.s32 $0xFFFFFFFF  }
0xab: {  	s26 =	simm.s32 $execute0_lowered;
	[smem:$0x3FD2] =	sst s25  }
0xac: {  	s6 =	sshll.u32 s26, $0x1;
	_ =	strace $0x80000049;
	[dreg:$0x1] =	wrdreg $0xFFFFFFFF  }
0xad: {  	s28 =	simm.s32 $_size_execute0_lowered;
	s4 =	sadd.s32 s4, s6;
	[dreg:$0x0] =	wrdreg $0x0  }
0xae: {  	s6 =	sshll.u32 s28, $0x1;
	[dreg:$0x2] =	wrdreg s4  }
0xaf: {  	[dreg:$0x3] =	wrdreg s6  }
0xb0: {  	[dreg:$0x4] =	wrdreg $0xC0  }
0xb1: {  	_ =	task [dreg:s8], $0x5FFFF  }
0xb2: {  	[dreg:$0x1] =	wrdreg $0xFFFFFFFF  }
0xb3: {  	[dreg:$0x0] =	wrdreg $0x60  }
0xb4: {  	[dreg:$0x2] =	wrdreg s24  }
0xb5: {  	[dreg:$0x3] =	wrdreg s16  }
0xb6: {  	[dreg:$0x4] =	wrdreg s17  }
0xb7: {  	[dreg:$0x5] =	wrdreg $0x84000  }
0xb8: {  	[dreg:$0x6] =	wrdreg $0x9  }
0xb9: {  	_ =	task.clear_ibuf [dreg:s8], $0x7FFFF;
	_ =	strace $0x90000049  }
0xba: {  	s29 =	simm.s32 $0x9;
	_ =	strace $0x8000004B  }
0xbb: {  	_ =	swait.ge [sflag:s29], $0x1  }
0xbc: {  	[sflag:s29] =	ssyncadd.s32 $0xFFFFFFFF  }
0xbd: {  	_ =	strace $0x9000004B  }
0xbe: {  	_ =	sfence  }
0xbf: {  	s30 =	sld [smem:$0x0];
	_ =	sdelay $0x2  }
0xc0: {  	s31 =	sshll.u32 s1, $0xD;
	s1 =	sshrl.u32 s1, $0x2  }
0xc1: {  	s3 =	sand.u32 $0x4000, s31;
	s1 =	sadd.s32 s1, s30  }
0xc2: {  	s0 =	sor.u32 s3, s0;
	s1 =	sshll.u32 s1, $0x11  }
0xc3: {  	s0 =	sor.u32 s1, s0  }
0xc4: {  	s0 =	sadd.s32 $0x8F2B, s0  }
0xc5: {  	[sflag:s0] =	ssyncadd.remote.s32 $0x1  }
0xc6: {  	_ =	sfence.sel $0xFFFF  }
0xc7: {  	[dreg:$0x0] =	wrdreg $0xFFFFFFFF;
	(pc) =	sbr.abs _section_cstart, $3  }
0xc8: {  	[dreg:$0x1] =	wrdreg $0xFFFFFFFF  }
0xc9: {  	_ =	task.clear_ibuf [dreg:s8], $0x2FFFF;
	_ =	strace $0x9FFFFFFF  }
0xca: {  	(tm) =	ssettm $0x7FFFFFFF  }
0xcb: {  	_ =	shalt  }
tec
execute0_lowered:
.L_overlay_start_1:
0x0: {  	(tag) =	ssettag $0x1  }
0x1: {  	s0 =	rddreg [dreg:$0x0]  }
0x2: {  	s1 =	rddreg [dreg:$0x1]  }
0x3: {  	s3 =	rddreg [dreg:$0x2]  }
0x4: {  	s4 =	rddreg [dreg:$0x3]  }
0x5: {  	s2 =	srdreg.scid;
	s11 =	stileid.u32  }
0x6: {  	s5 =	simm.s32 $0x0;
	s28 =	simm.s32 $0x2000;
	s29 =	simm.s32 $0x9  }
0x7: {  	s30 =	simm.s32 $0x5;
	s31 =	simm.s32 $0x8180;
	s12 =	simm.s32 $0x6000  }
0x8: {  	s13 =	simm.s32 $0xB;
	s14 =	simm.s32 $0x7;
	s15 =	simm.s32 $0xC  }
0x9: {  	s9 =	sand.u32 $0x1, s2;
	s18 =	smul.u32 $0x2800, s11;
	[smem:$0x7FF] =	sst s5  }
0xa: {  	s6 =	sadd.s32 $0x8EA00, s0;
	s19 =	smul.u32 $0x50000, s11;
	s8 =	sadd.s32 $0xC400, s0  }
0xb: {  	s21 =	sshll.u32 s11, $0x6;
	s7 =	smul.u32 $0x28000, s9;
	_ =	strace $0x8000004A  }
0xc: {  	[dreg:$0x5] =	wrdreg s8;
	s20 =	ssub.s32 $0x2, s9;
	s8 =	smul.u32 $0xA00, s11  }
0xd: {  	s16 =	sor.u32 $0x1C11, s21;
	s21 =	simm.s32 $0x8080;
	v0 =	vmov s9;
	s9 =	simm.s32 $0x0  }
0xe: {  	s11 =	simm.s32 $0x4;
	s10 =	sshrl.u32 s20, $0x1;
	[dreg:$0xe] =	wrdreg s9  }
0xf: {  	[dreg:$0x6] =	wrdreg s16;
	s2 =	sadd.s32 s18, s7;
	s7 =	sshrl.u32 s19, $0x2  }
0x10: {  	s22 =	sadd.s32 s1, s8;
	s23 =	sor.u32 $0x10, s8;
	s24 =	sadd.s32 s3, s8  }
0x11: {  	s19 =	simm.s32 $0x11;
	s18 =	simm.s32 $0x6;
	s0 =	sadd.s32 s2, s0  }
0x12: {  	s2 =	ssub.s32 s20, s10;
	s7 =	sadd.s32 s7, s4;
	[dreg:$0x7] =	wrdreg s22  }
0x13: {  	[dreg:$0x8] =	wrdreg s24;
	s25 =	sadd.s32 s1, s23;
	s10 =	sadd.s32 s3, s23  }
0x14: {  	s20 =	simm.s32 $0x8200;
	s23 =	simm.s32 $0x40;
	[dreg:$0x9] =	wrdreg s25  }
0x15: {  	s24 =	simm.s32 $0x8100;
	s22 =	simm.s32 $0x8;
	[dreg:$0xa] =	wrdreg s10  }
0x16: {  	s0 =	sadd.s32 $0xDEA00, s0;
	s26 =	smax.u32 s2, $0x1;
	s17 =	sshrl.u32 s7, $0x3  }
0x17: {  	s25 =	simm.s32 $0x8300;
	s2 =	simm.s32 $0x3;
	[dreg:$0xb] =	wrdreg s0  }
0x18: {  	s7 =	simm.s32 $0x4000;
	s10 =	simm.s32 $0xA;
	[dreg:$0xc] =	wrdreg s26  }
0x19: {  	s26 =	simm.s32 $0x2;
	s0 =	simm.s32 $0x8380;
	[dreg:$0xd] =	wrdreg s17  }
.LBB2_1:
0x1a: {  	s9 =	rddreg [dreg:$0x5]  }
0x1b: {  	[spmem:s17], [sflag:s16] =	dma.local [hbm:s9], $0x2800  }
0x1c: {  	_ =	swait.ge [sflag:s19], $0x2800  }
0x1d: {  	[sflag:s19] =	ssyncset.done $0x0  }
0x1e: {  	[sflag:s19] =	ssyncadd.s32 $0xFFFFD800  }
0x1f: {  	[bflag:$0x0] =	sbarrier.arrive $0xFFFF  }
0x20: {  	s16 =	simm.s32 $0x8000;
	s19 =	rddreg [dreg:$0x7]  }
0x21: {  	[tilespmem:s16], [sflag:$0x1] =	stream.linear.gather [hbm4b:s19+s5], $0x80, $0x38;
	[tilespmem:$0x1C400] =	vst v63  }
0x22: {  	s17 =	rddreg [dreg:$0x8]  }
0x23: {  	[tilespmem:s20], [sflag:$0x5] =	stream.linear.gather [hbm4b:s17+s5], $0x80, $0x38;
	[tilespmem:$0x1C400] =	vst v63  }
0x24: {  	s19 =	rddreg [dreg:$0x9]  }
0x25: {  	[tilespmem:s21], [sflag:$0x2] =	stream.linear.gather [hbm4b:s19+s5], $0x80, $0x38;
	[tilespmem:$0x1C400] =	vst v63  }
0x26: {  	s17 =	rddreg [dreg:$0xa];
	s19 =	simm.s32 $0x8280  }
0x27: {  	[tilespmem:s19], [sflag:$0x6] =	stream.linear.gather [hbm4b:s17+s5], $0x80, $0x38;
	[tilespmem:$0x1C400] =	vst v63  }
0x28: {  	s19 =	simm.s32 $0x1  }
0x29: {  	_ =	swait.ge [sflag:s19], $0x80  }
0x2a: {  	[sflag:s19] =	ssyncset.done $0x0  }
0x2b: {  	[sflag:s19] =	ssyncadd.s32 $0xFFFFFF80  }
0x2c: {  	v1 =	vld [tilespmem:$0x8000]  }
0x2d: {  	v2 =	vld [tilespmem:$0x8010]  }
0x2e: {  	v3 =	vld [tilespmem:$0x8020]  }
0x2f: {  	v4 =	vld [tilespmem:$0x8030];
	_ =	sdelay $0x1  }
0x30: {  	v1 =	vshll.u32 v1, $0x1  }
0x31: {  	v2 =	vshll.u32 v2, $0x1;
	v1 =	vor.u32 v0, v1  }
0x32: {  	[tilespmem:$0x8000] =	vst v1;
	v1 =	vor.u32 v0, v2;
	v2 =	vshll.u32 v3, $0x1  }
0x33: {  	[tilespmem:$0x8010] =	vst v1;
	v1 =	vor.u32 v0, v2;
	v2 =	vshll.u32 v4, $0x1  }
0x34: {  	p0 =	por $0x1, $0x1;
	s17 =	sadd.s32 $0x0, s8;
	[tilespmem:$0x8020] =	vst v1;
	v1 =	vor.u32 v0, v2  }
0x35: {  	s9 =	sand.u32 $0x1FF80, s17;
	s17 =	simm.s32 @!p0 $0xF;
	s19 =	sand.u32 $0x40, s5;
	[tilespmem:$0x8030] =	vst v1  }
0x36: {  	[tilespmem:s5], [sflag:$0x9] =	stream.indirect.gather [hbm4b:s6+s23], $0x80, s16, s23, $0xb8;
	[tilespmem:$0x1C400] =	vst v63  }
0x37: {  	s9 =	sor.u32 s9, s19;
	_ =	swait.ge @!p0 [sflag:s17], $0x2000  }
0x38: {  	s16 =	sor.u32 $0x20, s9;
	[sflag:s17] =	ssyncset.done @!p0 $0x0  }
0x39: {  	s19 =	sadd.s32 s1, s16;
	[sflag:s17] =	ssyncadd.s32 @!p0 $0xFFFFE000  }
0x3a: {  	[tilespmem:s24], [sflag:$0x3] =	stream.linear.gather [hbm4b:s19+s5], $0x80, $0x38;
	[tilespmem:$0x1C400] =	vst v63  }
0x3b: {  	s16 =	sadd.s32 s3, s16  }
0x3c: {  	[tilespmem:s25], [sflag:$0x7] =	stream.linear.gather [hbm4b:s16+s5], $0x80, $0x38;
	[tilespmem:$0x1C400] =	vst v63  }
0x3d: {  	_ =	swait.ge [sflag:s26], $0x80  }
0x3e: {  	[sflag:s26] =	ssyncset.done $0x0  }
0x3f: {  	[sflag:s26] =	ssyncadd.s32 $0xFFFFFF80  }
0x40: {  	v1 =	vld [tilespmem:$0x80B0]  }
0x41: {  	v2 =	vld [tilespmem:$0x80A0]  }
0x42: {  	v3 =	vld [tilespmem:$0x8080]  }
0x43: {  	v61 =	vld [tilespmem:$0x8090];
	_ =	sdelay $0x1  }
0x44: {  	v1 =	vshll.u32 v1, $0x1  }
0x45: {  	v2 =	vshll.u32 v2, $0x1;
	v1 =	vor.u32 v0, v1  }
0x46: {  	v3 =	vshll.u32 v3, $0x1;
	v2 =	vor.u32 v0, v2;
	[tilespmem:$0x80B0] =	vst v1  }
0x47: {  	v1 =	vor.u32 v0, v3;
	v3 =	vshll.u32 v61, $0x1;
	[tilespmem:$0x80A0] =	vst v2  }
0x48: {  	[tilespmem:$0x8080] =	vst v1;
	v1 =	vor.u32 v0, v3  }
0x49: {  	[tilespmem:$0x8090] =	vst v1  }
0x4a: {  	[tilespmem:s28], [sflag:$0xA] =	stream.indirect.gather [hbm4b:s6+s23], $0x80, s21, s23, $0xb8;
	[tilespmem:$0x1C400] =	vst v63  }
0x4b: {  	_ =	swait.ge [sflag:s29], $0x2000  }
0x4c: {  	[sflag:s29] =	ssyncset.done $0x0  }
0x4d: {  	[sflag:s29] =	ssyncadd.s32 $0xFFFFE000  }
0x4e: {  	_ =	swait.ge [sflag:s30], $0x80  }
0x4f: {  	[sflag:s30] =	ssyncset.done $0x0  }
0x50: {  	s16 =	simm.s32 @!p0 $0x10;
	[sflag:s30] =	ssyncadd.s32 $0xFFFFFF80  }
0x51: {  	[spmem:s4] =	stream.indirect.scatter.add.f32 [tilespmem:s5], [sflag:$0xD], $0x80, s20, s23, $0xb8;
	[tilespmem:$0x1C400] =	vst v63  }
0x52: {  	_ =	swait.ge @!p0 [sflag:s16], $0x2000  }
0x53: {  	s9 =	sor.u32 $0x30, s9;
	[sflag:s16] =	ssyncset.done @!p0 $0x0  }
0x54: {  	s20 =	sadd.s32 s1, s9;
	[sflag:s16] =	ssyncadd.s32 @!p0 $0xFFFFE000  }
0x55: {  	[tilespmem:s31], [sflag:$0x4] =	stream.linear.gather [hbm4b:s20+s5], $0x80, $0x38;
	[tilespmem:$0x1C400] =	vst v63  }
0x56: {  	s9 =	sadd.s32 s3, s9  }
0x57: {  	[tilespmem:s0], [sflag:$0x8] =	stream.linear.gather [hbm4b:s9+s5], $0x80, $0x38;
	[tilespmem:$0x1C400] =	vst v63  }
0x58: {  	_ =	swait.ge [sflag:s2], $0x80  }
0x59: {  	[sflag:s2] =	ssyncset.done $0x0  }
0x5a: {  	[sflag:s2] =	ssyncadd.s32 $0xFFFFFF80  }
0x5b: {  	v1 =	vld [tilespmem:$0x8100]  }
0x5c: {  	v2 =	vld [tilespmem:$0x8110]  }
0x5d: {  	v3 =	vld [tilespmem:$0x8120]  }
0x5e: {  	v62 =	vld [tilespmem:$0x8130];
	_ =	sdelay $0x1  }
0x5f: {  	v1 =	vshll.u32 v1, $0x1  }
0x60: {  	v2 =	vshll.u32 v2, $0x1;
	v1 =	vor.u32 v0, v1  }
0x61: {  	[tilespmem:$0x8100] =	vst v1;
	v1 =	vor.u32 v0, v2;
	v2 =	vshll.u32 v3, $0x1  }
0x62: {  	[tilespmem:$0x8110] =	vst v1;
	v1 =	vor.u32 v0, v2;
	v2 =	vshll.u32 v62, $0x1  }
0x63: {  	[tilespmem:$0x8120] =	vst v1;
	v1 =	vor.u32 v0, v2  }
0x64: {  	[tilespmem:$0x8130] =	vst v1  }
0x65: {  	[tilespmem:s7], [sflag:$0xB] =	stream.indirect.gather [hbm4b:s6+s23], $0x80, s24, s23, $0xb8;
	[tilespmem:$0x1C400] =	vst v63  }
0x66: {  	_ =	swait.ge [sflag:s10], $0x2000  }
0x67: {  	[sflag:s10] =	ssyncset.done $0x0  }
0x68: {  	p1 =	por $0x0, $0x0;
	[sflag:s10] =	ssyncadd.s32 $0xFFFFE000  }
0x69: {  	s17 =	sxor.u32 @!p1 $0xFFFFFFFF, s5;
	_ =	swait.ge [sflag:s18], $0x80  }
0x6a: {  	s21 =	simm.s32 $0x8280;
	s16 =	sadd.s32 @!p1 $0x0, s8;
	[sflag:s18] =	ssyncset.done $0x0  }
0x6b: {  	s16 =	sadd.s32 @!p1 $0x40, s16;
	s9 =	simm.s32 @!p1 $0xD;
	[sflag:s18] =	ssyncadd.s32 $0xFFFFFF80  }
0x6c: {  	[spmem:s4] =	stream.indirect.scatter.add.f32 [tilespmem:s28], [sflag:$0xE], $0x80, s21, s23, $0xb8;
	[tilespmem:$0x1C400] =	vst v63  }
0x6d: {  	s17 =	sand.u32 @!p1 $0x40, s17;
	s16 =	sand.u32 @!p1 $0x1FF80, s16;
	_ =	swait.ge @!p1 [sflag:s9], $0x2000  }
0x6e: {  	s19 =	simm.s32 @!p1 $0x0;
	s16 =	sor.u32 @!p1 s17, s16;
	[sflag:s9] =	ssyncset.done @!p1 $0x0  }
0x6f: {  	s17 =	sadd.s32 @!p1 s1, s16;
	[sflag:s9] =	ssyncadd.s32 @!p1 $0xFFFFE000;
	s9 =	simm.s32 @!p1 $0x8000  }
0x70: {  	[tilespmem:s9], [sflag:$0x1] =	stream.linear.gather @!p1 [hbm4b:s17+s19], $0x80, $0x38;
	[tilespmem:$0x1C400] =	vst v63  }
0x71: {  	s16 =	sadd.s32 @!p1 s3, s16;
	s17 =	simm.s32 @!p1 $0x8200  }
0x72: {  	[tilespmem:s17], [sflag:$0x5] =	stream.linear.gather @!p1 [hbm4b:s16+s19], $0x80, $0x38;
	[tilespmem:$0x1C400] =	vst v63  }
0x73: {  	_ =	swait.ge [sflag:s11], $0x80  }
0x74: {  	[sflag:s11] =	ssyncset.done $0x0  }
0x75: {  	[sflag:s11] =	ssyncadd.s32 $0xFFFFFF80  }
0x76: {  	v1 =	vld [tilespmem:$0x8180]  }
0x77: {  	v2 =	vld [tilespmem:$0x8190]  }
0x78: {  	v3 =	vld [tilespmem:$0x81A0]  }
0x79: {  	v63 =	vld [tilespmem:$0x81B0];
	_ =	sdelay $0x1  }
0x7a: {  	v1 =	vshll.u32 v1, $0x1  }
0x7b: {  	v2 =	vshll.u32 v2, $0x1;
	v1 =	vor.u32 v0, v1  }
0x7c: {  	[tilespmem:$0x8180] =	vst v1;
	v1 =	vor.u32 v0, v2;
	v2 =	vshll.u32 v3, $0x1  }
0x7d: {  	[tilespmem:$0x8190] =	vst v1;
	v1 =	vor.u32 v0, v2;
	v2 =	vshll.u32 v63, $0x1  }
0x7e: {  	[tilespmem:$0x81A0] =	vst v1;
	v1 =	vor.u32 v0, v2  }
0x7f: {  	[tilespmem:$0x81B0] =	vst v1  }
0x80: {  	[tilespmem:s12], [sflag:$0xC] =	stream.indirect.gather [hbm4b:s6+s23], $0x80, s31, s23, $0xb8;
	[tilespmem:$0x1C400] =	vst v63  }
0x81: {  	_ =	swait.ge [sflag:s13], $0x2000  }
0x82: {  	[sflag:s13] =	ssyncset.done $0x0  }
0x83: {  	[sflag:s13] =	ssyncadd.s32 $0xFFFFE000  }
0x84: {  	_ =	swait.ge [sflag:s14], $0x80  }
0x85: {  	s20 =	simm.s32 @!p1 $0xE;
	[sflag:s14] =	ssyncset.done $0x0  }
0x86: {  	s16 =	simm.s32 @!p1 $0x50;
	s17 =	sadd.s32 @!p1 $0x50, s8;
	[sflag:s14] =	ssyncadd.s32 $0xFFFFFF80  }
0x87: {  	[spmem:s4] =	stream.indirect.scatter.add.f32 [tilespmem:s7], [sflag:$0xF], $0x80, s25, s23, $0xb8;
	[tilespmem:$0x1C400] =	vst v63  }
0x88: {  	s16 =	sand.u32 @!p1 $0x50, s16;
	s17 =	sand.u32 @!p1 $0x1FF80, s17;
	_ =	swait.ge @!p1 [sflag:s20], $0x2000  }
0x89: {  	s16 =	sor.u32 @!p1 s16, s17;
	[sflag:s20] =	ssyncset.done @!p1 $0x0  }
0x8a: {  	s17 =	simm.s32 @!p1 $0x8080;
	s21 =	sadd.s32 @!p1 s1, s16;
	[sflag:s20] =	ssyncadd.s32 @!p1 $0xFFFFE000  }
0x8b: {  	[tilespmem:s17], [sflag:$0x2] =	stream.linear.gather @!p1 [hbm4b:s21+s19], $0x80, $0x38;
	[tilespmem:$0x1C400] =	vst v63  }
0x8c: {  	s16 =	sadd.s32 @!p1 s3, s16;
	s17 =	simm.s32 @!p1 $0x8280  }
0x8d: {  	[tilespmem:s17], [sflag:$0x6] =	stream.linear.gather @!p1 [hbm4b:s16+s19], $0x80, $0x38;
	[tilespmem:$0x1C400] =	vst v63  }
0x8e: {  	s16 =	simm.s32 @!p1 $0x1  }
0x8f: {  	_ =	swait.ge @!p1 [sflag:s16], $0x80  }
0x90: {  	[sflag:s16] =	ssyncset.done @!p1 $0x0  }
0x91: {  	[sflag:s16] =	ssyncadd.s32 @!p1 $0xFFFFFF80  }
0x92: {  	s16 =	simm.s32 $0x40;
	v1 =	vld @!p1 [tilespmem:$0x8000]  }
.LBB2_2:
0x93: {  	v2 =	vld @!p1 [tilespmem:$0x8010];
	s17 =	smov.u32 s16;
	s16 =	sadd.s32 $0x40, s16  }
0x94: {  	p0 =	sne.s32 s16, $0xA00;
	v3 =	vld @!p1 [tilespmem:$0x8020]  }
0x95: {  	v4 =	vld @!p1 [tilespmem:$0x8030];
	_ =	sdelay $0x1  }
0x96: {  	v1 =	vshll.u32 @!p1 v1, $0x1  }
0x97: {  	v1 =	vor.u32 @!p1 v0, v1;
	v2 =	vshll.u32 @!p1 v2, $0x1  }
0x98: {  	[tilespmem:$0x8000] =	vst @!p1 v1;
	v1 =	vor.u32 @!p1 v0, v2;
	v2 =	vshll.u32 @!p1 v3, $0x1  }
0x99: {  	[tilespmem:$0x8010] =	vst @!p1 v1;
	v1 =	vor.u32 @!p1 v0, v2;
	v2 =	vshll.u32 @!p1 v4, $0x1  }
0x9a: {  	[tilespmem:$0x8020] =	vst @!p1 v1;
	v1 =	vor.u32 @!p1 v0, v2  }
0x9b: {  	s20 =	simm.s32 @!p1 $0x40;
	[tilespmem:$0x8030] =	vst @!p1 v1  }
0x9c: {  	[tilespmem:s19], [sflag:$0x9] =	stream.indirect.gather @!p1 [hbm4b:s6+s20], $0x80, s9, s20, $0xb8;
	[tilespmem:$0x1C400] =	vst v63  }
0x9d: {  	_ =	swait.ge [sflag:s15], $0x2000  }
0x9e: {  	s9 =	sadd.s32 s17, s8;
	[sflag:s15] =	ssyncset.done $0x0  }
0x9f: {  	s19 =	sand.u32 $0x40, s17;
	s9 =	sand.u32 $0x1FF80, s9;
	[sflag:s15] =	ssyncadd.s32 $0xFFFFE000  }
0xa0: {  	s9 =	sor.u32 s9, s19;
	_ =	swait.ge [sflag:s22], $0x80  }
0xa1: {  	p1 =	seq.s32 s17, $0x0;
	s19 =	sor.u32 $0x20, s9;
	[sflag:s22] =	ssyncset.done $0x0  }
0xa2: {  	s20 =	simm.s32 @!p1 $0xF;
	s9 =	sor.u32 $0x30, s9;
	[sflag:s22] =	ssyncadd.s32 $0xFFFFFF80  }
0xa3: {  	[spmem:s4] =	stream.indirect.scatter.add.f32 [tilespmem:s12], [sflag:$0x10], $0x80, s0, s23, $0xb8;
	[tilespmem:$0x1C400] =	vst v63  }
0xa4: {  	_ =	swait.ge @!p1 [sflag:s20], $0x2000  }
0xa5: {  	s21 =	sadd.s32 s1, s19;
	[sflag:s20] =	ssyncset.done @!p1 $0x0  }
0xa6: {  	[sflag:s20] =	ssyncadd.s32 @!p1 $0xFFFFE000  }
0xa7: {  	[tilespmem:s24], [sflag:$0x3] =	stream.linear.gather [hbm4b:s21+s5], $0x80, $0x38;
	[tilespmem:$0x1C400] =	vst v63  }
0xa8: {  	s19 =	sadd.s32 s3, s19  }
0xa9: {  	[tilespmem:s25], [sflag:$0x7] =	stream.linear.gather [hbm4b:s19+s5], $0x80, $0x38;
	[tilespmem:$0x1C400] =	vst v63  }
0xaa: {  	_ =	swait.ge [sflag:s26], $0x80  }
0xab: {  	[sflag:s26] =	ssyncset.done $0x0  }
0xac: {  	[sflag:s26] =	ssyncadd.s32 $0xFFFFFF80  }
0xad: {  	v1 =	vld [tilespmem:$0x80B0]  }
0xae: {  	v2 =	vld [tilespmem:$0x80A0]  }
0xaf: {  	v3 =	vld [tilespmem:$0x8080]  }
0xb0: {  	v4 =	vld [tilespmem:$0x8090];
	_ =	sdelay $0x1  }
0xb1: {  	v1 =	vshll.u32 v1, $0x1  }
0xb2: {  	v2 =	vshll.u32 v2, $0x1;
	v1 =	vor.u32 v0, v1  }
0xb3: {  	v3 =	vshll.u32 v3, $0x1;
	v2 =	vor.u32 v0, v2;
	[tilespmem:$0x80B0] =	vst v1  }
0xb4: {  	v1 =	vor.u32 v0, v3;
	v3 =	vshll.u32 v4, $0x1;
	[tilespmem:$0x80A0] =	vst v2  }
0xb5: {  	[tilespmem:$0x8080] =	vst v1;
	v1 =	vor.u32 v0, v3  }
0xb6: {  	s19 =	simm.s32 $0x8080;
	[tilespmem:$0x8090] =	vst v1  }
0xb7: {  	[tilespmem:s28], [sflag:$0xA] =	stream.indirect.gather [hbm4b:s6+s23], $0x80, s19, s23, $0xb8;
	[tilespmem:$0x1C400] =	vst v63  }
0xb8: {  	_ =	swait.ge [sflag:s29], $0x2000  }
0xb9: {  	[sflag:s29] =	ssyncset.done $0x0  }
0xba: {  	[sflag:s29] =	ssyncadd.s32 $0xFFFFE000  }
0xbb: {  	_ =	swait.ge [sflag:s30], $0x80  }
0xbc: {  	[sflag:s30] =	ssyncset.done $0x0  }
0xbd: {  	s20 =	simm.s32 $0x8200;
	s19 =	simm.s32 @!p1 $0x10;
	[sflag:s30] =	ssyncadd.s32 $0xFFFFFF80  }
0xbe: {  	[spmem:s4] =	stream.indirect.scatter.add.f32 [tilespmem:s5], [sflag:$0xD], $0x80, s20, s23, $0xb8;
	[tilespmem:$0x1C400] =	vst v63  }
0xbf: {  	_ =	swait.ge @!p1 [sflag:s19], $0x2000  }
0xc0: {  	[sflag:s19] =	ssyncset.done @!p1 $0x0  }
0xc1: {  	[sflag:s19] =	ssyncadd.s32 @!p1 $0xFFFFE000;
	s19 =	sadd.s32 s1, s9  }
0xc2: {  	[tilespmem:s31], [sflag:$0x4] =	stream.linear.gather [hbm4b:s19+s5], $0x80, $0x38;
	[tilespmem:$0x1C400] =	vst v63  }
0xc3: {  	s9 =	sadd.s32 s3, s9  }
0xc4: {  	[tilespmem:s0], [sflag:$0x8] =	stream.linear.gather [hbm4b:s9+s5], $0x80, $0x38;
	[tilespmem:$0x1C400] =	vst v63  }
0xc5: {  	_ =	swait.ge [sflag:s2], $0x80  }
0xc6: {  	[sflag:s2] =	ssyncset.done $0x0  }
0xc7: {  	[sflag:s2] =	ssyncadd.s32 $0xFFFFFF80  }
0xc8: {  	v1 =	vld [tilespmem:$0x8100]  }
0xc9: {  	v2 =	vld [tilespmem:$0x8110]  }
0xca: {  	v3 =	vld [tilespmem:$0x8120]  }
0xcb: {  	v4 =	vld [tilespmem:$0x8130];
	_ =	sdelay $0x1  }
0xcc: {  	v1 =	vshll.u32 v1, $0x1  }
0xcd: {  	v1 =	vor.u32 v0, v1;
	v2 =	vshll.u32 v2, $0x1  }
0xce: {  	[tilespmem:$0x8100] =	vst v1;
	v1 =	vor.u32 v0, v2;
	v2 =	vshll.u32 v3, $0x1  }
0xcf: {  	[tilespmem:$0x8110] =	vst v1;
	v1 =	vor.u32 v0, v2;
	v2 =	vshll.u32 v4, $0x1  }
0xd0: {  	[tilespmem:$0x8120] =	vst v1;
	v1 =	vor.u32 v0, v2  }
0xd1: {  	[tilespmem:$0x8130] =	vst v1  }
0xd2: {  	[tilespmem:s7], [sflag:$0xB] =	stream.indirect.gather [hbm4b:s6+s23], $0x80, s24, s23, $0xb8;
	[tilespmem:$0x1C400] =	vst v63  }
0xd3: {  	_ =	swait.ge [sflag:s10], $0x2000  }
0xd4: {  	[sflag:s10] =	ssyncset.done $0x0  }
0xd5: {  	[sflag:s10] =	ssyncadd.s32 $0xFFFFE000  }
0xd6: {  	_ =	swait.ge [sflag:s18], $0x80  }
0xd7: {  	s20 =	simm.s32 $0x8280;
	p1 =	seq.s32 s17, $0x9C0;
	[sflag:s18] =	ssyncset.done $0x0  }
0xd8: {  	s19 =	sadd.s32 @!p1 s17, s8;
	s9 =	simm.s32 @!p1 $0xD;
	[sflag:s18] =	ssyncadd.s32 $0xFFFFFF80  }
0xd9: {  	[spmem:s4] =	stream.indirect.scatter.add.f32 [tilespmem:s28], [sflag:$0xE], $0x80, s20, s23, $0xb8;
	[tilespmem:$0x1C400] =	vst v63  }
0xda: {  	s19 =	sadd.s32 @!p1 $0x40, s19;
	s20 =	sxor.u32 @!p1 $0xFFFFFFFF, s17;
	_ =	swait.ge @!p1 [sflag:s9], $0x2000  }
0xdb: {  	s19 =	sand.u32 @!p1 $0x1FF80, s19;
	s20 =	sand.u32 @!p1 $0x40, s20;
	[sflag:s9] =	ssyncset.done @!p1 $0x0  }
0xdc: {  	s20 =	sor.u32 @!p1 s20, s19;
	[sflag:s9] =	ssyncadd.s32 @!p1 $0xFFFFE000;
	s9 =	simm.s32 @!p1 $0x8000  }
0xdd: {  	s19 =	simm.s32 @!p1 $0x0;
	s21 =	sadd.s32 @!p1 s1, s20;
	s20 =	sadd.s32 @!p1 s3, s20  }
0xde: {  	[tilespmem:s9], [sflag:$0x1] =	stream.linear.gather @!p1 [hbm4b:s21+s19], $0x80, $0x38;
	[tilespmem:$0x1C400] =	vst v63  }
0xdf: {  	s17 =	sadd.s32 @!p1 $0x50, s17;
	s21 =	simm.s32 @!p1 $0x8200  }
0xe0: {  	[tilespmem:s21], [sflag:$0x5] =	stream.linear.gather @!p1 [hbm4b:s20+s19], $0x80, $0x38;
	[tilespmem:$0x1C400] =	vst v63  }
0xe1: {  	s20 =	sadd.s32 @!p1 s8, s17;
	s17 =	sand.u32 @!p1 $0x50, s17;
	_ =	swait.ge [sflag:s11], $0x80  }
0xe2: {  	s20 =	sand.u32 @!p1 $0x1FF80, s20;
	[sflag:s11] =	ssyncset.done $0x0  }
0xe3: {  	s17 =	sor.u32 @!p1 s17, s20;
	[sflag:s11] =	ssyncadd.s32 $0xFFFFFF80  }
0xe4: {  	s20 =	sadd.s32 @!p1 s1, s17;
	s17 =	sadd.s32 @!p1 s3, s17;
	v1 =	vld [tilespmem:$0x8180]  }
0xe5: {  	v2 =	vld [tilespmem:$0x8190]  }
0xe6: {  	v3 =	vld [tilespmem:$0x81A0]  }
0xe7: {  	v4 =	vld [tilespmem:$0x81B0];
	_ =	sdelay $0x1  }
0xe8: {  	v1 =	vshll.u32 v1, $0x1  }
0xe9: {  	v1 =	vor.u32 v0, v1;
	v2 =	vshll.u32 v2, $0x1  }
0xea: {  	[tilespmem:$0x8180] =	vst v1;
	v1 =	vor.u32 v0, v2;
	v2 =	vshll.u32 v3, $0x1  }
0xeb: {  	[tilespmem:$0x8190] =	vst v1;
	v1 =	vor.u32 v0, v2;
	v2 =	vshll.u32 v4, $0x1  }
0xec: {  	[tilespmem:$0x81A0] =	vst v1;
	v1 =	vor.u32 v0, v2  }
0xed: {  	[tilespmem:$0x81B0] =	vst v1  }
0xee: {  	[tilespmem:s12], [sflag:$0xC] =	stream.indirect.gather [hbm4b:s6+s23], $0x80, s31, s23, $0xb8;
	[tilespmem:$0x1C400] =	vst v63  }
0xef: {  	_ =	swait.ge [sflag:s13], $0x2000  }
0xf0: {  	[sflag:s13] =	ssyncset.done $0x0  }
0xf1: {  	[sflag:s13] =	ssyncadd.s32 $0xFFFFE000  }
0xf2: {  	_ =	swait.ge [sflag:s14], $0x80  }
0xf3: {  	[sflag:s14] =	ssyncset.done $0x0  }
0xf4: {  	s21 =	simm.s32 @!p1 $0xE;
	[sflag:s14] =	ssyncadd.s32 $0xFFFFFF80  }
0xf5: {  	[spmem:s4] =	stream.indirect.scatter.add.f32 [tilespmem:s7], [sflag:$0xF], $0x80, s25, s23, $0xb8;
	[tilespmem:$0x1C400] =	vst v63  }
0xf6: {  	_ =	swait.ge @!p1 [sflag:s21], $0x2000  }
0xf7: {  	[sflag:s21] =	ssyncset.done @!p1 $0x0  }
0xf8: {  	[sflag:s21] =	ssyncadd.s32 @!p1 $0xFFFFE000;
	s21 =	simm.s32 @!p1 $0x8080  }
0xf9: {  	[tilespmem:s21], [sflag:$0x2] =	stream.linear.gather @!p1 [hbm4b:s20+s19], $0x80, $0x38;
	[tilespmem:$0x1C400] =	vst v63  }
0xfa: {  	s20 =	simm.s32 @!p1 $0x8280;
	s21 =	simm.s32 @!p1 $0x1  }
0xfb: {  	[tilespmem:s20], [sflag:$0x6] =	stream.linear.gather @!p1 [hbm4b:s17+s19], $0x80, $0x38;
	[tilespmem:$0x1C400] =	vst v63  }
.Ltmp0:
0xfc: {  	_ = 	snop;
	(pc) =	sbr.rel @p0 .LBB2_2-.Ltmp0, $4  }
0xfd: {  	_ =	swait.ge @!p1 [sflag:s21], $0x80  }
0xfe: {  	[sflag:s21] =	ssyncset.done @!p1 $0x0  }
0xff: {  	[sflag:s21] =	ssyncadd.s32 @!p1 $0xFFFFFF80  }
0x100: {  	v1 =	vld @!p1 [tilespmem:$0x8000]  }
0x101: {  	v2 =	vld @!p1 [tilespmem:$0x8010]  }
0x102: {  	v3 =	vld @!p1 [tilespmem:$0x8020]  }
0x103: {  	v4 =	vld @!p1 [tilespmem:$0x8030];
	_ =	sdelay $0x1  }
0x104: {  	v1 =	vshll.u32 @!p1 v1, $0x1  }
0x105: {  	v1 =	vor.u32 @!p1 v0, v1;
	v2 =	vshll.u32 @!p1 v2, $0x1  }
0x106: {  	[tilespmem:$0x8000] =	vst @!p1 v1;
	v1 =	vor.u32 @!p1 v0, v2;
	v2 =	vshll.u32 @!p1 v3, $0x1  }
0x107: {  	[tilespmem:$0x8010] =	vst @!p1 v1;
	v1 =	vor.u32 @!p1 v0, v2;
	v2 =	vshll.u32 @!p1 v4, $0x1  }
0x108: {  	[tilespmem:$0x8020] =	vst @!p1 v1;
	v1 =	vor.u32 @!p1 v0, v2  }
0x109: {  	s16 =	simm.s32 @!p1 $0x40;
	[tilespmem:$0x8030] =	vst @!p1 v1  }
0x10a: {  	[tilespmem:s19], [sflag:$0x9] =	stream.indirect.gather @!p1 [hbm4b:s6+s16], $0x80, s9, s16, $0xb8;
	[tilespmem:$0x1C400] =	vst v63  }
0x10b: {  	_ =	swait.ge [sflag:s15], $0x2000  }
0x10c: {  	[sflag:s15] =	ssyncset.done $0x0  }
0x10d: {  	[sflag:s15] =	ssyncadd.s32 $0xFFFFE000  }
0x10e: {  	_ =	swait.ge [sflag:s22], $0x80  }
0x10f: {  	[sflag:s22] =	ssyncset.done $0x0  }
0x110: {  	s21 =	simm.s32 $0xD;
	[sflag:s22] =	ssyncadd.s32 $0xFFFFFF80  }
0x111: {  	[spmem:s4] =	stream.indirect.scatter.add.f32 [tilespmem:s12], [sflag:$0x10], $0x80, s0, s23, $0xb8;
	[tilespmem:$0x1C400] =	vst v63  }
0x112: {  	_ =	swait.ge [sflag:s21], $0x2000  }
0x113: {  	[sflag:s21] =	ssyncset.done $0x0  }
0x114: {  	s16 =	simm.s32 $0xE;
	[sflag:s21] =	ssyncadd.s32 $0xFFFFE000  }
0x115: {  	_ =	swait.ge [sflag:s16], $0x2000  }
0x116: {  	[sflag:s16] =	ssyncset.done $0x0  }
0x117: {  	s17 =	simm.s32 $0xF;
	[sflag:s16] =	ssyncadd.s32 $0xFFFFE000  }
0x118: {  	_ =	swait.ge [sflag:s17], $0x2000  }
0x119: {  	[sflag:s17] =	ssyncset.done $0x0  }
0x11a: {  	s19 =	simm.s32 $0x10;
	[sflag:s17] =	ssyncadd.s32 $0xFFFFE000  }
0x11b: {  	_ =	swait.ge [sflag:s19], $0x2000  }
0x11c: {  	[sflag:s19] =	ssyncset.done $0x0  }
0x11d: {  	[sflag:s19] =	ssyncadd.s32 $0xFFFFE000  }
0x11e: {  	[bflag:$0x0] =	sbarrier.arrive $0xFFFF  }
0x11f: {  	s16 =	rddreg [dreg:$0x6]  }
0x120: {  	s20 =	rddreg [dreg:$0xb]  }
0x121: {  	s19 =	simm.s32 $0x11;
	s17 =	rddreg [dreg:$0xd]  }
0x122: {  	[hbm:s20], [sflag:s16] =	dma.local [spmem:s17], $0x2800  }
0x123: {  	_ =	swait.ge [sflag:s19], $0x2800  }
0x124: {  	s20 =	rddreg [dreg:$0xe]  }
0x125: {  	s21 =	rddreg [dreg:$0xc];
	s20 =	sadd.s32 $0x1, s20  }
0x126: {  	p0 =	sne.s32 s20, s21  }
.Ltmp1:
0x127: {  	_ = 	snop;
	(pc) =	sbr.rel @p0 .LBB2_1-.Ltmp1, $4  }
0x128: {  	_ = 	snop  }
0x129: {  	[sflag:s19] =	ssyncset.done $0x0  }
0x12a: {  	[sflag:s19] =	ssyncadd.s32 $0xFFFFD800  }
0x12b: {  	[dreg:$0xe] =	wrdreg s20;
	s20 =	simm.s32 $0x8200;
	s21 =	simm.s32 $0x8080  }
0x12c: {  	_ =	sfence.sel $0x180000  }
0x12d: {  	[bflag:$0x0] =	sbarrier.arrive $0xFFFF  }
0x12e: {  	_ =	strace $0x9000004A  }
0x12f: {  	s0 =	stileid.u32;
	[bflag:$0x2] =	sbarrier.arrive $0xFFFF  }
0x130: {  	p0 =	sne.s32 s0, $0x0;
	s0 =	rddreg [dreg:$0x4]  }
0x131: {  	s0 =	sadd.s32 @!p0 $0x100000, s0  }
0x132: {  	[sflag:s0] =	ssyncadd.tile.s32 @!p0 $0x1;
	_ =	shalt  }
.Lfunc_end2:
_tile_overlayer_lowered:
.L_overlay_start_2:
0x133: {  	(tag) =	ssettag $0x2  }
0x134: {  	s0 =	rddreg [dreg:$0x0];
	s2 =	stileid.u32  }
0x135: {  	s1 =	rddreg [dreg:$0x1];
	p0 =	sne.s32 s2, $0x0  }
0x136: {  	s3 =	rddreg [dreg:$0x2];
	[bflag:$0x3] =	sbarrier.arrive $0xFFFF;
	s2 =	simm.s32 @!p0 $0x1C11  }
0x137: {  	[timem:s3], [sflag:s2] =	dma.local @!p0 [hbm:s0], s1  }
0x138: {  	s0 =	simm.s32 @!p0 $0x11  }
0x139: {  	_ =	swait.ge @!p0 [sflag:s0], s1  }
0x13a: {  	s1 =	ssub.s32 @!p0 $0x0, s1;
	[sflag:s0] =	ssyncset.done @!p0 $0x0  }
0x13b: {  	[sflag:s0] =	ssyncadd.s32 @!p0 s1  }
0x13c: {  	[bflag:$0x3] =	sbarrier.arrive $0xFFFF  }
0x13d: {  	_ =	shalt  }

// kernel: kernel.15.cloned.1.call-start
scs
__scs_entry_jumppad:
0x0: {  	(pc) =	sbr.rel $0x88, $3  }
0x1: {  	(tag) =	ssettag $0x0;
	lr =	simm.s32 $0x1  }
0x2: {  	[smem:$0x3F9B] =	sst lr;
	_ =	strace $0xD0000000  }
0x3: {  	_ = 	snop  }
0x4: {  	_ = 	snop  }
0x5: {  	_ = 	snop  }
0x6: {  	_ = 	snop  }
0x7: {  	_ = 	snop  }
__scs_overlays_trampoline_lowered:
0x8: {  	[smem:$0x3FAA] =	sst s0  }
0x9: {  	[smem:$0x3FAB] =	sst s1  }
0xa: {  	[smem:$0x3FAC] =	sst s2  }
0xb: {  	[smem:$0x3FAD] =	sst s3  }
0xc: {  	[smem:$0x3FAE] =	sst s4  }
0xd: {  	[smem:$0x3FAF] =	sst s5  }
0xe: {  	[smem:$0x3FB0] =	sst s6  }
0xf: {  	[smem:$0x3FB1] =	sst s7  }
0x10: {  	[smem:$0x3FB2] =	sst s8  }
0x11: {  	[smem:$0x3FB3] =	sst s9;
	s0 =	simm.s32 @!p0 $0x0  }
0x12: {  	s1 =	sld [smem:$0x3F99];
	s0 =	simm.s32 @p0 $0x1  }
0x13: {  	[smem:$0x3FB4] =	sst s0;
	s0 =	simm.s32 @!p1 $0x0  }
0x14: {  	s2 =	sld [smem:$0x3F98];
	s0 =	simm.s32 @p1 $0x1  }
0x15: {  	[smem:$0x3FB5] =	sst s0;
	s0 =	simm.s32 @!p2 $0x0  }
0x16: {  	s3 =	sld [smem:$0x3FDB];
	s0 =	simm.s32 @p2 $0x1  }
0x17: {  	s4 =	simm.s32 $0x1BF5;
	[smem:$0x3FB7] =	sst s0  }
0x18: {  	s0 =	sld [smem:$0x3F9A];
	_ =	swait.ge [sflag:s4], $0x0  }
0x19: {  	s7 =	sld [smem:$0x3F9B]  }
0x1a: {  	s8 =	sadd.s32 $0xFFFFE003, lr  }
0x1b: {  	s9 =	sadd.s32 $0xFFFFFEF7, lr;
	s5 =	simm.s32 $0xFFFFFFFF;
	p2 =	slt.u32 s8, $0xFFFFF086  }
0x1c: {  	p1 =	slt.u32 s9, $0xF7A;
	s5 =	simm.s32 @!p2 $0x0  }
0x1d: {  	s5 =	simm.s32 @p1 $0x1;
	p0 =	seq.s32 s7, s2  }
0x1e: {  	s7 =	smul.u32 @!p0 $0xF7A, s2;
	p2 =	seq.s32 @!p0 s5, $0x0  }
0x1f: {  	s9 =	smul.u32 $0xF7A, s1;
	s8 =	simm.s32 @!p0 $0x1BF5;
	p2 =	por !p2, p0  }
0x20: {  	[sflag:s8] =	ssyncset.s32 @!p0 $0xFFFFF086;
	s6 =	sadd.s32 @!p0 s3, s7;
	s7 =	simm.s32 @!p0 $0x108  }
0x21: {  	s3 =	sadd.s32 s3, s9;
	s6 =	sadd.s32 @!p0 $0x88, s6;
	s7 =	simm.s32 @p2 $0x1082  }
0x22: {  	[simem:s7], [sflag:s8] =	dma.local @!p0 [hbm:s6], $0xF7A  }
0x23: {  	s9 =	sor.u32 $0xD0000000, s2;
	s6 =	simm.s32 $0x108;
	_ =	swait.ge @!p0 [sflag:s8], $0x0  }
0x24: {  	s3 =	sadd.s32 $0x88, s3;
	s6 =	simm.s32 @!p1 $0x1082;
	[sflag:s4] =	ssyncset.s32 $0xFFFFF086  }
0x25: {  	[simem:s6], [sflag:s4] =	dma.local [hbm:s3], $0xF7A  }
0x26: {  	[smem:$0x3F9B] =	sst s1;
	(tag) =	ssettag s2;
	_ =	strace s9  }
0x27: {  	s1 =	sld [smem:$0x3FAB]  }
0x28: {  	s2 =	sld [smem:$0x3FAC]  }
0x29: {  	s4 =	sld [smem:$0x3FAE]  }
0x2a: {  	p0 =	seq.s32 s5, $0x0;
	s5 =	sld [smem:$0x3FAF]  }
0x2b: {  	s6 =	sld [smem:$0x3FB0]  }
0x2c: {  	s7 =	sld [smem:$0x3FB1]  }
0x2d: {  	s3 =	simm.s32 $0x108;
	s8 =	sld [smem:$0x3FB2]  }
0x2e: {  	s3 =	simm.s32 @!p0 $0x1082;
	s9 =	sld [smem:$0x3FB3]  }
0x2f: {  	lr =	sadd.s32 s0, s3;
	s0 =	sld [smem:$0x3FAA]  }
0x30: {  	s3 =	sld [smem:$0x3FAD]  }
0x31: {  	[smem:$0x3FB6] =	sst s10  }
0x32: {  	s10 =	sld [smem:$0x3FB4];
	_ =	sdelay $0x3  }
0x33: {  	p0 =	seq.s32 s10, $0x1;
	s10 =	sld [smem:$0x3FB6];
	_ =	sdelay $0x3  }
0x34: {  	[smem:$0x3FB6] =	sst s10  }
0x35: {  	s10 =	sld [smem:$0x3FB5];
	_ =	sdelay $0x3  }
0x36: {  	p1 =	seq.s32 s10, $0x1;
	s10 =	sld [smem:$0x3FB6];
	_ =	sdelay $0x3  }
0x37: {  	[smem:$0x3FB6] =	sst s10  }
0x38: {  	s10 =	sld [smem:$0x3FB7]  }
0x39: {  	_ = 	snop;
	(pc) =	sbr.ind lr, $3  }
0x3a: {  	_ = 	snop  }
0x3b: {  	_ = 	snop  }
0x3c: {  	p2 =	seq.s32 s10, $0x1;
	s10 =	sld [smem:$0x3FB6]  }
0x3d: {  	_ =	shalt  }
0x3e: {  	_ =	shalt  }
0x3f: {  	_ =	shalt  }
0x40: {  	_ =	shalt  }
0x41: {  	_ =	shalt  }
0x42: {  	_ =	shalt  }
0x43: {  	_ =	shalt  }
0x44: {  	_ =	shalt  }
0x45: {  	_ =	shalt  }
0x46: {  	_ =	shalt  }
0x47: {  	_ =	shalt  }
0x48: {  	_ =	shalt  }
0x49: {  	_ =	shalt  }
0x4a: {  	_ =	shalt  }
0x4b: {  	_ =	shalt  }
0x4c: {  	_ =	shalt  }
0x4d: {  	_ =	shalt  }
0x4e: {  	_ =	shalt  }
0x4f: {  	_ =	shalt  }
0x50: {  	_ =	shalt  }
0x51: {  	_ =	shalt  }
0x52: {  	_ =	shalt  }
0x53: {  	_ =	shalt  }
0x54: {  	_ =	shalt  }
0x55: {  	_ =	shalt  }
0x56: {  	_ =	shalt  }
0x57: {  	_ =	shalt  }
0x58: {  	_ =	shalt  }
0x59: {  	_ =	shalt  }
0x5a: {  	_ =	shalt  }
0x5b: {  	_ =	shalt  }
0x5c: {  	_ =	shalt  }
0x5d: {  	_ =	shalt  }
0x5e: {  	_ =	shalt  }
0x5f: {  	_ =	shalt  }
0x60: {  	_ =	shalt  }
0x61: {  	_ =	shalt  }
0x62: {  	_ =	shalt  }
0x63: {  	_ =	shalt  }
0x64: {  	_ =	shalt  }
0x65: {  	_ =	shalt  }
0x66: {  	_ =	shalt  }
0x67: {  	_ =	shalt  }
0x68: {  	_ =	shalt  }
0x69: {  	_ =	shalt  }
0x6a: {  	_ =	shalt  }
0x6b: {  	_ =	shalt  }
0x6c: {  	_ =	shalt  }
0x6d: {  	_ =	shalt  }
0x6e: {  	_ =	shalt  }
0x6f: {  	_ =	shalt  }
0x70: {  	_ =	shalt  }
0x71: {  	_ =	shalt  }
0x72: {  	_ =	shalt  }
0x73: {  	_ =	shalt  }
0x74: {  	_ =	shalt  }
0x75: {  	_ =	shalt  }
0x76: {  	_ =	shalt  }
0x77: {  	_ =	shalt  }
0x78: {  	_ =	shalt  }
0x79: {  	_ =	shalt  }
0x7a: {  	_ =	shalt  }
0x7b: {  	_ =	shalt  }
0x7c: {  	_ =	shalt  }
0x7d: {  	_ =	shalt  }
0x7e: {  	_ =	shalt  }
0x7f: {  	_ =	shalt  }
0x80: {  	_ =	shalt  }
0x81: {  	_ =	shalt  }
0x82: {  	_ =	shalt  }
0x83: {  	_ =	shalt  }
0x84: {  	_ =	shalt  }
0x85: {  	_ =	shalt  }
0x86: {  	_ =	shalt  }
0x87: {  	_ =	shalt  }
.Lfunc_end0:
.L_simem_size_0:
called_computation.2_lowered:
.L_overlay_start_0:
0x88: {  	s2 =	sld [smem:$0x3FD9]  }
0x89: {  	s3 =	sld [smem:$0x3FFE];
	_ =	sdelay $0x1  }
0x8a: {  	s1 =	srdreg.scid  }
0x8b: {  	s0 =	sand.u32 $0x1, s1  }
0x8c: {  	s14 =	sshll.u32 s0, $0xA;
	s2 =	sadd.s32 s3, s2  }
0x8d: {  	s2 =	sadd.s32 s2, s14  }
0x8e: {  	[smem:$0x3FC2] =	sst s2  }
0x8f: {  	_ = 	snop  }
0x90: {  	s2 =	sld [smem:$0x3FD0];
	_ =	sdelay $0x2  }
0x91: {  	s15 =	simm.s32 $0xA;
	s4 =	simm.s32 $0x10  }
0x92: {  	[smem:s4], [sflag:s15] =	dma.local [hbm:s2], $0x1  }
0x93: {  	_ =	swait.eq [sflag:s15], $0x1  }
0x94: {  	[sflag:s15] =	ssyncset.done $0x0  }
0x95: {  	[sflag:s15] =	ssyncadd.s32 $0xFFFFFFFF  }
0x96: {  	s16 =	sld [smem:$0x11];
	(tm) =	ssettm $0x1  }
0x97: {  	s17 =	sld [smem:$0x3FFB];
	_ =	sdelay $0x3  }
0x98: {  	_ =	strace s17  }
0x99: {  	s3 =	sld [smem:$0x3FFC];
	_ =	sdelay $0x3  }
0x9a: {  	_ =	strace s3  }
0x9b: {  	s3 =	sld [smem:$0x3FFD];
	_ =	sdelay $0x3  }
0x9c: {  	_ =	strace s3  }
0x9d: {  	_ =	strace $0x8FFFFFFF  }
0x9e: {  	s18 =	sld [smem:$0x3FDB];
	_ =	sdelay $0x1  }
0x9f: {  	s19 =	simm.s32 $_scs_section_size  }
0xa0: {  	s5 =	simm.s32 $_size__tile_overlayer_lowered;
	s6 =	simm.s32 $_tile_overlayer_lowered  }
0xa1: {  	s22 =	simm.s32 $0x1BFF;
	s21 =	sshll.u32 s6, $0x1;
	s3 =	sadd.s32 s19, s18  }
0xa2: {  	s7 =	simm.s32 $0x0;
	s20 =	sshll.u32 s5, $0x1;
	s5 =	sadd.s32 s21, s3  }
0xa3: {  	[timem:s7], [sflag:s22] =	dma.local [hbm:s5], s20  }
0xa4: {  	_ =	swait.ge [sflag:s22], s20  }
0xa5: {  	s4 =	ssub.s32 $0x0, s20;
	[sflag:s22] =	ssyncset.done $0x0  }
0xa6: {  	[sflag:s22] =	ssyncadd.s32 s4;
	_ =	sdelay $0x1  }
0xa7: {  	s23 =	simm.s32 $0x1B8B  }
0xa8: {  	_ =	swait.ge [sflag:s23], $0x1  }
0xa9: {  	[sflag:s23] =	ssyncset.done $0x0  }
0xaa: {  	s25 =	simm.s32 $0x1B8E;
	s24 =	sld [smem:$0x3FFE];
	[sflag:s23] =	ssyncadd.s32 $0xFFFFFFFF  }
0xab: {  	s26 =	simm.s32 $execute0_lowered;
	[smem:$0x3FD2] =	sst s25  }
0xac: {  	s5 =	sshll.u32 s26, $0x1;
	_ =	strace $0x8000004C;
	[dreg:$0x1] =	wrdreg $0xFFFFFFFF  }
0xad: {  	s28 =	simm.s32 $_size_execute0_lowered;
	s3 =	sadd.s32 s3, s5;
	[dreg:$0x0] =	wrdreg $0x0  }
0xae: {  	s5 =	sshll.u32 s28, $0x1;
	[dreg:$0x2] =	wrdreg s3  }
0xaf: {  	[dreg:$0x3] =	wrdreg s5  }
0xb0: {  	[dreg:$0x4] =	wrdreg $0xC0  }
0xb1: {  	_ =	task [dreg:s7], $0x5FFFF  }
0xb2: {  	[dreg:$0x1] =	wrdreg $0xFFFFFFFF  }
0xb3: {  	[dreg:$0x0] =	wrdreg $0x60  }
0xb4: {  	[dreg:$0x2] =	wrdreg s24  }
0xb5: {  	[dreg:$0x3] =	wrdreg s16  }
0xb6: {  	[dreg:$0x4] =	wrdreg $0x84000  }
0xb7: {  	[dreg:$0x5] =	wrdreg $0x9  }
0xb8: {  	_ =	task.clear_ibuf [dreg:s7], $0x6FFFF;
	_ =	strace $0x9000004C  }
0xb9: {  	s29 =	simm.s32 $0x9;
	_ =	strace $0x8000004E  }
0xba: {  	_ =	swait.ge [sflag:s29], $0x1  }
0xbb: {  	[sflag:s29] =	ssyncadd.s32 $0xFFFFFFFF  }
0xbc: {  	_ =	strace $0x9000004E  }
0xbd: {  	_ =	sfence  }
0xbe: {  	s30 =	sld [smem:$0x0];
	_ =	sdelay $0x2  }
0xbf: {  	s31 =	sshll.u32 s1, $0xD;
	s1 =	sshrl.u32 s1, $0x2  }
0xc0: {  	s3 =	sand.u32 $0x4000, s31;
	s1 =	sadd.s32 s1, s30  }
0xc1: {  	s0 =	sor.u32 s3, s0;
	s1 =	sshll.u32 s1, $0x11  }
0xc2: {  	s0 =	sor.u32 s1, s0  }
0xc3: {  	s0 =	sadd.s32 $0x8F2B, s0  }
0xc4: {  	[sflag:s0] =	ssyncadd.remote.s32 $0x1  }
0xc5: {  	_ =	sfence.sel $0xFFFF  }
0xc6: {  	[dreg:$0x0] =	wrdreg $0xFFFFFFFF;
	(pc) =	sbr.abs _section_cstart, $3  }
0xc7: {  	[dreg:$0x1] =	wrdreg $0xFFFFFFFF  }
0xc8: {  	_ =	task.clear_ibuf [dreg:s7], $0x2FFFF;
	_ =	strace $0x9FFFFFFF  }
0xc9: {  	(tm) =	ssettm $0x7FFFFFFF  }
tec
execute0_lowered:
.L_overlay_start_1:
0x0: {  	(tag) =	ssettag $0x1  }
0x1: {  	s0 =	rddreg [dreg:$0x0]  }
0x2: {  	s3 =	rddreg [dreg:$0x2]  }
0x3: {  	s1 =	srdreg.scid;
	s11 =	stileid.u32;
	s4 =	simm.s32 $0x0  }
0x4: {  	s28 =	simm.s32 $0x9;
	s29 =	simm.s32 $0x5;
	s12 =	simm.s32 $0xC  }
0x5: {  	s30 =	simm.s32 $0x8300;
	s31 =	simm.s32 $0x8180;
	s2 =	smul.u32 $0x1400, s11  }
0x6: {  	s1 =	sand.u32 $0x1, s1;
	[smem:$0x7FF] =	sst s4;
	s15 =	smul.u32 $0x28000, s11  }
0x7: {  	s5 =	sadd.s32 $0x34400, s0;
	s7 =	sadd.s32 $0x7400, s0;
	s17 =	smul.u32 $0x28, s11  }
0x8: {  	s8 =	sadd.s32 $0x2400, s0;
	s6 =	smul.u32 $0x14000, s1;
	_ =	strace $0x8000004D  }
0x9: {  	s14 =	ssub.s32 $0x2, s1;
	s10 =	sshll.u32 s1, $0x4;
	s1 =	smul.u32 $0x280, s1  }
0xa: {  	s9 =	sshrl.u32 s14, $0x1;
	s16 =	sor.u32 s11, s10;
	s11 =	sshll.u32 s11, $0x6  }
0xb: {  	s2 =	sadd.s32 s2, s6;
	s6 =	sshrl.u32 s15, $0x2;
	s15 =	sor.u32 $0x1C11, s11  }
0xc: {  	s1 =	sadd.s32 s17, s1;
	s11 =	simm.s32 $0x7;
	s17 =	simm.s32 $0x8  }
0xd: {  	s0 =	sadd.s32 s2, s0;
	s2 =	ssub.s32 s14, s9;
	s9 =	smul.u32 $0x280, s16  }
0xe: {  	s6 =	sadd.s32 s6, s3;
	s1 =	sshll.u32 s1, $0x4;
	[dreg:$0x8] =	wrdreg s15  }
0xf: {  	s21 =	sor.u32 $0x40, s1;
	s0 =	sadd.s32 $0x8EA00, s0;
	s24 =	sor.u32 $0x20, s1  }
0x10: {  	s2 =	smax.u32 s2, $0x1;
	s13 =	sadd.s32 s1, s7;
	[dreg:$0xd] =	wrdreg s0  }
0x11: {  	s14 =	sadd.s32 s1, s8;
	s16 =	sshrl.u32 s6, $0x3;
	[dreg:$0xe] =	wrdreg s2  }
0x12: {  	s1 =	simm.s32 $0x4000;
	s18 =	sadd.s32 s7, s9;
	[dreg:$0xf] =	wrdreg s16  }
0x13: {  	s19 =	sor.u32 $0x10, s9;
	s9 =	sadd.s32 s8, s9;
	[dreg:$0x9] =	wrdreg s18  }
0x14: {  	s22 =	sadd.s32 s21, s7;
	s23 =	sadd.s32 s21, s8;
	[dreg:$0xa] =	wrdreg s9  }
0x15: {  	s25 =	sadd.s32 s24, s7;
	s26 =	sadd.s32 s24, s8;
	[dreg:$0x4] =	wrdreg s22  }
0x16: {  	s24 =	simm.s32 $0x8380;
	s0 =	simm.s32 $0x3;
	[dreg:$0x5] =	wrdreg s23  }
0x17: {  	s2 =	simm.s32 $0xA;
	s20 =	sadd.s32 s7, s19;
	[dreg:$0x6] =	wrdreg s25  }
0x18: {  	s10 =	sadd.s32 s8, s19;
	[dreg:$0x7] =	wrdreg s26;
	s18 =	simm.s32 $0x11  }
0x19: {  	s22 =	simm.s32 $0x80;
	s25 =	simm.s32 $0x2;
	s7 =	simm.s32 $0x6  }
0x1a: {  	s8 =	simm.s32 $0x4;
	s9 =	simm.s32 $0x6000;
	[dreg:$0xb] =	wrdreg s20  }
0x1b: {  	s19 =	simm.s32 $0x0;
	[dreg:$0xc] =	wrdreg s10;
	s10 =	simm.s32 $0xB  }
.LBB2_1:
0x1c: {  	[dreg:$0x10] =	wrdreg s19  }
0x1d: {  	s6 =	rddreg [dreg:$0x1]  }
0x1e: {  	[spmem:s16], [sflag:s15] =	dma.local [hbm:s6], $0x1400  }
0x1f: {  	_ =	swait.ge [sflag:s18], $0x1400  }
0x20: {  	[sflag:s18] =	ssyncset.done $0x0  }
0x21: {  	[sflag:s18] =	ssyncadd.s32 $0xFFFFEC00  }
0x22: {  	[bflag:$0x0] =	sbarrier.arrive $0xFFFF  }
0x23: {  	s15 =	simm.s32 $0x8000;
	s21 =	rddreg [dreg:$0x9]  }
0x24: {  	[tilespmem:s15], [sflag:$0x1] =	stream.linear.gather [hbm4b:s21+s4], $0x80, $0x38;
	[tilespmem:$0x12400] =	vst v63  }
0x25: {  	s18 =	simm.s32 $0x8200;
	s23 =	rddreg [dreg:$0xa]  }
0x26: {  	[tilespmem:s18], [sflag:$0x5] =	stream.linear.gather [hbm4b:s23+s4], $0x80, $0x38;
	[tilespmem:$0x12400] =	vst v63  }
0x27: {  	s19 =	simm.s32 $0x8080;
	s26 =	rddreg [dreg:$0xb]  }
0x28: {  	[tilespmem:s19], [sflag:$0x2] =	stream.linear.gather [hbm4b:s26+s4], $0x80, $0x38;
	[tilespmem:$0x12400] =	vst v63  }
0x29: {  	s20 =	simm.s32 $0x8280;
	s16 =	rddreg [dreg:$0xc];
	s21 =	simm.s32 $0x1  }
0x2a: {  	[tilespmem:s20], [sflag:$0x6] =	stream.linear.gather [hbm4b:s16+s4], $0x80, $0x38;
	[tilespmem:$0x12400] =	vst v63  }
0x2b: {  	p0 =	por $0x1, $0x1;
	_ =	swait.ge [sflag:s21], $0x80  }
0x2c: {  	p0 =	por p0, p0;
	[sflag:s21] =	ssyncset.done $0x0  }
0x2d: {  	s6 =	simm.s32 @!p0 $0xF;
	[sflag:s21] =	ssyncadd.s32 $0xFFFFFF80  }
0x2e: {  	[tilespmem:s4], [sflag:$0x9] =	stream.indirect.gather [hbm4b:s5+s22], $0x40, s15, s22, $0xb8;
	[tilespmem:$0x12400] =	vst v63  }
0x2f: {  	_ =	swait.ge @!p0 [sflag:s6], $0x2000  }
0x30: {  	s21 =	simm.s32 $0x8100;
	s23 =	rddreg [dreg:$0x6];
	[sflag:s6] =	ssyncset.done @!p0 $0x0  }
0x31: {  	s26 =	rddreg [dreg:$0x7];
	[sflag:s6] =	ssyncadd.s32 @!p0 $0xFFFFE000;
	s15 =	sadd.s32 $0x0, s23  }
0x32: {  	[tilespmem:s21], [sflag:$0x3] =	stream.linear.gather [hbm4b:s15+s4], $0x80, $0x38;
	[tilespmem:$0x12400] =	vst v63  }
0x33: {  	s16 =	sadd.s32 $0x0, s26;
	s23 =	simm.s32 $0x8300  }
0x34: {  	[tilespmem:s23], [sflag:$0x7] =	stream.linear.gather [hbm4b:s16+s4], $0x80, $0x38;
	[tilespmem:$0x12400] =	vst v63  }
0x35: {  	_ =	swait.ge [sflag:s25], $0x80  }
0x36: {  	[sflag:s25] =	ssyncset.done $0x0  }
0x37: {  	s16 =	simm.s32 $0x2000;
	[sflag:s25] =	ssyncadd.s32 $0xFFFFFF80  }
0x38: {  	[tilespmem:s16], [sflag:$0xA] =	stream.indirect.gather [hbm4b:s5+s22], $0x40, s19, s22, $0xb8;
	[tilespmem:$0x12400] =	vst v63  }
0x39: {  	_ =	swait.ge [sflag:s28], $0x2000  }
0x3a: {  	[sflag:s28] =	ssyncset.done $0x0  }
0x3b: {  	[sflag:s28] =	ssyncadd.s32 $0xFFFFE000  }
0x3c: {  	_ =	swait.ge [sflag:s29], $0x80  }
0x3d: {  	[sflag:s29] =	ssyncset.done $0x0  }
0x3e: {  	s6 =	simm.s32 @!p0 $0x10;
	[sflag:s29] =	ssyncadd.s32 $0xFFFFFF80  }
0x3f: {  	[spmem:s3] =	stream.indirect.scatter.add.f32 [tilespmem:s4], [sflag:$0xD], $0x40, s18, s22, $0xb8;
	[tilespmem:$0x12400] =	vst v63  }
0x40: {  	s26 =	sadd.s32 $0x0, s13;
	_ =	swait.ge @!p0 [sflag:s6], $0x2000  }
0x41: {  	s15 =	sadd.s32 $0x30, s26;
	[sflag:s6] =	ssyncset.done @!p0 $0x0  }
0x42: {  	s19 =	simm.s32 $0x8180;
	s18 =	sadd.s32 $0x0, s14;
	[sflag:s6] =	ssyncadd.s32 @!p0 $0xFFFFE000  }
0x43: {  	[tilespmem:s19], [sflag:$0x4] =	stream.linear.gather [hbm4b:s15+s4], $0x80, $0x38;
	[tilespmem:$0x12400] =	vst v63  }
0x44: {  	s26 =	sadd.s32 $0x30, s18  }
0x45: {  	[tilespmem:s24], [sflag:$0x8] =	stream.linear.gather [hbm4b:s26+s4], $0x80, $0x38;
	[tilespmem:$0x12400] =	vst v63  }
0x46: {  	_ =	swait.ge [sflag:s0], $0x80  }
0x47: {  	[sflag:s0] =	ssyncset.done $0x0  }
0x48: {  	[sflag:s0] =	ssyncadd.s32 $0xFFFFFF80  }
0x49: {  	[tilespmem:s1], [sflag:$0xB] =	stream.indirect.gather [hbm4b:s5+s22], $0x40, s21, s22, $0xb8;
	[tilespmem:$0x12400] =	vst v63  }
0x4a: {  	_ =	swait.ge [sflag:s2], $0x2000  }
0x4b: {  	[sflag:s2] =	ssyncset.done $0x0  }
0x4c: {  	[sflag:s2] =	ssyncadd.s32 $0xFFFFE000  }
0x4d: {  	_ =	swait.ge [sflag:s7], $0x80  }
0x4e: {  	p0 =	por $0x0, $0x0;
	[sflag:s7] =	ssyncset.done $0x0  }
0x4f: {  	s6 =	simm.s32 @!p0 $0xD;
	[sflag:s7] =	ssyncadd.s32 $0xFFFFFF80  }
0x50: {  	[spmem:s3] =	stream.indirect.scatter.add.f32 [tilespmem:s16], [sflag:$0xE], $0x40, s20, s22, $0xb8;
	[tilespmem:$0x12400] =	vst v63  }
0x51: {  	s21 =	simm.s32 @!p0 $0x8000;
	_ =	swait.ge @!p0 [sflag:s6], $0x2000  }
0x52: {  	s16 =	simm.s32 @!p0 $0x0;
	s15 =	rddreg [dreg:$0x4];
	[sflag:s6] =	ssyncset.done @!p0 $0x0  }
0x53: {  	[sflag:s6] =	ssyncadd.s32 @!p0 $0xFFFFE000;
	s6 =	rddreg [dreg:$0x5];
	s15 =	sadd.s32 @!p0 $0x0, s15  }
0x54: {  	[tilespmem:s21], [sflag:$0x1] =	stream.linear.gather @!p0 [hbm4b:s15+s16], $0x80, $0x38;
	[tilespmem:$0x12400] =	vst v63  }
0x55: {  	s15 =	simm.s32 @!p0 $0x8200;
	s6 =	sadd.s32 @!p0 $0x0, s6  }
0x56: {  	[tilespmem:s15], [sflag:$0x5] =	stream.linear.gather @!p0 [hbm4b:s6+s16], $0x80, $0x38;
	[tilespmem:$0x12400] =	vst v63  }
0x57: {  	_ =	swait.ge [sflag:s8], $0x80  }
0x58: {  	[sflag:s8] =	ssyncset.done $0x0  }
0x59: {  	[sflag:s8] =	ssyncadd.s32 $0xFFFFFF80  }
0x5a: {  	[tilespmem:s9], [sflag:$0xC] =	stream.indirect.gather [hbm4b:s5+s22], $0x40, s19, s22, $0xb8;
	[tilespmem:$0x12400] =	vst v63  }
0x5b: {  	_ =	swait.ge [sflag:s10], $0x2000  }
0x5c: {  	[sflag:s10] =	ssyncset.done $0x0  }
0x5d: {  	[sflag:s10] =	ssyncadd.s32 $0xFFFFE000  }
0x5e: {  	_ =	swait.ge [sflag:s11], $0x80  }
0x5f: {  	[sflag:s11] =	ssyncset.done $0x0  }
0x60: {  	s6 =	simm.s32 @!p0 $0xE;
	[sflag:s11] =	ssyncadd.s32 $0xFFFFFF80  }
0x61: {  	[spmem:s3] =	stream.indirect.scatter.add.f32 [tilespmem:s1], [sflag:$0xF], $0x40, s23, s22, $0xb8;
	[tilespmem:$0x12400] =	vst v63  }
0x62: {  	_ =	swait.ge @!p0 [sflag:s6], $0x2000  }
0x63: {  	s15 =	sadd.s32 @!p0 $0x0, s13;
	[sflag:s6] =	ssyncset.done @!p0 $0x0  }
0x64: {  	s15 =	sadd.s32 @!p0 $0x50, s15;
	[sflag:s6] =	ssyncadd.s32 @!p0 $0xFFFFE000;
	s6 =	simm.s32 @!p0 $0x8080  }
0x65: {  	[tilespmem:s6], [sflag:$0x2] =	stream.linear.gather @!p0 [hbm4b:s15+s16], $0x80, $0x38;
	[tilespmem:$0x12400] =	vst v63  }
0x66: {  	s6 =	sadd.s32 @!p0 $0x0, s14  }
0x67: {  	s15 =	simm.s32 @!p0 $0x8280;
	s6 =	sadd.s32 @!p0 $0x50, s6  }
0x68: {  	[tilespmem:s15], [sflag:$0x6] =	stream.linear.gather @!p0 [hbm4b:s6+s16], $0x80, $0x38;
	[tilespmem:$0x12400] =	vst v63  }
0x69: {  	s6 =	simm.s32 @!p0 $0x1  }
0x6a: {  	_ =	swait.ge @!p0 [sflag:s6], $0x80  }
0x6b: {  	[sflag:s6] =	ssyncset.done @!p0 $0x0  }
0x6c: {  	[sflag:s6] =	ssyncadd.s32 @!p0 $0xFFFFFF80;
	s6 =	simm.s32 @!p0 $0x80  }
0x6d: {  	[tilespmem:s16], [sflag:$0x9] =	stream.indirect.gather @!p0 [hbm4b:s5+s6], $0x40, s21, s6, $0xb8;
	[tilespmem:$0x12400] =	vst v63  }
0x6e: {  	_ =	swait.ge [sflag:s12], $0x2000  }
0x6f: {  	[sflag:s12] =	ssyncset.done $0x0  }
0x70: {  	p6 =	por $0x0, $0x0;
	[sflag:s12] =	ssyncadd.s32 $0xFFFFE000  }
0x71: {  	s15 =	simm.s32 $0x80;
	p0 =	por p6, p6;
	_ =	swait.ge [sflag:s17], $0x80  }
0x72: {  	s6 =	simm.s32 $0x40;
	s21 =	simm.s32 @!p0 $0xF;
	[sflag:s17] =	ssyncset.done $0x0  }
.LBB2_2:
0x73: {  	[sflag:s17] =	ssyncadd.s32 $0xFFFFFF80;
	s23 =	simm.s32 $0x8380  }
0x74: {  	[spmem:s3] =	stream.indirect.scatter.add.f32 [tilespmem:s9], [sflag:$0x10], $0x40, s23, s22, $0xb8;
	[tilespmem:$0x12400] =	vst v63  }
0x75: {  	_ =	swait.ge @!p0 [sflag:s21], $0x2000  }
0x76: {  	s20 =	simm.s32 $0x8100;
	s18 =	rddreg [dreg:$0x6];
	[sflag:s21] =	ssyncset.done @!p0 $0x0  }
0x77: {  	s19 =	rddreg [dreg:$0x7];
	[sflag:s21] =	ssyncadd.s32 @!p0 $0xFFFFE000;
	s18 =	sadd.s32 s6, s18  }
0x78: {  	[tilespmem:s20], [sflag:$0x3] =	stream.linear.gather [hbm4b:s18+s4], $0x80, $0x38;
	[tilespmem:$0x12400] =	vst v63  }
0x79: {  	s26 =	sadd.s32 s6, s19  }
0x7a: {  	[tilespmem:s30], [sflag:$0x7] =	stream.linear.gather [hbm4b:s26+s4], $0x80, $0x38;
	[tilespmem:$0x12400] =	vst v63  }
0x7b: {  	_ =	swait.ge [sflag:s25], $0x80  }
0x7c: {  	[sflag:s25] =	ssyncset.done $0x0  }
0x7d: {  	s19 =	simm.s32 $0x8080;
	s21 =	simm.s32 $0x2000;
	[sflag:s25] =	ssyncadd.s32 $0xFFFFFF80  }
0x7e: {  	[tilespmem:s21], [sflag:$0xA] =	stream.indirect.gather [hbm4b:s5+s22], $0x40, s19, s22, $0xb8;
	[tilespmem:$0x12400] =	vst v63  }
0x7f: {  	_ =	swait.ge [sflag:s28], $0x2000  }
0x80: {  	[sflag:s28] =	ssyncset.done $0x0  }
0x81: {  	[sflag:s28] =	ssyncadd.s32 $0xFFFFE000  }
0x82: {  	_ =	swait.ge [sflag:s29], $0x80  }
0x83: {  	[sflag:s29] =	ssyncset.done $0x0  }
0x84: {  	s24 =	simm.s32 $0x8200;
	s18 =	simm.s32 @!p0 $0x10;
	[sflag:s29] =	ssyncadd.s32 $0xFFFFFF80  }
0x85: {  	[spmem:s3] =	stream.indirect.scatter.add.f32 [tilespmem:s4], [sflag:$0xD], $0x40, s24, s22, $0xb8;
	[tilespmem:$0x12400] =	vst v63  }
0x86: {  	_ =	swait.ge @!p0 [sflag:s18], $0x2000  }
0x87: {  	s26 =	sadd.s32 s6, s13;
	[sflag:s18] =	ssyncset.done @!p0 $0x0  }
0x88: {  	s24 =	sadd.s32 $0x30, s26;
	s26 =	sadd.s32 s6, s14;
	[sflag:s18] =	ssyncadd.s32 @!p0 $0xFFFFE000  }
0x89: {  	[tilespmem:s31], [sflag:$0x4] =	stream.linear.gather [hbm4b:s24+s4], $0x80, $0x38;
	[tilespmem:$0x12400] =	vst v63  }
0x8a: {  	s24 =	sadd.s32 $0x30, s26  }
0x8b: {  	[tilespmem:s23], [sflag:$0x8] =	stream.linear.gather [hbm4b:s24+s4], $0x80, $0x38;
	[tilespmem:$0x12400] =	vst v63  }
0x8c: {  	_ =	swait.ge [sflag:s0], $0x80  }
0x8d: {  	[sflag:s0] =	ssyncset.done $0x0  }
0x8e: {  	[sflag:s0] =	ssyncadd.s32 $0xFFFFFF80  }
0x8f: {  	[tilespmem:s1], [sflag:$0xB] =	stream.indirect.gather [hbm4b:s5+s22], $0x40, s20, s22, $0xb8;
	[tilespmem:$0x12400] =	vst v63  }
0x90: {  	_ =	swait.ge [sflag:s2], $0x2000  }
0x91: {  	[sflag:s2] =	ssyncset.done $0x0  }
0x92: {  	[sflag:s2] =	ssyncadd.s32 $0xFFFFE000  }
0x93: {  	p2 =	seq.s32 s15, $0x0;
	_ =	swait.ge [sflag:s7], $0x80  }
0x94: {  	p0 =	por p2, p2;
	p2 =	seq.s32 s6, $0x240;
	[sflag:s7] =	ssyncset.done $0x0  }
0x95: {  	s26 =	simm.s32 $0x8280;
	s18 =	simm.s32 @!p2 $0xD;
	[sflag:s7] =	ssyncadd.s32 $0xFFFFFF80  }
0x96: {  	[spmem:s3] =	stream.indirect.scatter.add.f32 [tilespmem:s21], [sflag:$0xE], $0x40, s26, s22, $0xb8;
	[tilespmem:$0x12400] =	vst v63  }
0x97: {  	s24 =	simm.s32 @!p2 $0x0;
	_ =	swait.ge @!p2 [sflag:s18], $0x2000  }
0x98: {  	s26 =	simm.s32 @!p2 $0x8000;
	[sflag:s18] =	ssyncset.done @!p2 $0x0;
	s20 =	rddreg [dreg:$0x4]  }
0x99: {  	[sflag:s18] =	ssyncadd.s32 @!p2 $0xFFFFE000;
	s18 =	rddreg [dreg:$0x5];
	s20 =	sadd.s32 @!p2 s6, s20  }
0x9a: {  	[tilespmem:s26], [sflag:$0x1] =	stream.linear.gather @!p2 [hbm4b:s20+s24], $0x80, $0x38;
	[tilespmem:$0x12400] =	vst v63  }
0x9b: {  	s23 =	simm.s32 @!p2 $0x8200;
	s18 =	sadd.s32 @!p2 s6, s18  }
0x9c: {  	[tilespmem:s23], [sflag:$0x5] =	stream.linear.gather @!p2 [hbm4b:s18+s24], $0x80, $0x38;
	[tilespmem:$0x12400] =	vst v63  }
0x9d: {  	_ =	swait.ge [sflag:s8], $0x80  }
0x9e: {  	[sflag:s8] =	ssyncset.done $0x0  }
0x9f: {  	[sflag:s8] =	ssyncadd.s32 $0xFFFFFF80  }
0xa0: {  	[tilespmem:s9], [sflag:$0xC] =	stream.indirect.gather [hbm4b:s5+s22], $0x40, s31, s22, $0xb8;
	[tilespmem:$0x12400] =	vst v63  }
0xa1: {  	_ =	swait.ge [sflag:s10], $0x2000  }
0xa2: {  	[sflag:s10] =	ssyncset.done $0x0  }
0xa3: {  	[sflag:s10] =	ssyncadd.s32 $0xFFFFE000  }
0xa4: {  	s16 =	smov.u32 s15;
	_ =	swait.ge [sflag:s11], $0x80  }
0xa5: {  	s19 =	sadd.s32 @!p2 s6, s13;
	s21 =	sadd.s32 @!p2 s6, s14;
	[sflag:s11] =	ssyncset.done $0x0  }
0xa6: {  	s6 =	smov.u32 s16;
	s16 =	simm.s32 @!p2 $0xE;
	[sflag:s11] =	ssyncadd.s32 $0xFFFFFF80  }
0xa7: {  	[spmem:s3] =	stream.indirect.scatter.add.f32 [tilespmem:s1], [sflag:$0xF], $0x40, s30, s22, $0xb8;
	[tilespmem:$0x12400] =	vst v63  }
0xa8: {  	_ =	swait.ge @!p2 [sflag:s16], $0x2000  }
0xa9: {  	[sflag:s16] =	ssyncset.done @!p2 $0x0  }
0xaa: {  	s19 =	sadd.s32 @!p2 $0x50, s19;
	s18 =	simm.s32 @!p2 $0x8080;
	[sflag:s16] =	ssyncadd.s32 @!p2 $0xFFFFE000  }
0xab: {  	[tilespmem:s18], [sflag:$0x2] =	stream.linear.gather @!p2 [hbm4b:s19+s24], $0x80, $0x38;
	[tilespmem:$0x12400] =	vst v63  }
0xac: {  	s21 =	sadd.s32 @!p2 $0x50, s21;
	s16 =	simm.s32 @!p2 $0x8280;
	s18 =	simm.s32 @!p2 $0x1  }
0xad: {  	[tilespmem:s16], [sflag:$0x6] =	stream.linear.gather @!p2 [hbm4b:s21+s24], $0x80, $0x38;
	[tilespmem:$0x12400] =	vst v63  }
0xae: {  	_ =	swait.ge @!p2 [sflag:s18], $0x80  }
0xaf: {  	s15 =	sadd.s32 $0x40, s15;
	[sflag:s18] =	ssyncset.done @!p2 $0x0  }
0xb0: {  	p1 =	sne.s32 s15, $0x280;
	s16 =	simm.s32 @!p2 $0x80;
	[sflag:s18] =	ssyncadd.s32 @!p2 $0xFFFFFF80  }
0xb1: {  	[tilespmem:s24], [sflag:$0x9] =	stream.indirect.gather @!p2 [hbm4b:s5+s16], $0x40, s26, s16, $0xb8;
	[tilespmem:$0x12400] =	vst v63  }
.Ltmp0:
0xb2: {  	_ =	swait.ge [sflag:s12], $0x2000;
	(pc) =	sbr.rel @p1 .LBB2_2-.Ltmp0, $4  }
0xb3: {  	[sflag:s12] =	ssyncset.done $0x0  }
0xb4: {  	[sflag:s12] =	ssyncadd.s32 $0xFFFFE000  }
0xb5: {  	_ =	swait.ge [sflag:s17], $0x80  }
0xb6: {  	s21 =	simm.s32 @!p0 $0xF;
	[sflag:s17] =	ssyncset.done $0x0  }
0xb7: {  	[sflag:s17] =	ssyncadd.s32 $0xFFFFFF80;
	s23 =	simm.s32 $0x8380  }
0xb8: {  	[spmem:s3] =	stream.indirect.scatter.add.f32 [tilespmem:s9], [sflag:$0x10], $0x40, s23, s22, $0xb8;
	[tilespmem:$0x12400] =	vst v63  }
0xb9: {  	_ =	swait.ge @!p0 [sflag:s21], $0x2000  }
0xba: {  	s18 =	simm.s32 $0x8100;
	s15 =	rddreg [dreg:$0x6];
	[sflag:s21] =	ssyncset.done @!p0 $0x0  }
0xbb: {  	s16 =	rddreg [dreg:$0x7];
	[sflag:s21] =	ssyncadd.s32 @!p0 $0xFFFFE000;
	s15 =	sadd.s32 s6, s15  }
0xbc: {  	[tilespmem:s18], [sflag:$0x3] =	stream.linear.gather [hbm4b:s15+s4], $0x80, $0x38;
	[tilespmem:$0x12400] =	vst v63  }
0xbd: {  	s20 =	simm.s32 $0x8300;
	s21 =	sadd.s32 s6, s16  }
0xbe: {  	[tilespmem:s20], [sflag:$0x7] =	stream.linear.gather [hbm4b:s21+s4], $0x80, $0x38;
	[tilespmem:$0x12400] =	vst v63  }
0xbf: {  	_ =	swait.ge [sflag:s25], $0x80  }
0xc0: {  	[sflag:s25] =	ssyncset.done $0x0  }
0xc1: {  	s24 =	simm.s32 $0x8080;
	s19 =	simm.s32 $0x2000;
	[sflag:s25] =	ssyncadd.s32 $0xFFFFFF80  }
0xc2: {  	[tilespmem:s19], [sflag:$0xA] =	stream.indirect.gather [hbm4b:s5+s22], $0x40, s24, s22, $0xb8;
	[tilespmem:$0x12400] =	vst v63  }
0xc3: {  	_ =	swait.ge [sflag:s28], $0x2000  }
0xc4: {  	[sflag:s28] =	ssyncset.done $0x0  }
0xc5: {  	[sflag:s28] =	ssyncadd.s32 $0xFFFFE000  }
0xc6: {  	_ =	swait.ge [sflag:s29], $0x80  }
0xc7: {  	[sflag:s29] =	ssyncset.done $0x0  }
0xc8: {  	s26 =	simm.s32 $0x8200;
	s15 =	simm.s32 @!p0 $0x10;
	[sflag:s29] =	ssyncadd.s32 $0xFFFFFF80  }
0xc9: {  	[spmem:s3] =	stream.indirect.scatter.add.f32 [tilespmem:s4], [sflag:$0xD], $0x40, s26, s22, $0xb8;
	[tilespmem:$0x12400] =	vst v63  }
0xca: {  	s21 =	sadd.s32 s6, s13;
	_ =	swait.ge @!p0 [sflag:s15], $0x2000  }
0xcb: {  	s24 =	sadd.s32 $0x30, s21;
	[sflag:s15] =	ssyncset.done @!p0 $0x0  }
0xcc: {  	s21 =	simm.s32 $0x8180;
	s26 =	sadd.s32 s6, s14;
	[sflag:s15] =	ssyncadd.s32 @!p0 $0xFFFFE000  }
0xcd: {  	[tilespmem:s21], [sflag:$0x4] =	stream.linear.gather [hbm4b:s24+s4], $0x80, $0x38;
	[tilespmem:$0x12400] =	vst v63  }
0xce: {  	s24 =	sadd.s32 $0x30, s26  }
0xcf: {  	[tilespmem:s23], [sflag:$0x8] =	stream.linear.gather [hbm4b:s24+s4], $0x80, $0x38;
	[tilespmem:$0x12400] =	vst v63  }
0xd0: {  	_ =	swait.ge [sflag:s0], $0x80  }
0xd1: {  	[sflag:s0] =	ssyncset.done $0x0  }
0xd2: {  	[sflag:s0] =	ssyncadd.s32 $0xFFFFFF80  }
0xd3: {  	[tilespmem:s1], [sflag:$0xB] =	stream.indirect.gather [hbm4b:s5+s22], $0x40, s18, s22, $0xb8;
	[tilespmem:$0x12400] =	vst v63  }
0xd4: {  	_ =	swait.ge [sflag:s2], $0x2000  }
0xd5: {  	[sflag:s2] =	ssyncset.done $0x0  }
0xd6: {  	[sflag:s2] =	ssyncadd.s32 $0xFFFFE000  }
0xd7: {  	_ =	swait.ge [sflag:s7], $0x80  }
0xd8: {  	p0 =	seq.s32 s6, $0x240;
	[sflag:s7] =	ssyncset.done $0x0  }
0xd9: {  	s26 =	simm.s32 $0x8280;
	s15 =	simm.s32 @!p0 $0xD;
	[sflag:s7] =	ssyncadd.s32 $0xFFFFFF80  }
0xda: {  	[spmem:s3] =	stream.indirect.scatter.add.f32 [tilespmem:s19], [sflag:$0xE], $0x40, s26, s22, $0xb8;
	[tilespmem:$0x12400] =	vst v63  }
0xdb: {  	s18 =	simm.s32 @!p0 $0x0;
	_ =	swait.ge @!p0 [sflag:s15], $0x2000  }
0xdc: {  	s19 =	simm.s32 @!p0 $0x8000;
	s16 =	rddreg [dreg:$0x4];
	[sflag:s15] =	ssyncset.done @!p0 $0x0  }
0xdd: {  	[sflag:s15] =	ssyncadd.s32 @!p0 $0xFFFFE000;
	s15 =	rddreg [dreg:$0x5];
	s16 =	sadd.s32 @!p0 s6, s16  }
0xde: {  	[tilespmem:s19], [sflag:$0x1] =	stream.linear.gather @!p0 [hbm4b:s16+s18], $0x80, $0x38;
	[tilespmem:$0x12400] =	vst v63  }
0xdf: {  	s16 =	simm.s32 @!p0 $0x8200;
	s15 =	sadd.s32 @!p0 s6, s15  }
0xe0: {  	[tilespmem:s16], [sflag:$0x5] =	stream.linear.gather @!p0 [hbm4b:s15+s18], $0x80, $0x38;
	[tilespmem:$0x12400] =	vst v63  }
0xe1: {  	_ =	swait.ge [sflag:s8], $0x80  }
0xe2: {  	[sflag:s8] =	ssyncset.done $0x0  }
0xe3: {  	[sflag:s8] =	ssyncadd.s32 $0xFFFFFF80  }
0xe4: {  	[tilespmem:s9], [sflag:$0xC] =	stream.indirect.gather [hbm4b:s5+s22], $0x40, s21, s22, $0xb8;
	[tilespmem:$0x12400] =	vst v63  }
0xe5: {  	_ =	swait.ge [sflag:s10], $0x2000  }
0xe6: {  	[sflag:s10] =	ssyncset.done $0x0  }
0xe7: {  	[sflag:s10] =	ssyncadd.s32 $0xFFFFE000  }
0xe8: {  	_ =	swait.ge [sflag:s11], $0x80  }
0xe9: {  	[sflag:s11] =	ssyncset.done $0x0  }
0xea: {  	s15 =	simm.s32 @!p0 $0xE;
	[sflag:s11] =	ssyncadd.s32 $0xFFFFFF80  }
0xeb: {  	[spmem:s3] =	stream.indirect.scatter.add.f32 [tilespmem:s1], [sflag:$0xF], $0x40, s20, s22, $0xb8;
	[tilespmem:$0x12400] =	vst v63  }
0xec: {  	_ =	swait.ge @!p0 [sflag:s15], $0x2000  }
0xed: {  	s16 =	sadd.s32 @!p0 s6, s13;
	s6 =	sadd.s32 @!p0 s6, s14;
	[sflag:s15] =	ssyncset.done @!p0 $0x0  }
0xee: {  	s16 =	sadd.s32 @!p0 $0x50, s16;
	[sflag:s15] =	ssyncadd.s32 @!p0 $0xFFFFE000;
	s15 =	simm.s32 @!p0 $0x8080  }
0xef: {  	[tilespmem:s15], [sflag:$0x2] =	stream.linear.gather @!p0 [hbm4b:s16+s18], $0x80, $0x38;
	[tilespmem:$0x12400] =	vst v63  }
0xf0: {  	s6 =	sadd.s32 @!p0 $0x50, s6;
	s15 =	simm.s32 @!p0 $0x8280  }
0xf1: {  	[tilespmem:s15], [sflag:$0x6] =	stream.linear.gather @!p0 [hbm4b:s6+s18], $0x80, $0x38;
	[tilespmem:$0x12400] =	vst v63  }
0xf2: {  	s6 =	simm.s32 @!p0 $0x1  }
0xf3: {  	_ =	swait.ge @!p0 [sflag:s6], $0x80  }
0xf4: {  	[sflag:s6] =	ssyncset.done @!p0 $0x0  }
0xf5: {  	[sflag:s6] =	ssyncadd.s32 @!p0 $0xFFFFFF80;
	s6 =	simm.s32 @!p0 $0x80  }
0xf6: {  	[tilespmem:s18], [sflag:$0x9] =	stream.indirect.gather @!p0 [hbm4b:s5+s6], $0x40, s19, s6, $0xb8;
	[tilespmem:$0x12400] =	vst v63  }
0xf7: {  	_ =	swait.ge [sflag:s12], $0x2000  }
0xf8: {  	[sflag:s12] =	ssyncset.done $0x0  }
0xf9: {  	[sflag:s12] =	ssyncadd.s32 $0xFFFFE000  }
0xfa: {  	_ =	swait.ge [sflag:s17], $0x80  }
0xfb: {  	[sflag:s17] =	ssyncset.done $0x0  }
0xfc: {  	s16 =	simm.s32 $0xD;
	[sflag:s17] =	ssyncadd.s32 $0xFFFFFF80  }
0xfd: {  	[spmem:s3] =	stream.indirect.scatter.add.f32 [tilespmem:s9], [sflag:$0x10], $0x40, s23, s22, $0xb8;
	[tilespmem:$0x12400] =	vst v63  }
0xfe: {  	_ =	swait.ge [sflag:s16], $0x2000  }
0xff: {  	[sflag:s16] =	ssyncset.done $0x0  }
0x100: {  	s18 =	simm.s32 $0xE;
	[sflag:s16] =	ssyncadd.s32 $0xFFFFE000  }
0x101: {  	_ =	swait.ge [sflag:s18], $0x2000  }
0x102: {  	[sflag:s18] =	ssyncset.done $0x0  }
0x103: {  	s19 =	simm.s32 $0xF;
	[sflag:s18] =	ssyncadd.s32 $0xFFFFE000  }
0x104: {  	_ =	swait.ge [sflag:s19], $0x2000  }
0x105: {  	[sflag:s19] =	ssyncset.done $0x0  }
0x106: {  	s20 =	simm.s32 $0x10;
	[sflag:s19] =	ssyncadd.s32 $0xFFFFE000  }
0x107: {  	_ =	swait.ge [sflag:s20], $0x2000  }
0x108: {  	[sflag:s20] =	ssyncset.done $0x0  }
0x109: {  	[sflag:s20] =	ssyncadd.s32 $0xFFFFE000  }
0x10a: {  	[bflag:$0x0] =	sbarrier.arrive $0xFFFF  }
0x10b: {  	s15 =	rddreg [dreg:$0x8]  }
0x10c: {  	s21 =	rddreg [dreg:$0xd]  }
0x10d: {  	s18 =	simm.s32 $0x11;
	s16 =	rddreg [dreg:$0xf]  }
0x10e: {  	[hbm:s21], [sflag:s15] =	dma.local [spmem:s16], $0x1400  }
0x10f: {  	_ =	swait.ge [sflag:s18], $0x1400  }
0x110: {  	s23 =	rddreg [dreg:$0x10]  }
0x111: {  	s26 =	rddreg [dreg:$0xe];
	s19 =	sadd.s32 $0x1, s23  }
0x112: {  	p0 =	sne.s32 s19, s26  }
.Ltmp1:
0x113: {  	_ = 	snop;
	(pc) =	sbr.rel @p0 .LBB2_1-.Ltmp1, $3  }
0x114: {  	_ =	sdelay $0x1  }
0x115: {  	[sflag:s18] =	ssyncset.done $0x0  }
0x116: {  	s24 =	simm.s32 $0x8380;
	[sflag:s18] =	ssyncadd.s32 $0xFFFFEC00  }
0x117: {  	_ =	sfence.sel $0x180000  }
0x118: {  	[bflag:$0x0] =	sbarrier.arrive $0xFFFF  }
0x119: {  	_ =	strace $0x9000004D  }
0x11a: {  	s0 =	stileid.u32;
	[bflag:$0x2] =	sbarrier.arrive $0xFFFF  }
0x11b: {  	p0 =	sne.s32 s0, $0x0;
	s0 =	rddreg [dreg:$0x3]  }
0x11c: {  	s0 =	sadd.s32 @!p0 $0x100000, s0  }
0x11d: {  	[sflag:s0] =	ssyncadd.tile.s32 @!p0 $0x1;
	_ =	shalt  }
.Lfunc_end2:
_tile_overlayer_lowered:
.L_overlay_start_2:
0x11e: {  	(tag) =	ssettag $0x2  }
0x11f: {  	s0 =	rddreg [dreg:$0x0];
	s2 =	stileid.u32  }
0x120: {  	s1 =	rddreg [dreg:$0x1];
	p0 =	sne.s32 s2, $0x0  }
0x121: {  	s3 =	rddreg [dreg:$0x2];
	[bflag:$0x3] =	sbarrier.arrive $0xFFFF;
	s2 =	simm.s32 @!p0 $0x1C11  }
0x122: {  	[timem:s3], [sflag:s2] =	dma.local @!p0 [hbm:s0], s1  }
0x123: {  	s0 =	simm.s32 @!p0 $0x11  }
0x124: {  	_ =	swait.ge @!p0 [sflag:s0], s1  }
0x125: {  	s1 =	ssub.s32 @!p0 $0x0, s1;
	[sflag:s0] =	ssyncset.done @!p0 $0x0  }
0x126: {  	[sflag:s0] =	ssyncadd.s32 @!p0 s1  }
0x127: {  	[bflag:$0x3] =	sbarrier.arrive $0xFFFF  }
0x128: {  	_ =	shalt  }

// kernel: kernel.9.cloned.1.call-start
scs
__scs_entry_jumppad:
0x0: {  	(pc) =	sbr.rel $0x88, $3  }
0x1: {  	(tag) =	ssettag $0x0;
	lr =	simm.s32 $0x1  }
0x2: {  	[smem:$0x3F9B] =	sst lr;
	_ =	strace $0xD0000000  }
0x3: {  	_ = 	snop  }
0x4: {  	_ = 	snop  }
0x5: {  	_ = 	snop  }
0x6: {  	_ = 	snop  }
0x7: {  	_ = 	snop  }
__scs_overlays_trampoline_lowered:
0x8: {  	[smem:$0x3FAA] =	sst s0  }
0x9: {  	[smem:$0x3FAB] =	sst s1  }
0xa: {  	[smem:$0x3FAC] =	sst s2  }
0xb: {  	[smem:$0x3FAD] =	sst s3  }
0xc: {  	[smem:$0x3FAE] =	sst s4  }
0xd: {  	[smem:$0x3FAF] =	sst s5  }
0xe: {  	[smem:$0x3FB0] =	sst s6  }
0xf: {  	[smem:$0x3FB1] =	sst s7  }
0x10: {  	[smem:$0x3FB2] =	sst s8  }
0x11: {  	[smem:$0x3FB3] =	sst s9;
	s0 =	simm.s32 @!p0 $0x0  }
0x12: {  	s1 =	sld [smem:$0x3F99];
	s0 =	simm.s32 @p0 $0x1  }
0x13: {  	[smem:$0x3FB4] =	sst s0;
	s0 =	simm.s32 @!p1 $0x0  }
0x14: {  	s2 =	sld [smem:$0x3F98];
	s0 =	simm.s32 @p1 $0x1  }
0x15: {  	[smem:$0x3FB5] =	sst s0;
	s0 =	simm.s32 @!p2 $0x0  }
0x16: {  	s3 =	sld [smem:$0x3FDB];
	s0 =	simm.s32 @p2 $0x1  }
0x17: {  	s4 =	simm.s32 $0x1BF5;
	[smem:$0x3FB7] =	sst s0  }
0x18: {  	s0 =	sld [smem:$0x3F9A];
	_ =	swait.ge [sflag:s4], $0x0  }
0x19: {  	s7 =	sld [smem:$0x3F9B]  }
0x1a: {  	s8 =	sadd.s32 $0xFFFFE003, lr  }
0x1b: {  	s9 =	sadd.s32 $0xFFFFFEF7, lr;
	s5 =	simm.s32 $0xFFFFFFFF;
	p2 =	slt.u32 s8, $0xFFFFF086  }
0x1c: {  	p1 =	slt.u32 s9, $0xF7A;
	s5 =	simm.s32 @!p2 $0x0  }
0x1d: {  	s5 =	simm.s32 @p1 $0x1;
	p0 =	seq.s32 s7, s2  }
0x1e: {  	s7 =	smul.u32 @!p0 $0xF7A, s2;
	p2 =	seq.s32 @!p0 s5, $0x0  }
0x1f: {  	s9 =	smul.u32 $0xF7A, s1;
	s8 =	simm.s32 @!p0 $0x1BF5;
	p2 =	por !p2, p0  }
0x20: {  	[sflag:s8] =	ssyncset.s32 @!p0 $0xFFFFF086;
	s6 =	sadd.s32 @!p0 s3, s7;
	s7 =	simm.s32 @!p0 $0x108  }
0x21: {  	s3 =	sadd.s32 s3, s9;
	s6 =	sadd.s32 @!p0 $0x88, s6;
	s7 =	simm.s32 @p2 $0x1082  }
0x22: {  	[simem:s7], [sflag:s8] =	dma.local @!p0 [hbm:s6], $0xF7A  }
0x23: {  	s9 =	sor.u32 $0xD0000000, s2;
	s6 =	simm.s32 $0x108;
	_ =	swait.ge @!p0 [sflag:s8], $0x0  }
0x24: {  	s3 =	sadd.s32 $0x88, s3;
	s6 =	simm.s32 @!p1 $0x1082;
	[sflag:s4] =	ssyncset.s32 $0xFFFFF086  }
0x25: {  	[simem:s6], [sflag:s4] =	dma.local [hbm:s3], $0xF7A  }
0x26: {  	[smem:$0x3F9B] =	sst s1;
	(tag) =	ssettag s2;
	_ =	strace s9  }
0x27: {  	s1 =	sld [smem:$0x3FAB]  }
0x28: {  	s2 =	sld [smem:$0x3FAC]  }
0x29: {  	s4 =	sld [smem:$0x3FAE]  }
0x2a: {  	p0 =	seq.s32 s5, $0x0;
	s5 =	sld [smem:$0x3FAF]  }
0x2b: {  	s6 =	sld [smem:$0x3FB0]  }
0x2c: {  	s7 =	sld [smem:$0x3FB1]  }
0x2d: {  	s3 =	simm.s32 $0x108;
	s8 =	sld [smem:$0x3FB2]  }
0x2e: {  	s3 =	simm.s32 @!p0 $0x1082;
	s9 =	sld [smem:$0x3FB3]  }
0x2f: {  	lr =	sadd.s32 s0, s3;
	s0 =	sld [smem:$0x3FAA]  }
0x30: {  	s3 =	sld [smem:$0x3FAD]  }
0x31: {  	[smem:$0x3FB6] =	sst s10  }
0x32: {  	s10 =	sld [smem:$0x3FB4];
	_ =	sdelay $0x3  }
0x33: {  	p0 =	seq.s32 s10, $0x1;
	s10 =	sld [smem:$0x3FB6];
	_ =	sdelay $0x3  }
0x34: {  	[smem:$0x3FB6] =	sst s10  }
0x35: {  	s10 =	sld [smem:$0x3FB5];
	_ =	sdelay $0x3  }
0x36: {  	p1 =	seq.s32 s10, $0x1;
	s10 =	sld [smem:$0x3FB6];
	_ =	sdelay $0x3  }
0x37: {  	[smem:$0x3FB6] =	sst s10  }
0x38: {  	s10 =	sld [smem:$0x3FB7]  }
0x39: {  	_ = 	snop;
	(pc) =	sbr.ind lr, $3  }
0x3a: {  	_ = 	snop  }
0x3b: {  	_ = 	snop  }
0x3c: {  	p2 =	seq.s32 s10, $0x1;
	s10 =	sld [smem:$0x3FB6]  }
0x3d: {  	_ =	shalt  }
0x3e: {  	_ =	shalt  }
0x3f: {  	_ =	shalt  }
0x40: {  	_ =	shalt  }
0x41: {  	_ =	shalt  }
0x42: {  	_ =	shalt  }
0x43: {  	_ =	shalt  }
0x44: {  	_ =	shalt  }
0x45: {  	_ =	shalt  }
0x46: {  	_ =	shalt  }
0x47: {  	_ =	shalt  }
0x48: {  	_ =	shalt  }
0x49: {  	_ =	shalt  }
0x4a: {  	_ =	shalt  }
0x4b: {  	_ =	shalt  }
0x4c: {  	_ =	shalt  }
0x4d: {  	_ =	shalt  }
0x4e: {  	_ =	shalt  }
0x4f: {  	_ =	shalt  }
0x50: {  	_ =	shalt  }
0x51: {  	_ =	shalt  }
0x52: {  	_ =	shalt  }
0x53: {  	_ =	shalt  }
0x54: {  	_ =	shalt  }
0x55: {  	_ =	shalt  }
0x56: {  	_ =	shalt  }
0x57: {  	_ =	shalt  }
0x58: {  	_ =	shalt  }
0x59: {  	_ =	shalt  }
0x5a: {  	_ =	shalt  }
0x5b: {  	_ =	shalt  }
0x5c: {  	_ =	shalt  }
0x5d: {  	_ =	shalt  }
0x5e: {  	_ =	shalt  }
0x5f: {  	_ =	shalt  }
0x60: {  	_ =	shalt  }
0x61: {  	_ =	shalt  }
0x62: {  	_ =	shalt  }
0x63: {  	_ =	shalt  }
0x64: {  	_ =	shalt  }
0x65: {  	_ =	shalt  }
0x66: {  	_ =	shalt  }
0x67: {  	_ =	shalt  }
0x68: {  	_ =	shalt  }
0x69: {  	_ =	shalt  }
0x6a: {  	_ =	shalt  }
0x6b: {  	_ =	shalt  }
0x6c: {  	_ =	shalt  }
0x6d: {  	_ =	shalt  }
0x6e: {  	_ =	shalt  }
0x6f: {  	_ =	shalt  }
0x70: {  	_ =	shalt  }
0x71: {  	_ =	shalt  }
0x72: {  	_ =	shalt  }
0x73: {  	_ =	shalt  }
0x74: {  	_ =	shalt  }
0x75: {  	_ =	shalt  }
0x76: {  	_ =	shalt  }
0x77: {  	_ =	shalt  }
0x78: {  	_ =	shalt  }
0x79: {  	_ =	shalt  }
0x7a: {  	_ =	shalt  }
0x7b: {  	_ =	shalt  }
0x7c: {  	_ =	shalt  }
0x7d: {  	_ =	shalt  }
0x7e: {  	_ =	shalt  }
0x7f: {  	_ =	shalt  }
0x80: {  	_ =	shalt  }
0x81: {  	_ =	shalt  }
0x82: {  	_ =	shalt  }
0x83: {  	_ =	shalt  }
0x84: {  	_ =	shalt  }
0x85: {  	_ =	shalt  }
0x86: {  	_ =	shalt  }
0x87: {  	_ =	shalt  }
.Lfunc_end0:
.L_simem_size_0:
called_computation_lowered:
.L_overlay_start_0:
0x88: {  	s2 =	sld [smem:$0x3FD9]  }
0x89: {  	s3 =	sld [smem:$0x3FFE];
	_ =	sdelay $0x1  }
0x8a: {  	s1 =	srdreg.scid  }
0x8b: {  	s0 =	sand.u32 $0x1, s1  }
0x8c: {  	s14 =	sshll.u32 s0, $0xA;
	s2 =	sadd.s32 s3, s2  }
0x8d: {  	s2 =	sadd.s32 s2, s14  }
0x8e: {  	[smem:$0x3FC2] =	sst s2  }
0x8f: {  	_ = 	snop  }
0x90: {  	s2 =	sld [smem:$0x3FD0];
	_ =	sdelay $0x2  }
0x91: {  	s15 =	simm.s32 $0xA;
	s4 =	simm.s32 $0x10  }
0x92: {  	[smem:s4], [sflag:s15] =	dma.local [hbm:s2], $0x1  }
0x93: {  	_ =	swait.eq [sflag:s15], $0x1  }
0x94: {  	[sflag:s15] =	ssyncset.done $0x0  }
0x95: {  	[sflag:s15] =	ssyncadd.s32 $0xFFFFFFFF  }
0x96: {  	s16 =	sld [smem:$0x11];
	(tm) =	ssettm $0x1  }
0x97: {  	s17 =	sld [smem:$0x3FFB];
	_ =	sdelay $0x3  }
0x98: {  	_ =	strace s17  }
0x99: {  	s3 =	sld [smem:$0x3FFC];
	_ =	sdelay $0x3  }
0x9a: {  	_ =	strace s3  }
0x9b: {  	s3 =	sld [smem:$0x3FFD];
	_ =	sdelay $0x3  }
0x9c: {  	_ =	strace s3  }
0x9d: {  	_ =	strace $0x8FFFFFFF  }
0x9e: {  	s18 =	sld [smem:$0x3FDB];
	_ =	sdelay $0x1  }
0x9f: {  	s19 =	simm.s32 $_scs_section_size  }
0xa0: {  	s5 =	simm.s32 $_size__tile_overlayer_lowered;
	s6 =	simm.s32 $_tile_overlayer_lowered  }
0xa1: {  	s22 =	simm.s32 $0x1BFF;
	s21 =	sshll.u32 s6, $0x1;
	s3 =	sadd.s32 s19, s18  }
0xa2: {  	s7 =	simm.s32 $0x0;
	s20 =	sshll.u32 s5, $0x1;
	s5 =	sadd.s32 s21, s3  }
0xa3: {  	[timem:s7], [sflag:s22] =	dma.local [hbm:s5], s20  }
0xa4: {  	_ =	swait.ge [sflag:s22], s20  }
0xa5: {  	s4 =	ssub.s32 $0x0, s20;
	[sflag:s22] =	ssyncset.done $0x0  }
0xa6: {  	[sflag:s22] =	ssyncadd.s32 s4;
	_ =	sdelay $0x1  }
0xa7: {  	s23 =	simm.s32 $0x1B8B  }
0xa8: {  	_ =	swait.ge [sflag:s23], $0x1  }
0xa9: {  	[sflag:s23] =	ssyncset.done $0x0  }
0xaa: {  	s25 =	simm.s32 $0x1B8E;
	s24 =	sld [smem:$0x3FFE];
	[sflag:s23] =	ssyncadd.s32 $0xFFFFFFFF  }
0xab: {  	s26 =	simm.s32 $execute0_lowered;
	[smem:$0x3FD2] =	sst s25  }
0xac: {  	s5 =	sshll.u32 s26, $0x1;
	_ =	strace $0x80000046;
	[dreg:$0x1] =	wrdreg $0xFFFFFFFF  }
0xad: {  	s28 =	simm.s32 $_size_execute0_lowered;
	s3 =	sadd.s32 s3, s5;
	[dreg:$0x0] =	wrdreg $0x0  }
0xae: {  	s5 =	sshll.u32 s28, $0x1;
	[dreg:$0x2] =	wrdreg s3  }
0xaf: {  	[dreg:$0x3] =	wrdreg s5  }
0xb0: {  	[dreg:$0x4] =	wrdreg $0xC0  }
0xb1: {  	_ =	task [dreg:s7], $0x5FFFF  }
0xb2: {  	[dreg:$0x1] =	wrdreg $0xFFFFFFFF  }
0xb3: {  	[dreg:$0x0] =	wrdreg $0x60  }
0xb4: {  	[dreg:$0x2] =	wrdreg s16  }
0xb5: {  	[dreg:$0x3] =	wrdreg s24  }
0xb6: {  	[dreg:$0x4] =	wrdreg $0x9  }
0xb7: {  	_ =	task.clear_ibuf [dreg:s7], $0x5FFFF;
	_ =	strace $0x90000046  }
0xb8: {  	s29 =	simm.s32 $0x9;
	_ =	strace $0x80000048  }
0xb9: {  	_ =	swait.ge [sflag:s29], $0x1  }
0xba: {  	[sflag:s29] =	ssyncadd.s32 $0xFFFFFFFF  }
0xbb: {  	_ =	strace $0x90000048  }
0xbc: {  	_ =	sfence  }
0xbd: {  	s30 =	sld [smem:$0x0];
	_ =	sdelay $0x2  }
0xbe: {  	s31 =	sshll.u32 s1, $0xD;
	s1 =	sshrl.u32 s1, $0x2  }
0xbf: {  	s3 =	sand.u32 $0x4000, s31;
	s1 =	sadd.s32 s1, s30  }
0xc0: {  	s0 =	sor.u32 s3, s0;
	s1 =	sshll.u32 s1, $0x11  }
0xc1: {  	s0 =	sor.u32 s1, s0  }
0xc2: {  	s0 =	sadd.s32 $0x8F2B, s0  }
0xc3: {  	[sflag:s0] =	ssyncadd.remote.s32 $0x1  }
0xc4: {  	_ =	sfence.sel $0xFFFF  }
0xc5: {  	[dreg:$0x0] =	wrdreg $0xFFFFFFFF;
	(pc) =	sbr.abs _section_cstart, $3  }
0xc6: {  	[dreg:$0x1] =	wrdreg $0xFFFFFFFF  }
0xc7: {  	_ =	task.clear_ibuf [dreg:s7], $0x2FFFF;
	_ =	strace $0x9FFFFFFF  }
0xc8: {  	(tm) =	ssettm $0x7FFFFFFF  }
0xc9: {  	_ =	shalt  }
tec
execute0_lowered:
.L_overlay_start_1:
0x0: {  	(tag) =	ssettag $0x1  }
0x1: {  	s4 =	rddreg [dreg:$0x0];
	s1 =	srdreg.scid  }
0x2: {  	s0 =	stileid.u32;
	s5 =	rddreg [dreg:$0x1]  }
0x3: {  	s9 =	simm.s32 $0x80;
	s10 =	simm.s32 $0x400;
	s11 =	simm.s32 $0x0  }
0x4: {  	s3 =	sand.u32 $0x1, s1;
	s2 =	sshll.u32 s0, $0x1;
	s1 =	rddreg [dreg:$0x2]  }
0x5: {  	s7 =	sshrl.u32 s0, $0x2;
	s6 =	sor.u32 s3, s2;
	s2 =	simm.s32 $0x0  }
0x6: {  	s7 =	smul.u32 $0x14000, s7;
	s30 =	ssub.s32 $0x2, s3;
	s8 =	sshll.u32 s6, $0x7  }
0x7: {  	s3 =	sadd.s32 $0xC400, s5;
	s6 =	smul.u32 $0x500, s6;
	s8 =	sand.u32 $0x380, s8  }
0x8: {  	[smem:$0x7FF] =	sst s2;
	s31 =	sshrl.u32 s30, $0x1;
	s7 =	sor.u32 s7, s8  }
0x9: {  	_ =	strace $0x80000047;
	s4 =	sadd.s32 s4, s6;
	s7 =	sshrl.u32 s7, $0x3  }
0xa: {  	s8 =	simm.s32 $0x2800;
	s5 =	sadd.s32 s7, s5;
	s7 =	ssub.s32 s30, s31  }
0xb: {  	v0 =	vimm.f32 $1.000000000e+00;
	s5 =	sadd.s32 $0xCA00, s5;
	s6 =	smax.u32 s7, $0x1;
	s7 =	simm.s32 $0x1  }
.LBB2_1:
0xc: {  	[tilespmem:s2], [sflag:$0x1] =	stream.linear.gather [hbm4b:s3+s2], $0x2800, $0x38;
	[tilespmem:$0x5000] =	vst v63  }
0xd: {  	_ =	swait.ge [sflag:s7], $0x2800  }
0xe: {  	[sflag:s7] =	ssyncset.done $0x0  }
0xf: {  	[sflag:s7] =	ssyncadd.s32 $0xFFFFD800  }
0x10: {  	[tilespmem:s8], [sflag:$0x1] =	stream.linear.gather [hbm4b:s4+s2], $0x2800, $0x38;
	[tilespmem:$0x5000] =	vst v63  }
0x11: {  	s12 =	sand.u32 $0xFE00, s2;
	_ =	swait.ge [sflag:s7], $0x2800  }
0x12: {  	s13 =	sand.u32 $0x30, s2;
	s12 =	sshrl.u32 s12, $0x2;
	[sflag:s7] =	ssyncset.done $0x0  }
0x13: {  	s12 =	sor.u32 s13, s12;
	[sflag:s7] =	ssyncadd.s32 $0xFFFFD800  }
0x14: {  	v1 =	vld [tilespmem:s12+$0x2800];
	_ =	sdelay $0x4  }
0x15: {  	s14 =	simm.s32 $0x80  }
0x16: {  	s14 =	sand.u32 $0xFE00, s14;
	s13 =	simm.s32 $0x100;
	s12 =	simm.s32 $0x10  }
.LBB2_2:
0x17: {  	p0 =	sne.s32 s13, $0x9F80;
	s15 =	sand.u32 $0x30, s12;
	s14 =	sshrl.u32 s14, $0x2  }
0x18: {  	s14 =	sor.u32 s15, s14;
	[tilespmem:v1+s2+$0x0] =	vst.idx.add.f32.msk $0xffff, v0  }
0x19: {  	v1 =	vld [tilespmem:s14+$0x2800];
	_ =	sdelay $0x1  }
.Ltmp0:
0x1a: {  	(pc) =	sbr.rel @p0 .LBB2_2-.Ltmp0, $2  }
0x1b: {  	_ =	sdelay $0x2  }
0x1c: {  	s12 =	sadd.s32 $0x10, s12;
	s14 =	sand.u32 $0xFE00, s13;
	s13 =	sadd.s32 $0x80, s13  }
0x1d: {  	_ =	sdelay $0x2  }
0x1e: {  	s12 =	sand.u32 $0x30, s12;
	s13 =	sshrl.u32 s14, $0x2  }
0x1f: {  	[tilespmem:v1+s2+$0x0] =	vst.idx.add.f32.msk $0xffff, v0;
	s12 =	sor.u32 s12, s13  }
0x20: {  	v1 =	vld [tilespmem:s12+$0x2800];
	_ =	sdelay $0x5  }
0x21: {  	s11 =	sadd.s32 $0x1, s11  }
0x22: {  	p0 =	sne.s32 s11, s6  }
.Ltmp1:
0x23: {  	[tilespmem:v1+s2+$0x0] =	vst.idx.add.f32.msk $0xffff, v0;
	(pc) =	sbr.rel @p0 .LBB2_1-.Ltmp1, $4  }
0x24: {  	[hbm4b:s5+s9] =	stream.strided.scatter [tilespmem:s2], [sflag:$0x1], $0x2800, s10, s9, $0x38;
	[tilespmem:$0x5000] =	vst v63  }
0x25: {  	_ =	swait.ge [sflag:s7], $0x2800  }
0x26: {  	[sflag:s7] =	ssyncset.done $0x0  }
0x27: {  	[sflag:s7] =	ssyncadd.s32 $0xFFFFD800  }
0x28: {  	_ =	sfence.sel $0x180000  }
0x29: {  	[bflag:$0x0] =	sbarrier.arrive $0xFFFF  }
0x2a: {  	p0 =	sne.s32 s0, $0x0;
	_ =	strace $0x90000047  }
0x2b: {  	s0 =	sadd.s32 @!p0 $0x100000, s1;
	[bflag:$0x2] =	sbarrier.arrive $0xFFFF  }
0x2c: {  	[sflag:s0] =	ssyncadd.tile.s32 @!p0 $0x1;
	_ =	shalt  }
.Lfunc_end2:
_tile_overlayer_lowered:
.L_overlay_start_2:
0x2d: {  	(tag) =	ssettag $0x2  }
0x2e: {  	s0 =	rddreg [dreg:$0x0];
	s2 =	stileid.u32  }
0x2f: {  	s1 =	rddreg [dreg:$0x1];
	p0 =	sne.s32 s2, $0x0  }
0x30: {  	s3 =	rddreg [dreg:$0x2];
	[bflag:$0x3] =	sbarrier.arrive $0xFFFF;
	s2 =	simm.s32 @!p0 $0x1C01  }
0x31: {  	[timem:s3], [sflag:s2] =	dma.local @!p0 [hbm:s0], s1  }
0x32: {  	s0 =	simm.s32 @!p0 $0x1  }
0x33: {  	_ =	swait.ge @!p0 [sflag:s0], s1  }
0x34: {  	s1 =	ssub.s32 @!p0 $0x0, s1;
	[sflag:s0] =	ssyncset.done @!p0 $0x0  }
0x35: {  	[sflag:s0] =	ssyncadd.s32 @!p0 s1  }
0x36: {  	[bflag:$0x3] =	sbarrier.arrive $0xFFFF  }
0x37: {  	_ =	shalt  }

</sc_bundles>
